<compile_context>
chip_gen: v7x
topology: tpu7x:2x2x1
jax: 0.10.2.dev20260603
libtpu: 0.0.44.dev20260713+nightly
codegen_flags: <defaults>
</compile_context>

<pallas_src>
import functools

import jax
import jax.numpy as jnp
from jax import lax
from jax.experimental import pallas as pl
from jax.experimental.pallas import tpu as pltpu
from jax.experimental.pallas import tpu_sc as plsc

_NC = 2
_NS = 16
_NW = _NC * _NS

_L = 16
_ROW = 128
_CR = 10
_CHUNK = _CR * _ROW

_RSQRT_MAGIC = 0x5F3759DF
_RNE_MAGIC = 12582912.0


def _sc_body(nchunks, trips, s_hbm, r_hbm, tab_hbm, box_hbm,
             out_x, out_y, out_z, out_r,
             sidx0, ridx0, a0, b0, sidx1, ridx1, a1, b1,
             px0, py0, pz0, rr0, px1, py1, pz1, rr1,
             box_v, spm, sem0, sem1, semo0, semo1, semi0, semi1):
    wid = lax.axis_index("s") * _NC + lax.axis_index("c")
    sidx = (sidx0, sidx1)
    ridx = (ridx0, ridx1)
    a = (a0, a1)
    b = (b0, b1)
    outs = ((px0, py0, pz0, rr0), (px1, py1, pz1, rr1))
    sem = (sem0, sem1)
    semo = (semo0, semo1)
    semi = (semi0, semi1)

    @pl.when(lax.axis_index("s") == 0)
    def _():
        pltpu.sync_copy(tab_hbm, spm)

    plsc.subcore_barrier()

    pltpu.sync_copy(box_hbm, box_v)
    bx = box_v[0, :]
    by = box_v[1, :]
    bz = box_v[2, :]
    ibx = box_v[3, :]
    iby = box_v[4, :]
    ibz = box_v[5, :]

    iota = lax.iota(jnp.int32, _L)
    k0 = jnp.zeros((_L,), jnp.int32)
    k1 = jnp.full((_L,), 1, jnp.int32)
    k2 = jnp.full((_L,), 2, jnp.int32)
    mrne = jnp.full((_L,), _RNE_MAGIC, jnp.float32)
    half = jnp.full((_L,), 0.5, jnp.float32)
    c15 = jnp.full((_L,), 1.5, jnp.float32)
    magic = jnp.full((_L,), _RSQRT_MAGIC, jnp.int32)

    def idx_load(c, h):
        row0 = _CR * c
        pltpu.async_copy(s_hbm.at[pl.ds(row0, _CR)], sidx[h], semi[h])
        pltpu.async_copy(r_hbm.at[pl.ds(row0, _CR)], ridx[h], semi[h])

    def fire_gathers(c, g):
        row0 = _CR * c
        pltpu.make_async_copy(s_hbm.at[pl.ds(row0, _CR)], sidx[g],
                              semi[g]).wait()
        pltpu.make_async_copy(r_hbm.at[pl.ds(row0, _CR)], ridx[g],
                              semi[g]).wait()
        for j in range(_CR):
            pltpu.async_copy(spm.at[sidx[g].at[j]],
                             a[g].at[pl.ds(j * _ROW, _ROW)], sem[g])
            pltpu.async_copy(spm.at[ridx[g].at[j]],
                             b[g].at[pl.ds(j * _ROW, _ROW)], sem[g])

    def drain(g):
        for j in range(_CR):
            pltpu.make_async_copy(spm.at[sidx[g].at[j]],
                                  a[g].at[pl.ds(j * _ROW, _ROW)], sem[g]).wait()
            pltpu.make_async_copy(spm.at[ridx[g].at[j]],
                                  b[g].at[pl.ds(j * _ROW, _ROW)], sem[g]).wait()

    @pl.when(wid < nchunks)
    def _():
        idx_load(wid, 0)
        fire_gathers(wid, 0)

    @pl.when(wid + _NW < nchunks)
    def _():
        idx_load(wid + _NW, 1)

    def drain_outs(g, base):
        hbms = (out_x, out_y, out_z, out_r)
        for k in range(4):
            pltpu.make_async_copy(outs[g][k],
                                  hbms[k].at[pl.ds(base, _CHUNK)],
                                  semo[g]).wait()

    def process(t, c, g, a_v, b_v):
        @pl.when(c < nchunks)
        def _():
            @pl.when(t >= 2)
            def _():
                drain_outs(g, 0)

            drain(g)
            px_v, py_v, pz_v, rr_v = outs[g]

            def step(i, carry2):
                e16 = i * _L + iota
                ax = plsc.load_gather(a_v, [e16, k0])
                ay = plsc.load_gather(a_v, [e16, k1])
                az = plsc.load_gather(a_v, [e16, k2])
                qx = plsc.load_gather(b_v, [e16, k0])
                qy = plsc.load_gather(b_v, [e16, k1])
                qz = plsc.load_gather(b_v, [e16, k2])
                dx = qx - ax
                dy = qy - ay
                dz = qz - az
                nx = (dx * ibx + mrne) - mrne
                ny = (dy * iby + mrne) - mrne
                nz = (dz * ibz + mrne) - mrne
                dx = dx - nx * bx
                dy = dy - ny * by
                dz = dz - nz * bz
                s = dx * dx + dy * dy + dz * dz
                yi = magic - lax.shift_right_logical(plsc.bitcast(s, jnp.int32), 1)
                y = plsc.bitcast(yi, jnp.float32)
                hs = s * half
                y = y * (c15 - hs * y * y)
                y = y * (c15 - hs * y * y)
                rr = s * y
                sl = pl.ds(i * _L, _L)
                px_v[sl] = dx
                py_v[sl] = dy
                pz_v[sl] = dz
                rr_v[sl] = rr
                return carry2

            lax.fori_loop(0, _CHUNK // _L, step, 0, unroll=2)

            base = c * _CHUNK
            pltpu.async_copy(px_v, out_x.at[pl.ds(base, _CHUNK)], semo[g])
            pltpu.async_copy(py_v, out_y.at[pl.ds(base, _CHUNK)], semo[g])
            pltpu.async_copy(pz_v, out_z.at[pl.ds(base, _CHUNK)], semo[g])
            pltpu.async_copy(rr_v, out_r.at[pl.ds(base, _CHUNK)], semo[g])

    def pair_body(u, carry):
        for g in (0, 1):
            t = 2 * u + g
            c = wid + _NW * t
            cn = c + _NW
            cnn = cn + _NW

            @pl.when(cn < nchunks)
            def _():
                fire_gathers(cn, 1 - g)

            process(t, c, g, a[g], b[g])

            @pl.when(cnn < nchunks)
            def _():
                idx_load(cnn, g)
        return carry

    lax.fori_loop(0, (trips + 1) // 2, pair_body, 0)

    np_w = (nchunks - wid + _NW - 1) // _NW

    for back in (1, 2):
        @pl.when(np_w >= back)
        def _(back=back):
            par = lax.rem(np_w - back, 2)

            @pl.when(par == 0)
            def _():
                drain_outs(0, 0)

            @pl.when(par == 1)
            def _():
                drain_outs(1, 0)


def kernel(coords, boxsize, senders, receivers):
    n_edges = senders.shape[0]
    assert n_edges % _CHUNK == 0
    nchunks = n_edges // _CHUNK
    trips = (nchunks + _NW - 1) // _NW

    s32 = senders.astype(jnp.int32).reshape(n_edges // _ROW, _ROW)
    r32 = receivers.astype(jnp.int32).reshape(n_edges // _ROW, _ROW)
    tab = jnp.pad(coords.astype(jnp.float32), ((0, 0), (0, 5)))
    box3 = boxsize.astype(jnp.float32).reshape(3)
    rows = [box3[0], box3[1], box3[2], 1.0 / box3[0], 1.0 / box3[1],
            1.0 / box3[2], jnp.float32(0.0), jnp.float32(0.0)]
    box_tab = jnp.stack([jnp.full((_L,), v, jnp.float32) for v in rows])

    mesh = plsc.VectorSubcoreMesh(core_axis_name="c", subcore_axis_name="s")
    f = functools.partial(
        pl.kernel,
        mesh=mesh,
        compiler_params=pltpu.CompilerParams(
            needs_layout_passes=False, use_tc_tiling_on_sc=False),
        out_type=[
            jax.ShapeDtypeStruct((n_edges,), jnp.float32),
            jax.ShapeDtypeStruct((n_edges,), jnp.float32),
            jax.ShapeDtypeStruct((n_edges,), jnp.float32),
            jax.ShapeDtypeStruct((n_edges,), jnp.float32),
        ],
        scratch_types=[
            pltpu.VMEM((_CR, _ROW), jnp.int32),
            pltpu.VMEM((_CR, _ROW), jnp.int32),
            pltpu.VMEM((_CHUNK, 8), jnp.float32),
            pltpu.VMEM((_CHUNK, 8), jnp.float32),
            pltpu.VMEM((_CR, _ROW), jnp.int32),
            pltpu.VMEM((_CR, _ROW), jnp.int32),
            pltpu.VMEM((_CHUNK, 8), jnp.float32),
            pltpu.VMEM((_CHUNK, 8), jnp.float32),
            pltpu.VMEM((_CHUNK,), jnp.float32),
            pltpu.VMEM((_CHUNK,), jnp.float32),
            pltpu.VMEM((_CHUNK,), jnp.float32),
            pltpu.VMEM((_CHUNK,), jnp.float32),
            pltpu.VMEM((_CHUNK,), jnp.float32),
            pltpu.VMEM((_CHUNK,), jnp.float32),
            pltpu.VMEM((_CHUNK,), jnp.float32),
            pltpu.VMEM((_CHUNK,), jnp.float32),
            pltpu.VMEM((8, _L), jnp.float32),
            pltpu.VMEM_SHARED((coords.shape[0], 8), jnp.float32),
            pltpu.SemaphoreType.DMA,
            pltpu.SemaphoreType.DMA,
            pltpu.SemaphoreType.DMA,
            pltpu.SemaphoreType.DMA,
            pltpu.SemaphoreType.DMA,
            pltpu.SemaphoreType.DMA,
        ],
    )(functools.partial(_sc_body, nchunks, trips))
    px, py, pz, rr = f(s32, r32, tab, box_tab)
    rx = jnp.stack([px, py, pz], axis=1)
    return (rr.reshape(n_edges, 1), rx)

# --- scband reference (transcript-rebuilt; emitter-appended) ---
"""Pipeline reference for scband-force-module-10677288698563 (READ-ONLY COPY).

The authoritative reference and input builder live on the scoring server;
editing this copy changes nothing except your own understanding.
"""

import jax, jax.numpy as jnp
import numpy as np

N_NODES = 100000
N_EDGES = 6400000

def setup_inputs(seed: int = 0) -> dict:
    key = jax.random.key(seed)
    k1, k2, k3 = jax.random.split(key, 3)
    coords = jax.random.normal(k1, (N_NODES, 3), dtype=jnp.float32)
    boxsize = jnp.ones((1, 3), dtype=jnp.float32)
    senders = jax.random.randint(k2, (N_EDGES,), 0, N_NODES, dtype=jnp.int64)
    receivers = jax.random.randint(k3, (N_EDGES,), 0, N_NODES, dtype=jnp.int64)
    return {"coords": coords, "boxsize": boxsize, "senders": senders, "receivers": receivers}

def _to_fractional(x, boxsize):
    return x / boxsize

def _from_fractional(x, boxsize):
    return x * boxsize

def reference(coords, boxsize, senders, receivers):
    # min_image: gather endpoint coords per edge, apply minimum image convention under PBC
    coords_a = jnp.take(coords, senders, axis=0)
    coords_b = jnp.take(coords, receivers, axis=0)
    Rx1 = coords_b - coords_a
    Rx1 = Rx1 - _from_fractional(jnp.round(_to_fractional(Rx1, boxsize)), boxsize)
    R1 = jnp.linalg.norm(Rx1, axis=-1, keepdims=True)
    return (R1, Rx1)

if __name__ == "__main__":
    import jax
    _d = setup_inputs()
    print(jax.jit(kernel)(*tuple(_d.values())))

</pallas_src>

<mosaic_0001>
#map = affine_map<(d0, d1) -> (0, 0)>
#map1 = affine_map<(d0, d1) -> (0)>
module attributes {stable_mosaic.version = 14 : i64} {
  func.func @_sc_body(%arg0: i32, %arg1: i32, %arg2: memref<50000x128xi32, #tpu.memory_space<hbm>>, %arg3: memref<50000x128xi32, #tpu.memory_space<hbm>>, %arg4: memref<100000x8xf32, #tpu.memory_space<hbm>>, %arg5: memref<8x16xf32, #tpu.memory_space<hbm>>, %arg6: memref<6400000xf32, #tpu.memory_space<hbm>>, %arg7: memref<6400000xf32, #tpu.memory_space<hbm>>, %arg8: memref<6400000xf32, #tpu.memory_space<hbm>>, %arg9: memref<6400000xf32, #tpu.memory_space<hbm>>, %arg10: memref<10x128xi32, #tpu.memory_space<vmem>>, %arg11: memref<10x128xi32, #tpu.memory_space<vmem>>, %arg12: memref<1280x8xf32, #tpu.memory_space<vmem>>, %arg13: memref<1280x8xf32, #tpu.memory_space<vmem>>, %arg14: memref<10x128xi32, #tpu.memory_space<vmem>>, %arg15: memref<10x128xi32, #tpu.memory_space<vmem>>, %arg16: memref<1280x8xf32, #tpu.memory_space<vmem>>, %arg17: memref<1280x8xf32, #tpu.memory_space<vmem>>, %arg18: memref<1280xf32, #tpu.memory_space<vmem>>, %arg19: memref<1280xf32, #tpu.memory_space<vmem>>, %arg20: memref<1280xf32, #tpu.memory_space<vmem>>, %arg21: memref<1280xf32, #tpu.memory_space<vmem>>, %arg22: memref<1280xf32, #tpu.memory_space<vmem>>, %arg23: memref<1280xf32, #tpu.memory_space<vmem>>, %arg24: memref<1280xf32, #tpu.memory_space<vmem>>, %arg25: memref<1280xf32, #tpu.memory_space<vmem>>, %arg26: memref<8x16xf32, #tpu.memory_space<vmem>>, %arg27: memref<100000x8xf32, #tpu.memory_space<vmem_shared>>, %arg28: memref<!tpu.dma_semaphore, #tpu.memory_space<semaphore_mem>>, %arg29: memref<!tpu.dma_semaphore, #tpu.memory_space<semaphore_mem>>, %arg30: memref<!tpu.dma_semaphore, #tpu.memory_space<semaphore_mem>>, %arg31: memref<!tpu.dma_semaphore, #tpu.memory_space<semaphore_mem>>, %arg32: memref<!tpu.dma_semaphore, #tpu.memory_space<semaphore_mem>>, %arg33: memref<!tpu.dma_semaphore, #tpu.memory_space<semaphore_mem>>) attributes {dimension_semantics = [#tpu.dimension_semantics<core_parallel>, #tpu.dimension_semantics<subcore_parallel>], iteration_bounds = array<i64: 2, 16>, scalar_prefetch = 0 : i64, scratch_operands = 24 : i64, tpu.core_type = #tpu.core_type<sc_vector_subcore>, window_params = [{transform_indices = #map}, {transform_indices = #map}, {transform_indices = #map}, {transform_indices = #map}, {transform_indices = #map1}, {transform_indices = #map1}, {transform_indices = #map1}, {transform_indices = #map1}]} {
    %mul3A = arith.constant 2 : i32
    %mul3A_0 = arith.muli %arg1, %mul3A : i32
    %add3A = arith.addi %mul3A_0, %arg0 : i32
    %eq3A = arith.constant 0 : i32
    %eq3A_1 = arith.cmpi eq, %arg1, %eq3A : i32
    %convert_element_type3A = arith.extui %eq3A_1 : i1 to i32
    %cond3A = arith.constant 0 : i32
    %cond3A_2 = arith.cmpi ne, %convert_element_type3A, %cond3A : i32
    scf.if %cond3A_2 {
      "tpu.region"() ({
        %run_scoped3A = tpu.sem_alloc : memref<!tpu.dma_semaphore, #tpu.memory_space<semaphore_mem>>
        tpu.enqueue_dma source(%arg4 : memref<100000x8xf32, #tpu.memory_space<hbm>>) target(%arg27 : memref<100000x8xf32, #tpu.memory_space<vmem_shared>>) target_semaphore(%run_scoped3A : memref<!tpu.dma_semaphore, #tpu.memory_space<semaphore_mem>>)
        tpu.wait_dma2 semaphore(%run_scoped3A : memref<!tpu.dma_semaphore, #tpu.memory_space<semaphore_mem>>) src(%arg4 : memref<100000x8xf32, #tpu.memory_space<hbm>>) dst(%arg27 : memref<100000x8xf32, #tpu.memory_space<vmem_shared>>)
        tpu.yield
      }) : () -> ()
    } else {
    }
    %barrier3A = arith.constant 0 : index
    tpu.barrier barrier_id(%barrier3A)
    "tpu.region"() ({
      %run_scoped3A = tpu.sem_alloc : memref<!tpu.dma_semaphore, #tpu.memory_space<semaphore_mem>>
      tpu.enqueue_dma source(%arg5 : memref<8x16xf32, #tpu.memory_space<hbm>>) target(%arg26 : memref<8x16xf32, #tpu.memory_space<vmem>>) target_semaphore(%run_scoped3A : memref<!tpu.dma_semaphore, #tpu.memory_space<semaphore_mem>>)
      tpu.wait_dma2 semaphore(%run_scoped3A : memref<!tpu.dma_semaphore, #tpu.memory_space<semaphore_mem>>) src(%arg5 : memref<8x16xf32, #tpu.memory_space<hbm>>) dst(%arg26 : memref<8x16xf32, #tpu.memory_space<vmem>>)
      tpu.yield
    }) : () -> ()
    %get3A = arith.constant 0 : i32
    %get3A_3 = arith.index_cast %get3A : i32 to index
    %get3A_4 = arith.constant 0 : index
    %get3A_5 = tpu.vector_load %arg26[%get3A_3, %get3A_4] {strides = array<i32>} : memref<8x16xf32, #tpu.memory_space<vmem>>, vector<16xf32>,
    %get3A_6 = arith.constant 1 : i32
    %get3A_7 = arith.index_cast %get3A_6 : i32 to index
    %get3A_8 = arith.constant 0 : index
    %get3A_9 = tpu.vector_load %arg26[%get3A_7, %get3A_8] {strides = array<i32>} : memref<8x16xf32, #tpu.memory_space<vmem>>, vector<16xf32>,
    %get3A_10 = arith.constant 2 : i32
    %get3A_11 = arith.index_cast %get3A_10 : i32 to index
    %get3A_12 = arith.constant 0 : index
    %get3A_13 = tpu.vector_load %arg26[%get3A_11, %get3A_12] {strides = array<i32>} : memref<8x16xf32, #tpu.memory_space<vmem>>, vector<16xf32>,
    %get3A_14 = arith.constant 3 : i32
    %get3A_15 = arith.index_cast %get3A_14 : i32 to index
    %get3A_16 = arith.constant 0 : index
    %get3A_17 = tpu.vector_load %arg26[%get3A_15, %get3A_16] {strides = array<i32>} : memref<8x16xf32, #tpu.memory_space<vmem>>, vector<16xf32>,
    %get3A_18 = arith.constant 4 : i32
    %get3A_19 = arith.index_cast %get3A_18 : i32 to index
    %get3A_20 = arith.constant 0 : index
    %get3A_21 = tpu.vector_load %arg26[%get3A_19, %get3A_20] {strides = array<i32>} : memref<8x16xf32, #tpu.memory_space<vmem>>, vector<16xf32>,
    %get3A_22 = arith.constant 5 : i32
    %get3A_23 = arith.index_cast %get3A_22 : i32 to index
    %get3A_24 = arith.constant 0 : index
    %get3A_25 = tpu.vector_load %arg26[%get3A_23, %get3A_24] {strides = array<i32>} : memref<8x16xf32, #tpu.memory_space<vmem>>, vector<16xf32>,
    %iota3A = tpu.iota {dimensions = array<i32: 0>} : vector<16xi32>
    %broadcast_in_dim3A = arith.constant 0 : i32
    %broadcast_in_dim3A_26 = vector.broadcast %broadcast_in_dim3A : i32 to vector<16xi32>
    %broadcast_in_dim3A_27 = arith.constant 1 : i32
    %broadcast_in_dim3A_28 = vector.broadcast %broadcast_in_dim3A_27 : i32 to vector<16xi32>
    %broadcast_in_dim3A_29 = arith.constant 2 : i32
    %broadcast_in_dim3A_30 = vector.broadcast %broadcast_in_dim3A_29 : i32 to vector<16xi32>
    %broadcast_in_dim3A_31 = arith.constant 0x4B400000 : f32
    %broadcast_in_dim3A_32 = vector.broadcast %broadcast_in_dim3A_31 : f32 to vector<16xf32>
    %broadcast_in_dim3A_33 = arith.constant 5.000000e-01 : f32
    %broadcast_in_dim3A_34 = vector.broadcast %broadcast_in_dim3A_33 : f32 to vector<16xf32>
    %broadcast_in_dim3A_35 = arith.constant 1.500000e+00 : f32
    %broadcast_in_dim3A_36 = vector.broadcast %broadcast_in_dim3A_35 : f32 to vector<16xf32>
    %broadcast_in_dim3A_37 = arith.constant 1597463007 : i32
    %broadcast_in_dim3A_38 = vector.broadcast %broadcast_in_dim3A_37 : i32 to vector<16xi32>
    %lt3A = arith.constant 5000 : i32
    %lt3A_39 = arith.cmpi slt, %add3A, %lt3A : i32
    %convert_element_type3A_40 = arith.extui %lt3A_39 : i1 to i32
    %cond3A_41 = arith.constant 0 : i32
    %cond3A_42 = arith.cmpi ne, %convert_element_type3A_40, %cond3A_41 : i32
    scf.if %cond3A_42 {
      %mul3A_86 = arith.constant 10 : i32
      %mul3A_87 = arith.muli %mul3A_86, %add3A : i32
      %dma_start3A = arith.constant 0 : i32
      %dma_start3A_88 = tpu.memref_slice %arg2[%mul3A_87, %dma_start3A] : memref<50000x128xi32, #tpu.memory_space<hbm>> -> memref<10x128xi32, #tpu.memory_space<hbm>>
      %dma_start3A_89 = arith.constant 0 : i32
      %dma_start3A_90 = tpu.memref_slice %arg2[%mul3A_87, %dma_start3A_89] : memref<50000x128xi32, #tpu.memory_space<hbm>> -> memref<10x128xi32, #tpu.memory_space<hbm>>
      tpu.enqueue_dma source(%dma_start3A_90 : memref<10x128xi32, #tpu.memory_space<hbm>>) target(%arg10 : memref<10x128xi32, #tpu.memory_space<vmem>>) target_semaphore(%arg32 : memref<!tpu.dma_semaphore, #tpu.memory_space<semaphore_mem>>)
      %dma_start3A_91 = arith.constant 0 : i32
      %dma_start3A_92 = tpu.memref_slice %arg3[%mul3A_87, %dma_start3A_91] : memref<50000x128xi32, #tpu.memory_space<hbm>> -> memref<10x128xi32, #tpu.memory_space<hbm>>
      %dma_start3A_93 = arith.constant 0 : i32
      %dma_start3A_94 = tpu.memref_slice %arg3[%mul3A_87, %dma_start3A_93] : memref<50000x128xi32, #tpu.memory_space<hbm>> -> memref<10x128xi32, #tpu.memory_space<hbm>>
      tpu.enqueue_dma source(%dma_start3A_94 : memref<10x128xi32, #tpu.memory_space<hbm>>) target(%arg11 : memref<10x128xi32, #tpu.memory_space<vmem>>) target_semaphore(%arg32 : memref<!tpu.dma_semaphore, #tpu.memory_space<semaphore_mem>>)
      %mul3A_95 = arith.constant 10 : i32
      %mul3A_96 = arith.muli %mul3A_95, %add3A : i32
      %dma_wait3A = arith.constant 0 : i32
      %dma_wait3A_97 = tpu.memref_slice %arg2[%mul3A_96, %dma_wait3A] : memref<50000x128xi32, #tpu.memory_space<hbm>> -> memref<10x128xi32, #tpu.memory_space<hbm>>
      %dma_wait3A_98 = arith.constant 0 : i32
      %dma_wait3A_99 = tpu.memref_slice %arg2[%mul3A_96, %dma_wait3A_98] : memref<50000x128xi32, #tpu.memory_space<hbm>> -> memref<10x128xi32, #tpu.memory_space<hbm>>
      tpu.wait_dma2 semaphore(%arg32 : memref<!tpu.dma_semaphore, #tpu.memory_space<semaphore_mem>>) src(%dma_wait3A_99 : memref<10x128xi32, #tpu.memory_space<hbm>>) dst(%arg10 : memref<10x128xi32, #tpu.memory_space<vmem>>)
      %dma_wait3A_100 = arith.constant 0 : i32
      %dma_wait3A_101 = tpu.memref_slice %arg3[%mul3A_96, %dma_wait3A_100] : memref<50000x128xi32, #tpu.memory_space<hbm>> -> memref<10x128xi32, #tpu.memory_space<hbm>>
      %dma_wait3A_102 = arith.constant 0 : i32
      %dma_wait3A_103 = tpu.memref_slice %arg3[%mul3A_96, %dma_wait3A_102] : memref<50000x128xi32, #tpu.memory_space<hbm>> -> memref<10x128xi32, #tpu.memory_space<hbm>>
      tpu.wait_dma2 semaphore(%arg32 : memref<!tpu.dma_semaphore, #tpu.memory_space<semaphore_mem>>) src(%dma_wait3A_103 : memref<10x128xi32, #tpu.memory_space<hbm>>) dst(%arg11 : memref<10x128xi32, #tpu.memory_space<vmem>>)
      %dma_start3A_104 = arith.constant 0 : i32
      %dma_start3A_105 = arith.constant 0 : i32
      %dma_start3A_106 = arith.constant 0 : i32
      %dma_start3A_107 = tpu.memref_slice %arg12[%dma_start3A_105, %dma_start3A_106] : memref<1280x8xf32, #tpu.memory_space<vmem>> -> memref<128x8xf32, #tpu.memory_space<vmem>>
      %dma_start3A_108 = arith.constant 0 : i32
      %dma_start3A_109 = tpu.memref_slice %arg10[%dma_start3A_104, %dma_start3A_108] : memref<10x128xi32, #tpu.memory_space<vmem>> -> memref<1x128xi32, #tpu.memory_space<vmem>>
      %dma_start3A_110 = tpu.memref_squeeze %dma_start3A_109 : memref<1x128xi32, #tpu.memory_space<vmem>> -> memref<128xi32, #tpu.memory_space<vmem>>
      %dma_start3A_111 = arith.constant 0 : i32
      %dma_start3A_112 = arith.constant 0 : i32
      %dma_start3A_113 = tpu.memref_slice %arg27[%dma_start3A_111, %dma_start3A_112] : memref<100000x8xf32, #tpu.memory_space<vmem_shared>> -> memref<100000x8xf32, #tpu.memory_space<vmem_shared>>
      tpu.enqueue_indirect_dma source(%dma_start3A_113 : memref<100000x8xf32, #tpu.memory_space<vmem_shared>>) target(%dma_start3A_107 : memref<128x8xf32, #tpu.memory_space<vmem>>) offsets(%dma_start3A_110 : memref<128xi32, #tpu.memory_space<vmem>>) semaphore(%arg28 : memref<!tpu.dma_semaphore, #tpu.memory_space<semaphore_mem>>)
      %dma_start3A_114 = arith.constant 0 : i32
      %dma_start3A_115 = arith.constant 0 : i32
      %dma_start3A_116 = arith.constant 0 : i32
      %dma_start3A_117 = tpu.memref_slice %arg13[%dma_start3A_115, %dma_start3A_116] : memref<1280x8xf32, #tpu.memory_space<vmem>> -> memref<128x8xf32, #tpu.memory_space<vmem>>
      %dma_start3A_118 = arith.constant 0 : i32
      %dma_start3A_119 = tpu.memref_slice %arg11[%dma_start3A_114, %dma_start3A_118] : memref<10x128xi32, #tpu.memory_space<vmem>> -> memref<1x128xi32, #tpu.memory_space<vmem>>
      %dma_start3A_120 = tpu.memref_squeeze %dma_start3A_119 : memref<1x128xi32, #tpu.memory_space<vmem>> -> memref<128xi32, #tpu.memory_space<vmem>>
      %dma_start3A_121 = arith.constant 0 : i32
      %dma_start3A_122 = arith.constant 0 : i32
      %dma_start3A_123 = tpu.memref_slice %arg27[%dma_start3A_121, %dma_start3A_122] : memref<100000x8xf32, #tpu.memory_space<vmem_shared>> -> memref<100000x8xf32, #tpu.memory_space<vmem_shared>>
      tpu.enqueue_indirect_dma source(%dma_start3A_123 : memref<100000x8xf32, #tpu.memory_space<vmem_shared>>) target(%dma_start3A_117 : memref<128x8xf32, #tpu.memory_space<vmem>>) offsets(%dma_start3A_120 : memref<128xi32, #tpu.memory_space<vmem>>) semaphore(%arg28 : memref<!tpu.dma_semaphore, #tpu.memory_space<semaphore_mem>>)
      %dma_start3A_124 = arith.constant 1 : i32
      %dma_start3A_125 = arith.constant 128 : i32
      %dma_start3A_126 = arith.constant 0 : i32
      %dma_start3A_127 = tpu.memref_slice %arg12[%dma_start3A_125, %dma_start3A_126] : memref<1280x8xf32, #tpu.memory_space<vmem>> -> memref<128x8xf32, #tpu.memory_space<vmem>>
      %dma_start3A_128 = arith.constant 0 : i32
      %dma_start3A_129 = tpu.memref_slice %arg10[%dma_start3A_124, %dma_start3A_128] : memref<10x128xi32, #tpu.memory_space<vmem>> -> memref<1x128xi32, #tpu.memory_space<vmem>>
      %dma_start3A_130 = tpu.memref_squeeze %dma_start3A_129 : memref<1x128xi32, #tpu.memory_space<vmem>> -> memref<128xi32, #tpu.memory_space<vmem>>
      %dma_start3A_131 = arith.constant 0 : i32
      %dma_start3A_132 = arith.constant 0 : i32
      %dma_start3A_133 = tpu.memref_slice %arg27[%dma_start3A_131, %dma_start3A_132] : memref<100000x8xf32, #tpu.memory_space<vmem_shared>> -> memref<100000x8xf32, #tpu.memory_space<vmem_shared>>
      tpu.enqueue_indirect_dma source(%dma_start3A_133 : memref<100000x8xf32, #tpu.memory_space<vmem_shared>>) target(%dma_start3A_127 : memref<128x8xf32, #tpu.memory_space<vmem>>) offsets(%dma_start3A_130 : memref<128xi32, #tpu.memory_space<vmem>>) semaphore(%arg28 : memref<!tpu.dma_semaphore, #tpu.memory_space<semaphore_mem>>)
      %dma_start3A_134 = arith.constant 1 : i32
      %dma_start3A_135 = arith.constant 128 : i32
      %dma_start3A_136 = arith.constant 0 : i32
      %dma_start3A_137 = tpu.memref_slice %arg13[%dma_start3A_135, %dma_start3A_136] : memref<1280x8xf32, #tpu.memory_space<vmem>> -> memref<128x8xf32, #tpu.memory_space<vmem>>
      %dma_start3A_138 = arith.constant 0 : i32
      %dma_start3A_139 = tpu.memref_slice %arg11[%dma_start3A_134, %dma_start3A_138] : memref<10x128xi32, #tpu.memory_space<vmem>> -> memref<1x128xi32, #tpu.memory_space<vmem>>
      %dma_start3A_140 = tpu.memref_squeeze %dma_start3A_139 : memref<1x128xi32, #tpu.memory_space<vmem>> -> memref<128xi32, #tpu.memory_space<vmem>>
      %dma_start3A_141 = arith.constant 0 : i32
      %dma_start3A_142 = arith.constant 0 : i32
      %dma_start3A_143 = tpu.memref_slice %arg27[%dma_start3A_141, %dma_start3A_142] : memref<100000x8xf32, #tpu.memory_space<vmem_shared>> -> memref<100000x8xf32, #tpu.memory_space<vmem_shared>>
      tpu.enqueue_indirect_dma source(%dma_start3A_143 : memref<100000x8xf32, #tpu.memory_space<vmem_shared>>) target(%dma_start3A_137 : memref<128x8xf32, #tpu.memory_space<vmem>>) offsets(%dma_start3A_140 : memref<128xi32, #tpu.memory_space<vmem>>) semaphore(%arg28 : memref<!tpu.dma_semaphore, #tpu.memory_space<semaphore_mem>>)
      %dma_start3A_144 = arith.constant 2 : i32
      %dma_start3A_145 = arith.constant 256 : i32
      %dma_start3A_146 = arith.constant 0 : i32
      %dma_start3A_147 = tpu.memref_slice %arg12[%dma_start3A_145, %dma_start3A_146] : memref<1280x8xf32, #tpu.memory_space<vmem>> -> memref<128x8xf32, #tpu.memory_space<vmem>>
      %dma_start3A_148 = arith.constant 0 : i32
      %dma_start3A_149 = tpu.memref_slice %arg10[%dma_start3A_144, %dma_start3A_148] : memref<10x128xi32, #tpu.memory_space<vmem>> -> memref<1x128xi32, #tpu.memory_space<vmem>>
      %dma_start3A_150 = tpu.memref_squeeze %dma_start3A_149 : memref<1x128xi32, #tpu.memory_space<vmem>> -> memref<128xi32, #tpu.memory_space<vmem>>
      %dma_start3A_151 = arith.constant 0 : i32
      %dma_start3A_152 = arith.constant 0 : i32
      %dma_start3A_153 = tpu.memref_slice %arg27[%dma_start3A_151, %dma_start3A_152] : memref<100000x8xf32, #tpu.memory_space<vmem_shared>> -> memref<100000x8xf32, #tpu.memory_space<vmem_shared>>
      tpu.enqueue_indirect_dma source(%dma_start3A_153 : memref<100000x8xf32, #tpu.memory_space<vmem_shared>>) target(%dma_start3A_147 : memref<128x8xf32, #tpu.memory_space<vmem>>) offsets(%dma_start3A_150 : memref<128xi32, #tpu.memory_space<vmem>>) semaphore(%arg28 : memref<!tpu.dma_semaphore, #tpu.memory_space<semaphore_mem>>)
      %dma_start3A_154 = arith.constant 2 : i32
      %dma_start3A_155 = arith.constant 256 : i32
      %dma_start3A_156 = arith.constant 0 : i32
      %dma_start3A_157 = tpu.memref_slice %arg13[%dma_start3A_155, %dma_start3A_156] : memref<1280x8xf32, #tpu.memory_space<vmem>> -> memref<128x8xf32, #tpu.memory_space<vmem>>
      %dma_start3A_158 = arith.constant 0 : i32
      %dma_start3A_159 = tpu.memref_slice %arg11[%dma_start3A_154, %dma_start3A_158] : memref<10x128xi32, #tpu.memory_space<vmem>> -> memref<1x128xi32, #tpu.memory_space<vmem>>
      %dma_start3A_160 = tpu.memref_squeeze %dma_start3A_159 : memref<1x128xi32, #tpu.memory_space<vmem>> -> memref<128xi32, #tpu.memory_space<vmem>>
      %dma_start3A_161 = arith.constant 0 : i32
      %dma_start3A_162 = arith.constant 0 : i32
      %dma_start3A_163 = tpu.memref_slice %arg27[%dma_start3A_161, %dma_start3A_162] : memref<100000x8xf32, #tpu.memory_space<vmem_shared>> -> memref<100000x8xf32, #tpu.memory_space<vmem_shared>>
      tpu.enqueue_indirect_dma source(%dma_start3A_163 : memref<100000x8xf32, #tpu.memory_space<vmem_shared>>) target(%dma_start3A_157 : memref<128x8xf32, #tpu.memory_space<vmem>>) offsets(%dma_start3A_160 : memref<128xi32, #tpu.memory_space<vmem>>) semaphore(%arg28 : memref<!tpu.dma_semaphore, #tpu.memory_space<semaphore_mem>>)
      %dma_start3A_164 = arith.constant 3 : i32
      %dma_start3A_165 = arith.constant 384 : i32
      %dma_start3A_166 = arith.constant 0 : i32
      %dma_start3A_167 = tpu.memref_slice %arg12[%dma_start3A_165, %dma_start3A_166] : memref<1280x8xf32, #tpu.memory_space<vmem>> -> memref<128x8xf32, #tpu.memory_space<vmem>>
      %dma_start3A_168 = arith.constant 0 : i32
      %dma_start3A_169 = tpu.memref_slice %arg10[%dma_start3A_164, %dma_start3A_168] : memref<10x128xi32, #tpu.memory_space<vmem>> -> memref<1x128xi32, #tpu.memory_space<vmem>>
      %dma_start3A_170 = tpu.memref_squeeze %dma_start3A_169 : memref<1x128xi32, #tpu.memory_space<vmem>> -> memref<128xi32, #tpu.memory_space<vmem>>
      %dma_start3A_171 = arith.constant 0 : i32
      %dma_start3A_172 = arith.constant 0 : i32
      %dma_start3A_173 = tpu.memref_slice %arg27[%dma_start3A_171, %dma_start3A_172] : memref<100000x8xf32, #tpu.memory_space<vmem_shared>> -> memref<100000x8xf32, #tpu.memory_space<vmem_shared>>
      tpu.enqueue_indirect_dma source(%dma_start3A_173 : memref<100000x8xf32, #tpu.memory_space<vmem_shared>>) target(%dma_start3A_167 : memref<128x8xf32, #tpu.memory_space<vmem>>) offsets(%dma_start3A_170 : memref<128xi32, #tpu.memory_space<vmem>>) semaphore(%arg28 : memref<!tpu.dma_semaphore, #tpu.memory_space<semaphore_mem>>)
      %dma_start3A_174 = arith.constant 3 : i32
      %dma_start3A_175 = arith.constant 384 : i32
      %dma_start3A_176 = arith.constant 0 : i32
      %dma_start3A_177 = tpu.memref_slice %arg13[%dma_start3A_175, %dma_start3A_176] : memref<1280x8xf32, #tpu.memory_space<vmem>> -> memref<128x8xf32, #tpu.memory_space<vmem>>
      %dma_start3A_178 = arith.constant 0 : i32
      %dma_start3A_179 = tpu.memref_slice %arg11[%dma_start3A_174, %dma_start3A_178] : memref<10x128xi32, #tpu.memory_space<vmem>> -> memref<1x128xi32, #tpu.memory_space<vmem>>
      %dma_start3A_180 = tpu.memref_squeeze %dma_start3A_179 : memref<1x128xi32, #tpu.memory_space<vmem>> -> memref<128xi32, #tpu.memory_space<vmem>>
      %dma_start3A_181 = arith.constant 0 : i32
      %dma_start3A_182 = arith.constant 0 : i32
      %dma_start3A_183 = tpu.memref_slice %arg27[%dma_start3A_181, %dma_start3A_182] : memref<100000x8xf32, #tpu.memory_space<vmem_shared>> -> memref<100000x8xf32, #tpu.memory_space<vmem_shared>>
      tpu.enqueue_indirect_dma source(%dma_start3A_183 : memref<100000x8xf32, #tpu.memory_space<vmem_shared>>) target(%dma_start3A_177 : memref<128x8xf32, #tpu.memory_space<vmem>>) offsets(%dma_start3A_180 : memref<128xi32, #tpu.memory_space<vmem>>) semaphore(%arg28 : memref<!tpu.dma_semaphore, #tpu.memory_space<semaphore_mem>>)
      %dma_start3A_184 = arith.constant 4 : i32
      %dma_start3A_185 = arith.constant 512 : i32
      %dma_start3A_186 = arith.constant 0 : i32
      %dma_start3A_187 = tpu.memref_slice %arg12[%dma_start3A_185, %dma_start3A_186] : memref<1280x8xf32, #tpu.memory_space<vmem>> -> memref<128x8xf32, #tpu.memory_space<vmem>>
      %dma_start3A_188 = arith.constant 0 : i32
      %dma_start3A_189 = tpu.memref_slice %arg10[%dma_start3A_184, %dma_start3A_188] : memref<10x128xi32, #tpu.memory_space<vmem>> -> memref<1x128xi32, #tpu.memory_space<vmem>>
      %dma_start3A_190 = tpu.memref_squeeze %dma_start3A_189 : memref<1x128xi32, #tpu.memory_space<vmem>> -> memref<128xi32, #tpu.memory_space<vmem>>
      %dma_start3A_191 = arith.constant 0 : i32
      %dma_start3A_192 = arith.constant 0 : i32
      %dma_start3A_193 = tpu.memref_slice %arg27[%dma_start3A_191, %dma_start3A_192] : memref<100000x8xf32, #tpu.memory_space<vmem_shared>> -> memref<100000x8xf32, #tpu.memory_space<vmem_shared>>
      tpu.enqueue_indirect_dma source(%dma_start3A_193 : memref<100000x8xf32, #tpu.memory_space<vmem_shared>>) target(%dma_start3A_187 : memref<128x8xf32, #tpu.memory_space<vmem>>) offsets(%dma_start3A_190 : memref<128xi32, #tpu.memory_space<vmem>>) semaphore(%arg28 : memref<!tpu.dma_semaphore, #tpu.memory_space<semaphore_mem>>)
      %dma_start3A_194 = arith.constant 4 : i32
      %dma_start3A_195 = arith.constant 512 : i32
      %dma_start3A_196 = arith.constant 0 : i32
      %dma_start3A_197 = tpu.memref_slice %arg13[%dma_start3A_195, %dma_start3A_196] : memref<1280x8xf32, #tpu.memory_space<vmem>> -> memref<128x8xf32, #tpu.memory_space<vmem>>
      %dma_start3A_198 = arith.constant 0 : i32
      %dma_start3A_199 = tpu.memref_slice %arg11[%dma_start3A_194, %dma_start3A_198] : memref<10x128xi32, #tpu.memory_space<vmem>> -> memref<1x128xi32, #tpu.memory_space<vmem>>
      %dma_start3A_200 = tpu.memref_squeeze %dma_start3A_199 : memref<1x128xi32, #tpu.memory_space<vmem>> -> memref<128xi32, #tpu.memory_space<vmem>>
      %dma_start3A_201 = arith.constant 0 : i32
      %dma_start3A_202 = arith.constant 0 : i32
      %dma_start3A_203 = tpu.memref_slice %arg27[%dma_start3A_201, %dma_start3A_202] : memref<100000x8xf32, #tpu.memory_space<vmem_shared>> -> memref<100000x8xf32, #tpu.memory_space<vmem_shared>>
      tpu.enqueue_indirect_dma source(%dma_start3A_203 : memref<100000x8xf32, #tpu.memory_space<vmem_shared>>) target(%dma_start3A_197 : memref<128x8xf32, #tpu.memory_space<vmem>>) offsets(%dma_start3A_200 : memref<128xi32, #tpu.memory_space<vmem>>) semaphore(%arg28 : memref<!tpu.dma_semaphore, #tpu.memory_space<semaphore_mem>>)
      %dma_start3A_204 = arith.constant 5 : i32
      %dma_start3A_205 = arith.constant 640 : i32
      %dma_start3A_206 = arith.constant 0 : i32
      %dma_start3A_207 = tpu.memref_slice %arg12[%dma_start3A_205, %dma_start3A_206] : memref<1280x8xf32, #tpu.memory_space<vmem>> -> memref<128x8xf32, #tpu.memory_space<vmem>>
      %dma_start3A_208 = arith.constant 0 : i32
      %dma_start3A_209 = tpu.memref_slice %arg10[%dma_start3A_204, %dma_start3A_208] : memref<10x128xi32, #tpu.memory_space<vmem>> -> memref<1x128xi32, #tpu.memory_space<vmem>>
      %dma_start3A_210 = tpu.memref_squeeze %dma_start3A_209 : memref<1x128xi32, #tpu.memory_space<vmem>> -> memref<128xi32, #tpu.memory_space<vmem>>
      %dma_start3A_211 = arith.constant 0 : i32
      %dma_start3A_212 = arith.constant 0 : i32
      %dma_start3A_213 = tpu.memref_slice %arg27[%dma_start3A_211, %dma_start3A_212] : memref<100000x8xf32, #tpu.memory_space<vmem_shared>> -> memref<100000x8xf32, #tpu.memory_space<vmem_shared>>
      tpu.enqueue_indirect_dma source(%dma_start3A_213 : memref<100000x8xf32, #tpu.memory_space<vmem_shared>>) target(%dma_start3A_207 : memref<128x8xf32, #tpu.memory_space<vmem>>) offsets(%dma_start3A_210 : memref<128xi32, #tpu.memory_space<vmem>>) semaphore(%arg28 : memref<!tpu.dma_semaphore, #tpu.memory_space<semaphore_mem>>)
      %dma_start3A_214 = arith.constant 5 : i32
      %dma_start3A_215 = arith.constant 640 : i32
      %dma_start3A_216 = arith.constant 0 : i32
      %dma_start3A_217 = tpu.memref_slice %arg13[%dma_start3A_215, %dma_start3A_216] : memref<1280x8xf32, #tpu.memory_space<vmem>> -> memref<128x8xf32, #tpu.memory_space<vmem>>
      %dma_start3A_218 = arith.constant 0 : i32
      %dma_start3A_219 = tpu.memref_slice %arg11[%dma_start3A_214, %dma_start3A_218] : memref<10x128xi32, #tpu.memory_space<vmem>> -> memref<1x128xi32, #tpu.memory_space<vmem>>
      %dma_start3A_220 = tpu.memref_squeeze %dma_start3A_219 : memref<1x128xi32, #tpu.memory_space<vmem>> -> memref<128xi32, #tpu.memory_space<vmem>>
      %dma_start3A_221 = arith.constant 0 : i32
      %dma_start3A_222 = arith.constant 0 : i32
      %dma_start3A_223 = tpu.memref_slice %arg27[%dma_start3A_221, %dma_start3A_222] : memref<100000x8xf32, #tpu.memory_space<vmem_shared>> -> memref<100000x8xf32, #tpu.memory_space<vmem_shared>>
      tpu.enqueue_indirect_dma source(%dma_start3A_223 : memref<100000x8xf32, #tpu.memory_space<vmem_shared>>) target(%dma_start3A_217 : memref<128x8xf32, #tpu.memory_space<vmem>>) offsets(%dma_start3A_220 : memref<128xi32, #tpu.memory_space<vmem>>) semaphore(%arg28 : memref<!tpu.dma_semaphore, #tpu.memory_space<semaphore_mem>>)
      %dma_start3A_224 = arith.constant 6 : i32
      %dma_start3A_225 = arith.constant 768 : i32
      %dma_start3A_226 = arith.constant 0 : i32
      %dma_start3A_227 = tpu.memref_slice %arg12[%dma_start3A_225, %dma_start3A_226] : memref<1280x8xf32, #tpu.memory_space<vmem>> -> memref<128x8xf32, #tpu.memory_space<vmem>>
      %dma_start3A_228 = arith.constant 0 : i32
      %dma_start3A_229 = tpu.memref_slice %arg10[%dma_start3A_224, %dma_start3A_228] : memref<10x128xi32, #tpu.memory_space<vmem>> -> memref<1x128xi32, #tpu.memory_space<vmem>>
      %dma_start3A_230 = tpu.memref_squeeze %dma_start3A_229 : memref<1x128xi32, #tpu.memory_space<vmem>> -> memref<128xi32, #tpu.memory_space<vmem>>
      %dma_start3A_231 = arith.constant 0 : i32
      %dma_start3A_232 = arith.constant 0 : i32
      %dma_start3A_233 = tpu.memref_slice %arg27[%dma_start3A_231, %dma_start3A_232] : memref<100000x8xf32, #tpu.memory_space<vmem_shared>> -> memref<100000x8xf32, #tpu.memory_space<vmem_shared>>
      tpu.enqueue_indirect_dma source(%dma_start3A_233 : memref<100000x8xf32, #tpu.memory_space<vmem_shared>>) target(%dma_start3A_227 : memref<128x8xf32, #tpu.memory_space<vmem>>) offsets(%dma_start3A_230 : memref<128xi32, #tpu.memory_space<vmem>>) semaphore(%arg28 : memref<!tpu.dma_semaphore, #tpu.memory_space<semaphore_mem>>)
      %dma_start3A_234 = arith.constant 6 : i32
      %dma_start3A_235 = arith.constant 768 : i32
      %dma_start3A_236 = arith.constant 0 : i32
      %dma_start3A_237 = tpu.memref_slice %arg13[%dma_start3A_235, %dma_start3A_236] : memref<1280x8xf32, #tpu.memory_space<vmem>> -> memref<128x8xf32, #tpu.memory_space<vmem>>
      %dma_start3A_238 = arith.constant 0 : i32
      %dma_start3A_239 = tpu.memref_slice %arg11[%dma_start3A_234, %dma_start3A_238] : memref<10x128xi32, #tpu.memory_space<vmem>> -> memref<1x128xi32, #tpu.memory_space<vmem>>
      %dma_start3A_240 = tpu.memref_squeeze %dma_start3A_239 : memref<1x128xi32, #tpu.memory_space<vmem>> -> memref<128xi32, #tpu.memory_space<vmem>>
      %dma_start3A_241 = arith.constant 0 : i32
      %dma_start3A_242 = arith.constant 0 : i32
      %dma_start3A_243 = tpu.memref_slice %arg27[%dma_start3A_241, %dma_start3A_242] : memref<100000x8xf32, #tpu.memory_space<vmem_shared>> -> memref<100000x8xf32, #tpu.memory_space<vmem_shared>>
      tpu.enqueue_indirect_dma source(%dma_start3A_243 : memref<100000x8xf32, #tpu.memory_space<vmem_shared>>) target(%dma_start3A_237 : memref<128x8xf32, #tpu.memory_space<vmem>>) offsets(%dma_start3A_240 : memref<128xi32, #tpu.memory_space<vmem>>) semaphore(%arg28 : memref<!tpu.dma_semaphore, #tpu.memory_space<semaphore_mem>>)
      %dma_start3A_244 = arith.constant 7 : i32
      %dma_start3A_245 = arith.constant 896 : i32
      %dma_start3A_246 = arith.constant 0 : i32
      %dma_start3A_247 = tpu.memref_slice %arg12[%dma_start3A_245, %dma_start3A_246] : memref<1280x8xf32, #tpu.memory_space<vmem>> -> memref<128x8xf32, #tpu.memory_space<vmem>>
      %dma_start3A_248 = arith.constant 0 : i32
      %dma_start3A_249 = tpu.memref_slice %arg10[%dma_start3A_244, %dma_start3A_248] : memref<10x128xi32, #tpu.memory_space<vmem>> -> memref<1x128xi32, #tpu.memory_space<vmem>>
      %dma_start3A_250 = tpu.memref_squeeze %dma_start3A_249 : memref<1x128xi32, #tpu.memory_space<vmem>> -> memref<128xi32, #tpu.memory_space<vmem>>
      %dma_start3A_251 = arith.constant 0 : i32
      %dma_start3A_252 = arith.constant 0 : i32
      %dma_start3A_253 = tpu.memref_slice %arg27[%dma_start3A_251, %dma_start3A_252] : memref<100000x8xf32, #tpu.memory_space<vmem_shared>> -> memref<100000x8xf32, #tpu.memory_space<vmem_shared>>
      tpu.enqueue_indirect_dma source(%dma_start3A_253 : memref<100000x8xf32, #tpu.memory_space<vmem_shared>>) target(%dma_start3A_247 : memref<128x8xf32, #tpu.memory_space<vmem>>) offsets(%dma_start3A_250 : memref<128xi32, #tpu.memory_space<vmem>>) semaphore(%arg28 : memref<!tpu.dma_semaphore, #tpu.memory_space<semaphore_mem>>)
      %dma_start3A_254 = arith.constant 7 : i32
      %dma_start3A_255 = arith.constant 896 : i32
      %dma_start3A_256 = arith.constant 0 : i32
      %dma_start3A_257 = tpu.memref_slice %arg13[%dma_start3A_255, %dma_start3A_256] : memref<1280x8xf32, #tpu.memory_space<vmem>> -> memref<128x8xf32, #tpu.memory_space<vmem>>
      %dma_start3A_258 = arith.constant 0 : i32
      %dma_start3A_259 = tpu.memref_slice %arg11[%dma_start3A_254, %dma_start3A_258] : memref<10x128xi32, #tpu.memory_space<vmem>> -> memref<1x128xi32, #tpu.memory_space<vmem>>
      %dma_start3A_260 = tpu.memref_squeeze %dma_start3A_259 : memref<1x128xi32, #tpu.memory_space<vmem>> -> memref<128xi32, #tpu.memory_space<vmem>>
      %dma_start3A_261 = arith.constant 0 : i32
      %dma_start3A_262 = arith.constant 0 : i32
      %dma_start3A_263 = tpu.memref_slice %arg27[%dma_start3A_261, %dma_start3A_262] : memref<100000x8xf32, #tpu.memory_space<vmem_shared>> -> memref<100000x8xf32, #tpu.memory_space<vmem_shared>>
      tpu.enqueue_indirect_dma source(%dma_start3A_263 : memref<100000x8xf32, #tpu.memory_space<vmem_shared>>) target(%dma_start3A_257 : memref<128x8xf32, #tpu.memory_space<vmem>>) offsets(%dma_start3A_260 : memref<128xi32, #tpu.memory_space<vmem>>) semaphore(%arg28 : memref<!tpu.dma_semaphore, #tpu.memory_space<semaphore_mem>>)
      %dma_start3A_264 = arith.constant 8 : i32
      %dma_start3A_265 = arith.constant 1024 : i32
      %dma_start3A_266 = arith.constant 0 : i32
      %dma_start3A_267 = tpu.memref_slice %arg12[%dma_start3A_265, %dma_start3A_266] : memref<1280x8xf32, #tpu.memory_space<vmem>> -> memref<128x8xf32, #tpu.memory_space<vmem>>
      %dma_start3A_268 = arith.constant 0 : i32
      %dma_start3A_269 = tpu.memref_slice %arg10[%dma_start3A_264, %dma_start3A_268] : memref<10x128xi32, #tpu.memory_space<vmem>> -> memref<1x128xi32, #tpu.memory_space<vmem>>
      %dma_start3A_270 = tpu.memref_squeeze %dma_start3A_269 : memref<1x128xi32, #tpu.memory_space<vmem>> -> memref<128xi32, #tpu.memory_space<vmem>>
      %dma_start3A_271 = arith.constant 0 : i32
      %dma_start3A_272 = arith.constant 0 : i32
      %dma_start3A_273 = tpu.memref_slice %arg27[%dma_start3A_271, %dma_start3A_272] : memref<100000x8xf32, #tpu.memory_space<vmem_shared>> -> memref<100000x8xf32, #tpu.memory_space<vmem_shared>>
      tpu.enqueue_indirect_dma source(%dma_start3A_273 : memref<100000x8xf32, #tpu.memory_space<vmem_shared>>) target(%dma_start3A_267 : memref<128x8xf32, #tpu.memory_space<vmem>>) offsets(%dma_start3A_270 : memref<128xi32, #tpu.memory_space<vmem>>) semaphore(%arg28 : memref<!tpu.dma_semaphore, #tpu.memory_space<semaphore_mem>>)
      %dma_start3A_274 = arith.constant 8 : i32
      %dma_start3A_275 = arith.constant 1024 : i32
      %dma_start3A_276 = arith.constant 0 : i32
      %dma_start3A_277 = tpu.memref_slice %arg13[%dma_start3A_275, %dma_start3A_276] : memref<1280x8xf32, #tpu.memory_space<vmem>> -> memref<128x8xf32, #tpu.memory_space<vmem>>
      %dma_start3A_278 = arith.constant 0 : i32
      %dma_start3A_279 = tpu.memref_slice %arg11[%dma_start3A_274, %dma_start3A_278] : memref<10x128xi32, #tpu.memory_space<vmem>> -> memref<1x128xi32, #tpu.memory_space<vmem>>
      %dma_start3A_280 = tpu.memref_squeeze %dma_start3A_279 : memref<1x128xi32, #tpu.memory_space<vmem>> -> memref<128xi32, #tpu.memory_space<vmem>>
      %dma_start3A_281 = arith.constant 0 : i32
      %dma_start3A_282 = arith.constant 0 : i32
      %dma_start3A_283 = tpu.memref_slice %arg27[%dma_start3A_281, %dma_start3A_282] : memref<100000x8xf32, #tpu.memory_space<vmem_shared>> -> memref<100000x8xf32, #tpu.memory_space<vmem_shared>>
      tpu.enqueue_indirect_dma source(%dma_start3A_283 : memref<100000x8xf32, #tpu.memory_space<vmem_shared>>) target(%dma_start3A_277 : memref<128x8xf32, #tpu.memory_space<vmem>>) offsets(%dma_start3A_280 : memref<128xi32, #tpu.memory_space<vmem>>) semaphore(%arg28 : memref<!tpu.dma_semaphore, #tpu.memory_space<semaphore_mem>>)
      %dma_start3A_284 = arith.constant 9 : i32
      %dma_start3A_285 = arith.constant 1152 : i32
      %dma_start3A_286 = arith.constant 0 : i32
      %dma_start3A_287 = tpu.memref_slice %arg12[%dma_start3A_285, %dma_start3A_286] : memref<1280x8xf32, #tpu.memory_space<vmem>> -> memref<128x8xf32, #tpu.memory_space<vmem>>
      %dma_start3A_288 = arith.constant 0 : i32
      %dma_start3A_289 = tpu.memref_slice %arg10[%dma_start3A_284, %dma_start3A_288] : memref<10x128xi32, #tpu.memory_space<vmem>> -> memref<1x128xi32, #tpu.memory_space<vmem>>
      %dma_start3A_290 = tpu.memref_squeeze %dma_start3A_289 : memref<1x128xi32, #tpu.memory_space<vmem>> -> memref<128xi32, #tpu.memory_space<vmem>>
      %dma_start3A_291 = arith.constant 0 : i32
      %dma_start3A_292 = arith.constant 0 : i32
      %dma_start3A_293 = tpu.memref_slice %arg27[%dma_start3A_291, %dma_start3A_292] : memref<100000x8xf32, #tpu.memory_space<vmem_shared>> -> memref<100000x8xf32, #tpu.memory_space<vmem_shared>>
      tpu.enqueue_indirect_dma source(%dma_start3A_293 : memref<100000x8xf32, #tpu.memory_space<vmem_shared>>) target(%dma_start3A_287 : memref<128x8xf32, #tpu.memory_space<vmem>>) offsets(%dma_start3A_290 : memref<128xi32, #tpu.memory_space<vmem>>) semaphore(%arg28 : memref<!tpu.dma_semaphore, #tpu.memory_space<semaphore_mem>>)
      %dma_start3A_294 = arith.constant 9 : i32
      %dma_start3A_295 = arith.constant 1152 : i32
      %dma_start3A_296 = arith.constant 0 : i32
      %dma_start3A_297 = tpu.memref_slice %arg13[%dma_start3A_295, %dma_start3A_296] : memref<1280x8xf32, #tpu.memory_space<vmem>> -> memref<128x8xf32, #tpu.memory_space<vmem>>
      %dma_start3A_298 = arith.constant 0 : i32
      %dma_start3A_299 = tpu.memref_slice %arg11[%dma_start3A_294, %dma_start3A_298] : memref<10x128xi32, #tpu.memory_space<vmem>> -> memref<1x128xi32, #tpu.memory_space<vmem>>
      %dma_start3A_300 = tpu.memref_squeeze %dma_start3A_299 : memref<1x128xi32, #tpu.memory_space<vmem>> -> memref<128xi32, #tpu.memory_space<vmem>>
      %dma_start3A_301 = arith.constant 0 : i32
      %dma_start3A_302 = arith.constant 0 : i32
      %dma_start3A_303 = tpu.memref_slice %arg27[%dma_start3A_301, %dma_start3A_302] : memref<100000x8xf32, #tpu.memory_space<vmem_shared>> -> memref<100000x8xf32, #tpu.memory_space<vmem_shared>>
      tpu.enqueue_indirect_dma source(%dma_start3A_303 : memref<100000x8xf32, #tpu.memory_space<vmem_shared>>) target(%dma_start3A_297 : memref<128x8xf32, #tpu.memory_space<vmem>>) offsets(%dma_start3A_300 : memref<128xi32, #tpu.memory_space<vmem>>) semaphore(%arg28 : memref<!tpu.dma_semaphore, #tpu.memory_space<semaphore_mem>>)
    } else {
    }
    %add3A_43 = arith.constant 32 : i32
    %add3A_44 = arith.addi %add3A, %add3A_43 : i32
    %lt3A_45 = arith.constant 5000 : i32
    %lt3A_46 = arith.cmpi slt, %add3A_44, %lt3A_45 : i32
    %convert_element_type3A_47 = arith.extui %lt3A_46 : i1 to i32
    %cond3A_48 = arith.constant 0 : i32
    %cond3A_49 = arith.cmpi ne, %convert_element_type3A_47, %cond3A_48 : i32
    scf.if %cond3A_49 {
      %add3A_86 = arith.constant 32 : i32
      %add3A_87 = arith.addi %add3A, %add3A_86 : i32
      %mul3A_88 = arith.constant 10 : i32
      %mul3A_89 = arith.muli %mul3A_88, %add3A_87 : i32
      %dma_start3A = arith.constant 0 : i32
      %dma_start3A_90 = tpu.memref_slice %arg2[%mul3A_89, %dma_start3A] : memref<50000x128xi32, #tpu.memory_space<hbm>> -> memref<10x128xi32, #tpu.memory_space<hbm>>
      %dma_start3A_91 = arith.constant 0 : i32
      %dma_start3A_92 = tpu.memref_slice %arg2[%mul3A_89, %dma_start3A_91] : memref<50000x128xi32, #tpu.memory_space<hbm>> -> memref<10x128xi32, #tpu.memory_space<hbm>>
      tpu.enqueue_dma source(%dma_start3A_92 : memref<10x128xi32, #tpu.memory_space<hbm>>) target(%arg14 : memref<10x128xi32, #tpu.memory_space<vmem>>) target_semaphore(%arg33 : memref<!tpu.dma_semaphore, #tpu.memory_space<semaphore_mem>>)
      %dma_start3A_93 = arith.constant 0 : i32
      %dma_start3A_94 = tpu.memref_slice %arg3[%mul3A_89, %dma_start3A_93] : memref<50000x128xi32, #tpu.memory_space<hbm>> -> memref<10x128xi32, #tpu.memory_space<hbm>>
      %dma_start3A_95 = arith.constant 0 : i32
      %dma_start3A_96 = tpu.memref_slice %arg3[%mul3A_89, %dma_start3A_95] : memref<50000x128xi32, #tpu.memory_space<hbm>> -> memref<10x128xi32, #tpu.memory_space<hbm>>
      tpu.enqueue_dma source(%dma_start3A_96 : memref<10x128xi32, #tpu.memory_space<hbm>>) target(%arg15 : memref<10x128xi32, #tpu.memory_space<vmem>>) target_semaphore(%arg33 : memref<!tpu.dma_semaphore, #tpu.memory_space<semaphore_mem>>)
    } else {
    }
    %scan3A = arith.constant 0 : i32
    %scan3A_50 = arith.constant 0 : i32
    %scan3A_51 = arith.constant 79 : i32
    %scan3A_52 = arith.addi %scan3A_50, %scan3A_51 : i32
    %scan3A_53 = arith.constant 1 : i32
    scf.for %scan3A_86 = %scan3A_50 to %scan3A_52 step %scan3A_53  : i32 {
      %mul3A_87 = arith.constant 2 : i32
      %mul3A_88 = arith.muli %mul3A_87, %scan3A_86 : i32
      %add3A_89 = arith.constant 0 : i32
      %add3A_90 = arith.addi %mul3A_88, %add3A_89 : i32
      %mul3A_91 = arith.constant 32 : i32
      %mul3A_92 = arith.muli %mul3A_91, %add3A_90 : i32
      %add3A_93 = arith.addi %add3A, %mul3A_92 : i32
      %add3A_94 = arith.constant 32 : i32
      %add3A_95 = arith.addi %add3A_93, %add3A_94 : i32
      %add3A_96 = arith.constant 32 : i32
      %add3A_97 = arith.addi %add3A_95, %add3A_96 : i32
      %lt3A_98 = arith.constant 5000 : i32
      %lt3A_99 = arith.cmpi slt, %add3A_95, %lt3A_98 : i32
      %convert_element_type3A_100 = arith.extui %lt3A_99 : i1 to i32
      %cond3A_101 = arith.constant 0 : i32
      %cond3A_102 = arith.cmpi ne, %convert_element_type3A_100, %cond3A_101 : i32
      scf.if %cond3A_102 {
        %mul3A_139 = arith.constant 10 : i32
        %mul3A_140 = arith.muli %mul3A_139, %add3A_95 : i32
        %dma_wait3A = arith.constant 0 : i32
        %dma_wait3A_141 = tpu.memref_slice %arg2[%mul3A_140, %dma_wait3A] : memref<50000x128xi32, #tpu.memory_space<hbm>> -> memref<10x128xi32, #tpu.memory_space<hbm>>
        %dma_wait3A_142 = arith.constant 0 : i32
        %dma_wait3A_143 = tpu.memref_slice %arg2[%mul3A_140, %dma_wait3A_142] : memref<50000x128xi32, #tpu.memory_space<hbm>> -> memref<10x128xi32, #tpu.memory_space<hbm>>
        tpu.wait_dma2 semaphore(%arg33 : memref<!tpu.dma_semaphore, #tpu.memory_space<semaphore_mem>>) src(%dma_wait3A_143 : memref<10x128xi32, #tpu.memory_space<hbm>>) dst(%arg14 : memref<10x128xi32, #tpu.memory_space<vmem>>)
        %dma_wait3A_144 = arith.constant 0 : i32
        %dma_wait3A_145 = tpu.memref_slice %arg3[%mul3A_140, %dma_wait3A_144] : memref<50000x128xi32, #tpu.memory_space<hbm>> -> memref<10x128xi32, #tpu.memory_space<hbm>>
        %dma_wait3A_146 = arith.constant 0 : i32
        %dma_wait3A_147 = tpu.memref_slice %arg3[%mul3A_140, %dma_wait3A_146] : memref<50000x128xi32, #tpu.memory_space<hbm>> -> memref<10x128xi32, #tpu.memory_space<hbm>>
        tpu.wait_dma2 semaphore(%arg33 : memref<!tpu.dma_semaphore, #tpu.memory_space<semaphore_mem>>) src(%dma_wait3A_147 : memref<10x128xi32, #tpu.memory_space<hbm>>) dst(%arg15 : memref<10x128xi32, #tpu.memory_space<vmem>>)
        %dma_start3A = arith.constant 0 : i32
        %dma_start3A_148 = arith.constant 0 : i32
        %dma_start3A_149 = arith.constant 0 : i32
        %dma_start3A_150 = tpu.memref_slice %arg16[%dma_start3A_148, %dma_start3A_149] : memref<1280x8xf32, #tpu.memory_space<vmem>> -> memref<128x8xf32, #tpu.memory_space<vmem>>
        %dma_start3A_151 = arith.constant 0 : i32
        %dma_start3A_152 = tpu.memref_slice %arg14[%dma_start3A, %dma_start3A_151] : memref<10x128xi32, #tpu.memory_space<vmem>> -> memref<1x128xi32, #tpu.memory_space<vmem>>
        %dma_start3A_153 = tpu.memref_squeeze %dma_start3A_152 : memref<1x128xi32, #tpu.memory_space<vmem>> -> memref<128xi32, #tpu.memory_space<vmem>>
        %dma_start3A_154 = arith.constant 0 : i32
        %dma_start3A_155 = arith.constant 0 : i32
        %dma_start3A_156 = tpu.memref_slice %arg27[%dma_start3A_154, %dma_start3A_155] : memref<100000x8xf32, #tpu.memory_space<vmem_shared>> -> memref<100000x8xf32, #tpu.memory_space<vmem_shared>>
        tpu.enqueue_indirect_dma source(%dma_start3A_156 : memref<100000x8xf32, #tpu.memory_space<vmem_shared>>) target(%dma_start3A_150 : memref<128x8xf32, #tpu.memory_space<vmem>>) offsets(%dma_start3A_153 : memref<128xi32, #tpu.memory_space<vmem>>) semaphore(%arg29 : memref<!tpu.dma_semaphore, #tpu.memory_space<semaphore_mem>>)
        %dma_start3A_157 = arith.constant 0 : i32
        %dma_start3A_158 = arith.constant 0 : i32
        %dma_start3A_159 = arith.constant 0 : i32
        %dma_start3A_160 = tpu.memref_slice %arg17[%dma_start3A_158, %dma_start3A_159] : memref<1280x8xf32, #tpu.memory_space<vmem>> -> memref<128x8xf32, #tpu.memory_space<vmem>>
        %dma_start3A_161 = arith.constant 0 : i32
        %dma_start3A_162 = tpu.memref_slice %arg15[%dma_start3A_157, %dma_start3A_161] : memref<10x128xi32, #tpu.memory_space<vmem>> -> memref<1x128xi32, #tpu.memory_space<vmem>>
        %dma_start3A_163 = tpu.memref_squeeze %dma_start3A_162 : memref<1x128xi32, #tpu.memory_space<vmem>> -> memref<128xi32, #tpu.memory_space<vmem>>
        %dma_start3A_164 = arith.constant 0 : i32
        %dma_start3A_165 = arith.constant 0 : i32
        %dma_start3A_166 = tpu.memref_slice %arg27[%dma_start3A_164, %dma_start3A_165] : memref<100000x8xf32, #tpu.memory_space<vmem_shared>> -> memref<100000x8xf32, #tpu.memory_space<vmem_shared>>
        tpu.enqueue_indirect_dma source(%dma_start3A_166 : memref<100000x8xf32, #tpu.memory_space<vmem_shared>>) target(%dma_start3A_160 : memref<128x8xf32, #tpu.memory_space<vmem>>) offsets(%dma_start3A_163 : memref<128xi32, #tpu.memory_space<vmem>>) semaphore(%arg29 : memref<!tpu.dma_semaphore, #tpu.memory_space<semaphore_mem>>)
        %dma_start3A_167 = arith.constant 1 : i32
        %dma_start3A_168 = arith.constant 128 : i32
        %dma_start3A_169 = arith.constant 0 : i32
        %dma_start3A_170 = tpu.memref_slice %arg16[%dma_start3A_168, %dma_start3A_169] : memref<1280x8xf32, #tpu.memory_space<vmem>> -> memref<128x8xf32, #tpu.memory_space<vmem>>
        %dma_start3A_171 = arith.constant 0 : i32
        %dma_start3A_172 = tpu.memref_slice %arg14[%dma_start3A_167, %dma_start3A_171] : memref<10x128xi32, #tpu.memory_space<vmem>> -> memref<1x128xi32, #tpu.memory_space<vmem>>
        %dma_start3A_173 = tpu.memref_squeeze %dma_start3A_172 : memref<1x128xi32, #tpu.memory_space<vmem>> -> memref<128xi32, #tpu.memory_space<vmem>>
        %dma_start3A_174 = arith.constant 0 : i32
        %dma_start3A_175 = arith.constant 0 : i32
        %dma_start3A_176 = tpu.memref_slice %arg27[%dma_start3A_174, %dma_start3A_175] : memref<100000x8xf32, #tpu.memory_space<vmem_shared>> -> memref<100000x8xf32, #tpu.memory_space<vmem_shared>>
        tpu.enqueue_indirect_dma source(%dma_start3A_176 : memref<100000x8xf32, #tpu.memory_space<vmem_shared>>) target(%dma_start3A_170 : memref<128x8xf32, #tpu.memory_space<vmem>>) offsets(%dma_start3A_173 : memref<128xi32, #tpu.memory_space<vmem>>) semaphore(%arg29 : memref<!tpu.dma_semaphore, #tpu.memory_space<semaphore_mem>>)
        %dma_start3A_177 = arith.constant 1 : i32
        %dma_start3A_178 = arith.constant 128 : i32
        %dma_start3A_179 = arith.constant 0 : i32
        %dma_start3A_180 = tpu.memref_slice %arg17[%dma_start3A_178, %dma_start3A_179] : memref<1280x8xf32, #tpu.memory_space<vmem>> -> memref<128x8xf32, #tpu.memory_space<vmem>>
        %dma_start3A_181 = arith.constant 0 : i32
        %dma_start3A_182 = tpu.memref_slice %arg15[%dma_start3A_177, %dma_start3A_181] : memref<10x128xi32, #tpu.memory_space<vmem>> -> memref<1x128xi32, #tpu.memory_space<vmem>>
        %dma_start3A_183 = tpu.memref_squeeze %dma_start3A_182 : memref<1x128xi32, #tpu.memory_space<vmem>> -> memref<128xi32, #tpu.memory_space<vmem>>
        %dma_start3A_184 = arith.constant 0 : i32
        %dma_start3A_185 = arith.constant 0 : i32
        %dma_start3A_186 = tpu.memref_slice %arg27[%dma_start3A_184, %dma_start3A_185] : memref<100000x8xf32, #tpu.memory_space<vmem_shared>> -> memref<100000x8xf32, #tpu.memory_space<vmem_shared>>
        tpu.enqueue_indirect_dma source(%dma_start3A_186 : memref<100000x8xf32, #tpu.memory_space<vmem_shared>>) target(%dma_start3A_180 : memref<128x8xf32, #tpu.memory_space<vmem>>) offsets(%dma_start3A_183 : memref<128xi32, #tpu.memory_space<vmem>>) semaphore(%arg29 : memref<!tpu.dma_semaphore, #tpu.memory_space<semaphore_mem>>)
        %dma_start3A_187 = arith.constant 2 : i32
        %dma_start3A_188 = arith.constant 256 : i32
        %dma_start3A_189 = arith.constant 0 : i32
        %dma_start3A_190 = tpu.memref_slice %arg16[%dma_start3A_188, %dma_start3A_189] : memref<1280x8xf32, #tpu.memory_space<vmem>> -> memref<128x8xf32, #tpu.memory_space<vmem>>
        %dma_start3A_191 = arith.constant 0 : i32
        %dma_start3A_192 = tpu.memref_slice %arg14[%dma_start3A_187, %dma_start3A_191] : memref<10x128xi32, #tpu.memory_space<vmem>> -> memref<1x128xi32, #tpu.memory_space<vmem>>
        %dma_start3A_193 = tpu.memref_squeeze %dma_start3A_192 : memref<1x128xi32, #tpu.memory_space<vmem>> -> memref<128xi32, #tpu.memory_space<vmem>>
        %dma_start3A_194 = arith.constant 0 : i32
        %dma_start3A_195 = arith.constant 0 : i32
        %dma_start3A_196 = tpu.memref_slice %arg27[%dma_start3A_194, %dma_start3A_195] : memref<100000x8xf32, #tpu.memory_space<vmem_shared>> -> memref<100000x8xf32, #tpu.memory_space<vmem_shared>>
        tpu.enqueue_indirect_dma source(%dma_start3A_196 : memref<100000x8xf32, #tpu.memory_space<vmem_shared>>) target(%dma_start3A_190 : memref<128x8xf32, #tpu.memory_space<vmem>>) offsets(%dma_start3A_193 : memref<128xi32, #tpu.memory_space<vmem>>) semaphore(%arg29 : memref<!tpu.dma_semaphore, #tpu.memory_space<semaphore_mem>>)
        %dma_start3A_197 = arith.constant 2 : i32
        %dma_start3A_198 = arith.constant 256 : i32
        %dma_start3A_199 = arith.constant 0 : i32
        %dma_start3A_200 = tpu.memref_slice %arg17[%dma_start3A_198, %dma_start3A_199] : memref<1280x8xf32, #tpu.memory_space<vmem>> -> memref<128x8xf32, #tpu.memory_space<vmem>>
        %dma_start3A_201 = arith.constant 0 : i32
        %dma_start3A_202 = tpu.memref_slice %arg15[%dma_start3A_197, %dma_start3A_201] : memref<10x128xi32, #tpu.memory_space<vmem>> -> memref<1x128xi32, #tpu.memory_space<vmem>>
        %dma_start3A_203 = tpu.memref_squeeze %dma_start3A_202 : memref<1x128xi32, #tpu.memory_space<vmem>> -> memref<128xi32, #tpu.memory_space<vmem>>
        %dma_start3A_204 = arith.constant 0 : i32
        %dma_start3A_205 = arith.constant 0 : i32
        %dma_start3A_206 = tpu.memref_slice %arg27[%dma_start3A_204, %dma_start3A_205] : memref<100000x8xf32, #tpu.memory_space<vmem_shared>> -> memref<100000x8xf32, #tpu.memory_space<vmem_shared>>
        tpu.enqueue_indirect_dma source(%dma_start3A_206 : memref<100000x8xf32, #tpu.memory_space<vmem_shared>>) target(%dma_start3A_200 : memref<128x8xf32, #tpu.memory_space<vmem>>) offsets(%dma_start3A_203 : memref<128xi32, #tpu.memory_space<vmem>>) semaphore(%arg29 : memref<!tpu.dma_semaphore, #tpu.memory_space<semaphore_mem>>)
        %dma_start3A_207 = arith.constant 3 : i32
        %dma_start3A_208 = arith.constant 384 : i32
        %dma_start3A_209 = arith.constant 0 : i32
        %dma_start3A_210 = tpu.memref_slice %arg16[%dma_start3A_208, %dma_start3A_209] : memref<1280x8xf32, #tpu.memory_space<vmem>> -> memref<128x8xf32, #tpu.memory_space<vmem>>
        %dma_start3A_211 = arith.constant 0 : i32
        %dma_start3A_212 = tpu.memref_slice %arg14[%dma_start3A_207, %dma_start3A_211] : memref<10x128xi32, #tpu.memory_space<vmem>> -> memref<1x128xi32, #tpu.memory_space<vmem>>
        %dma_start3A_213 = tpu.memref_squeeze %dma_start3A_212 : memref<1x128xi32, #tpu.memory_space<vmem>> -> memref<128xi32, #tpu.memory_space<vmem>>
        %dma_start3A_214 = arith.constant 0 : i32
        %dma_start3A_215 = arith.constant 0 : i32
        %dma_start3A_216 = tpu.memref_slice %arg27[%dma_start3A_214, %dma_start3A_215] : memref<100000x8xf32, #tpu.memory_space<vmem_shared>> -> memref<100000x8xf32, #tpu.memory_space<vmem_shared>>
        tpu.enqueue_indirect_dma source(%dma_start3A_216 : memref<100000x8xf32, #tpu.memory_space<vmem_shared>>) target(%dma_start3A_210 : memref<128x8xf32, #tpu.memory_space<vmem>>) offsets(%dma_start3A_213 : memref<128xi32, #tpu.memory_space<vmem>>) semaphore(%arg29 : memref<!tpu.dma_semaphore, #tpu.memory_space<semaphore_mem>>)
        %dma_start3A_217 = arith.constant 3 : i32
        %dma_start3A_218 = arith.constant 384 : i32
        %dma_start3A_219 = arith.constant 0 : i32
        %dma_start3A_220 = tpu.memref_slice %arg17[%dma_start3A_218, %dma_start3A_219] : memref<1280x8xf32, #tpu.memory_space<vmem>> -> memref<128x8xf32, #tpu.memory_space<vmem>>
        %dma_start3A_221 = arith.constant 0 : i32
        %dma_start3A_222 = tpu.memref_slice %arg15[%dma_start3A_217, %dma_start3A_221] : memref<10x128xi32, #tpu.memory_space<vmem>> -> memref<1x128xi32, #tpu.memory_space<vmem>>
        %dma_start3A_223 = tpu.memref_squeeze %dma_start3A_222 : memref<1x128xi32, #tpu.memory_space<vmem>> -> memref<128xi32, #tpu.memory_space<vmem>>
        %dma_start3A_224 = arith.constant 0 : i32
        %dma_start3A_225 = arith.constant 0 : i32
        %dma_start3A_226 = tpu.memref_slice %arg27[%dma_start3A_224, %dma_start3A_225] : memref<100000x8xf32, #tpu.memory_space<vmem_shared>> -> memref<100000x8xf32, #tpu.memory_space<vmem_shared>>
        tpu.enqueue_indirect_dma source(%dma_start3A_226 : memref<100000x8xf32, #tpu.memory_space<vmem_shared>>) target(%dma_start3A_220 : memref<128x8xf32, #tpu.memory_space<vmem>>) offsets(%dma_start3A_223 : memref<128xi32, #tpu.memory_space<vmem>>) semaphore(%arg29 : memref<!tpu.dma_semaphore, #tpu.memory_space<semaphore_mem>>)
        %dma_start3A_227 = arith.constant 4 : i32
        %dma_start3A_228 = arith.constant 512 : i32
        %dma_start3A_229 = arith.constant 0 : i32
        %dma_start3A_230 = tpu.memref_slice %arg16[%dma_start3A_228, %dma_start3A_229] : memref<1280x8xf32, #tpu.memory_space<vmem>> -> memref<128x8xf32, #tpu.memory_space<vmem>>
        %dma_start3A_231 = arith.constant 0 : i32
        %dma_start3A_232 = tpu.memref_slice %arg14[%dma_start3A_227, %dma_start3A_231] : memref<10x128xi32, #tpu.memory_space<vmem>> -> memref<1x128xi32, #tpu.memory_space<vmem>>
        %dma_start3A_233 = tpu.memref_squeeze %dma_start3A_232 : memref<1x128xi32, #tpu.memory_space<vmem>> -> memref<128xi32, #tpu.memory_space<vmem>>
        %dma_start3A_234 = arith.constant 0 : i32
        %dma_start3A_235 = arith.constant 0 : i32
        %dma_start3A_236 = tpu.memref_slice %arg27[%dma_start3A_234, %dma_start3A_235] : memref<100000x8xf32, #tpu.memory_space<vmem_shared>> -> memref<100000x8xf32, #tpu.memory_space<vmem_shared>>
        tpu.enqueue_indirect_dma source(%dma_start3A_236 : memref<100000x8xf32, #tpu.memory_space<vmem_shared>>) target(%dma_start3A_230 : memref<128x8xf32, #tpu.memory_space<vmem>>) offsets(%dma_start3A_233 : memref<128xi32, #tpu.memory_space<vmem>>) semaphore(%arg29 : memref<!tpu.dma_semaphore, #tpu.memory_space<semaphore_mem>>)
        %dma_start3A_237 = arith.constant 4 : i32
        %dma_start3A_238 = arith.constant 512 : i32
        %dma_start3A_239 = arith.constant 0 : i32
        %dma_start3A_240 = tpu.memref_slice %arg17[%dma_start3A_238, %dma_start3A_239] : memref<1280x8xf32, #tpu.memory_space<vmem>> -> memref<128x8xf32, #tpu.memory_space<vmem>>
        %dma_start3A_241 = arith.constant 0 : i32
        %dma_start3A_242 = tpu.memref_slice %arg15[%dma_start3A_237, %dma_start3A_241] : memref<10x128xi32, #tpu.memory_space<vmem>> -> memref<1x128xi32, #tpu.memory_space<vmem>>
        %dma_start3A_243 = tpu.memref_squeeze %dma_start3A_242 : memref<1x128xi32, #tpu.memory_space<vmem>> -> memref<128xi32, #tpu.memory_space<vmem>>
        %dma_start3A_244 = arith.constant 0 : i32
        %dma_start3A_245 = arith.constant 0 : i32
        %dma_start3A_246 = tpu.memref_slice %arg27[%dma_start3A_244, %dma_start3A_245] : memref<100000x8xf32, #tpu.memory_space<vmem_shared>> -> memref<100000x8xf32, #tpu.memory_space<vmem_shared>>
        tpu.enqueue_indirect_dma source(%dma_start3A_246 : memref<100000x8xf32, #tpu.memory_space<vmem_shared>>) target(%dma_start3A_240 : memref<128x8xf32, #tpu.memory_space<vmem>>) offsets(%dma_start3A_243 : memref<128xi32, #tpu.memory_space<vmem>>) semaphore(%arg29 : memref<!tpu.dma_semaphore, #tpu.memory_space<semaphore_mem>>)
        %dma_start3A_247 = arith.constant 5 : i32
        %dma_start3A_248 = arith.constant 640 : i32
        %dma_start3A_249 = arith.constant 0 : i32
        %dma_start3A_250 = tpu.memref_slice %arg16[%dma_start3A_248, %dma_start3A_249] : memref<1280x8xf32, #tpu.memory_space<vmem>> -> memref<128x8xf32, #tpu.memory_space<vmem>>
        %dma_start3A_251 = arith.constant 0 : i32
        %dma_start3A_252 = tpu.memref_slice %arg14[%dma_start3A_247, %dma_start3A_251] : memref<10x128xi32, #tpu.memory_space<vmem>> -> memref<1x128xi32, #tpu.memory_space<vmem>>
        %dma_start3A_253 = tpu.memref_squeeze %dma_start3A_252 : memref<1x128xi32, #tpu.memory_space<vmem>> -> memref<128xi32, #tpu.memory_space<vmem>>
        %dma_start3A_254 = arith.constant 0 : i32
        %dma_start3A_255 = arith.constant 0 : i32
        %dma_start3A_256 = tpu.memref_slice %arg27[%dma_start3A_254, %dma_start3A_255] : memref<100000x8xf32, #tpu.memory_space<vmem_shared>> -> memref<100000x8xf32, #tpu.memory_space<vmem_shared>>
        tpu.enqueue_indirect_dma source(%dma_start3A_256 : memref<100000x8xf32, #tpu.memory_space<vmem_shared>>) target(%dma_start3A_250 : memref<128x8xf32, #tpu.memory_space<vmem>>) offsets(%dma_start3A_253 : memref<128xi32, #tpu.memory_space<vmem>>) semaphore(%arg29 : memref<!tpu.dma_semaphore, #tpu.memory_space<semaphore_mem>>)
        %dma_start3A_257 = arith.constant 5 : i32
        %dma_start3A_258 = arith.constant 640 : i32
        %dma_start3A_259 = arith.constant 0 : i32
        %dma_start3A_260 = tpu.memref_slice %arg17[%dma_start3A_258, %dma_start3A_259] : memref<1280x8xf32, #tpu.memory_space<vmem>> -> memref<128x8xf32, #tpu.memory_space<vmem>>
        %dma_start3A_261 = arith.constant 0 : i32
        %dma_start3A_262 = tpu.memref_slice %arg15[%dma_start3A_257, %dma_start3A_261] : memref<10x128xi32, #tpu.memory_space<vmem>> -> memref<1x128xi32, #tpu.memory_space<vmem>>
        %dma_start3A_263 = tpu.memref_squeeze %dma_start3A_262 : memref<1x128xi32, #tpu.memory_space<vmem>> -> memref<128xi32, #tpu.memory_space<vmem>>
        %dma_start3A_264 = arith.constant 0 : i32
        %dma_start3A_265 = arith.constant 0 : i32
        %dma_start3A_266 = tpu.memref_slice %arg27[%dma_start3A_264, %dma_start3A_265] : memref<100000x8xf32, #tpu.memory_space<vmem_shared>> -> memref<100000x8xf32, #tpu.memory_space<vmem_shared>>
        tpu.enqueue_indirect_dma source(%dma_start3A_266 : memref<100000x8xf32, #tpu.memory_space<vmem_shared>>) target(%dma_start3A_260 : memref<128x8xf32, #tpu.memory_space<vmem>>) offsets(%dma_start3A_263 : memref<128xi32, #tpu.memory_space<vmem>>) semaphore(%arg29 : memref<!tpu.dma_semaphore, #tpu.memory_space<semaphore_mem>>)
        %dma_start3A_267 = arith.constant 6 : i32
        %dma_start3A_268 = arith.constant 768 : i32
        %dma_start3A_269 = arith.constant 0 : i32
        %dma_start3A_270 = tpu.memref_slice %arg16[%dma_start3A_268, %dma_start3A_269] : memref<1280x8xf32, #tpu.memory_space<vmem>> -> memref<128x8xf32, #tpu.memory_space<vmem>>
        %dma_start3A_271 = arith.constant 0 : i32
        %dma_start3A_272 = tpu.memref_slice %arg14[%dma_start3A_267, %dma_start3A_271] : memref<10x128xi32, #tpu.memory_space<vmem>> -> memref<1x128xi32, #tpu.memory_space<vmem>>
        %dma_start3A_273 = tpu.memref_squeeze %dma_start3A_272 : memref<1x128xi32, #tpu.memory_space<vmem>> -> memref<128xi32, #tpu.memory_space<vmem>>
        %dma_start3A_274 = arith.constant 0 : i32
        %dma_start3A_275 = arith.constant 0 : i32
        %dma_start3A_276 = tpu.memref_slice %arg27[%dma_start3A_274, %dma_start3A_275] : memref<100000x8xf32, #tpu.memory_space<vmem_shared>> -> memref<100000x8xf32, #tpu.memory_space<vmem_shared>>
        tpu.enqueue_indirect_dma source(%dma_start3A_276 : memref<100000x8xf32, #tpu.memory_space<vmem_shared>>) target(%dma_start3A_270 : memref<128x8xf32, #tpu.memory_space<vmem>>) offsets(%dma_start3A_273 : memref<128xi32, #tpu.memory_space<vmem>>) semaphore(%arg29 : memref<!tpu.dma_semaphore, #tpu.memory_space<semaphore_mem>>)
        %dma_start3A_277 = arith.constant 6 : i32
        %dma_start3A_278 = arith.constant 768 : i32
        %dma_start3A_279 = arith.constant 0 : i32
        %dma_start3A_280 = tpu.memref_slice %arg17[%dma_start3A_278, %dma_start3A_279] : memref<1280x8xf32, #tpu.memory_space<vmem>> -> memref<128x8xf32, #tpu.memory_space<vmem>>
        %dma_start3A_281 = arith.constant 0 : i32
        %dma_start3A_282 = tpu.memref_slice %arg15[%dma_start3A_277, %dma_start3A_281] : memref<10x128xi32, #tpu.memory_space<vmem>> -> memref<1x128xi32, #tpu.memory_space<vmem>>
        %dma_start3A_283 = tpu.memref_squeeze %dma_start3A_282 : memref<1x128xi32, #tpu.memory_space<vmem>> -> memref<128xi32, #tpu.memory_space<vmem>>
        %dma_start3A_284 = arith.constant 0 : i32
        %dma_start3A_285 = arith.constant 0 : i32
        %dma_start3A_286 = tpu.memref_slice %arg27[%dma_start3A_284, %dma_start3A_285] : memref<100000x8xf32, #tpu.memory_space<vmem_shared>> -> memref<100000x8xf32, #tpu.memory_space<vmem_shared>>
        tpu.enqueue_indirect_dma source(%dma_start3A_286 : memref<100000x8xf32, #tpu.memory_space<vmem_shared>>) target(%dma_start3A_280 : memref<128x8xf32, #tpu.memory_space<vmem>>) offsets(%dma_start3A_283 : memref<128xi32, #tpu.memory_space<vmem>>) semaphore(%arg29 : memref<!tpu.dma_semaphore, #tpu.memory_space<semaphore_mem>>)
        %dma_start3A_287 = arith.constant 7 : i32
        %dma_start3A_288 = arith.constant 896 : i32
        %dma_start3A_289 = arith.constant 0 : i32
        %dma_start3A_290 = tpu.memref_slice %arg16[%dma_start3A_288, %dma_start3A_289] : memref<1280x8xf32, #tpu.memory_space<vmem>> -> memref<128x8xf32, #tpu.memory_space<vmem>>
        %dma_start3A_291 = arith.constant 0 : i32
        %dma_start3A_292 = tpu.memref_slice %arg14[%dma_start3A_287, %dma_start3A_291] : memref<10x128xi32, #tpu.memory_space<vmem>> -> memref<1x128xi32, #tpu.memory_space<vmem>>
        %dma_start3A_293 = tpu.memref_squeeze %dma_start3A_292 : memref<1x128xi32, #tpu.memory_space<vmem>> -> memref<128xi32, #tpu.memory_space<vmem>>
        %dma_start3A_294 = arith.constant 0 : i32
        %dma_start3A_295 = arith.constant 0 : i32
        %dma_start3A_296 = tpu.memref_slice %arg27[%dma_start3A_294, %dma_start3A_295] : memref<100000x8xf32, #tpu.memory_space<vmem_shared>> -> memref<100000x8xf32, #tpu.memory_space<vmem_shared>>
        tpu.enqueue_indirect_dma source(%dma_start3A_296 : memref<100000x8xf32, #tpu.memory_space<vmem_shared>>) target(%dma_start3A_290 : memref<128x8xf32, #tpu.memory_space<vmem>>) offsets(%dma_start3A_293 : memref<128xi32, #tpu.memory_space<vmem>>) semaphore(%arg29 : memref<!tpu.dma_semaphore, #tpu.memory_space<semaphore_mem>>)
        %dma_start3A_297 = arith.constant 7 : i32
        %dma_start3A_298 = arith.constant 896 : i32
        %dma_start3A_299 = arith.constant 0 : i32
        %dma_start3A_300 = tpu.memref_slice %arg17[%dma_start3A_298, %dma_start3A_299] : memref<1280x8xf32, #tpu.memory_space<vmem>> -> memref<128x8xf32, #tpu.memory_space<vmem>>
        %dma_start3A_301 = arith.constant 0 : i32
        %dma_start3A_302 = tpu.memref_slice %arg15[%dma_start3A_297, %dma_start3A_301] : memref<10x128xi32, #tpu.memory_space<vmem>> -> memref<1x128xi32, #tpu.memory_space<vmem>>
        %dma_start3A_303 = tpu.memref_squeeze %dma_start3A_302 : memref<1x128xi32, #tpu.memory_space<vmem>> -> memref<128xi32, #tpu.memory_space<vmem>>
        %dma_start3A_304 = arith.constant 0 : i32
        %dma_start3A_305 = arith.constant 0 : i32
        %dma_start3A_306 = tpu.memref_slice %arg27[%dma_start3A_304, %dma_start3A_305] : memref<100000x8xf32, #tpu.memory_space<vmem_shared>> -> memref<100000x8xf32, #tpu.memory_space<vmem_shared>>
        tpu.enqueue_indirect_dma source(%dma_start3A_306 : memref<100000x8xf32, #tpu.memory_space<vmem_shared>>) target(%dma_start3A_300 : memref<128x8xf32, #tpu.memory_space<vmem>>) offsets(%dma_start3A_303 : memref<128xi32, #tpu.memory_space<vmem>>) semaphore(%arg29 : memref<!tpu.dma_semaphore, #tpu.memory_space<semaphore_mem>>)
        %dma_start3A_307 = arith.constant 8 : i32
        %dma_start3A_308 = arith.constant 1024 : i32
        %dma_start3A_309 = arith.constant 0 : i32
        %dma_start3A_310 = tpu.memref_slice %arg16[%dma_start3A_308, %dma_start3A_309] : memref<1280x8xf32, #tpu.memory_space<vmem>> -> memref<128x8xf32, #tpu.memory_space<vmem>>
        %dma_start3A_311 = arith.constant 0 : i32
        %dma_start3A_312 = tpu.memref_slice %arg14[%dma_start3A_307, %dma_start3A_311] : memref<10x128xi32, #tpu.memory_space<vmem>> -> memref<1x128xi32, #tpu.memory_space<vmem>>
        %dma_start3A_313 = tpu.memref_squeeze %dma_start3A_312 : memref<1x128xi32, #tpu.memory_space<vmem>> -> memref<128xi32, #tpu.memory_space<vmem>>
        %dma_start3A_314 = arith.constant 0 : i32
        %dma_start3A_315 = arith.constant 0 : i32
        %dma_start3A_316 = tpu.memref_slice %arg27[%dma_start3A_314, %dma_start3A_315] : memref<100000x8xf32, #tpu.memory_space<vmem_shared>> -> memref<100000x8xf32, #tpu.memory_space<vmem_shared>>
        tpu.enqueue_indirect_dma source(%dma_start3A_316 : memref<100000x8xf32, #tpu.memory_space<vmem_shared>>) target(%dma_start3A_310 : memref<128x8xf32, #tpu.memory_space<vmem>>) offsets(%dma_start3A_313 : memref<128xi32, #tpu.memory_space<vmem>>) semaphore(%arg29 : memref<!tpu.dma_semaphore, #tpu.memory_space<semaphore_mem>>)
        %dma_start3A_317 = arith.constant 8 : i32
        %dma_start3A_318 = arith.constant 1024 : i32
        %dma_start3A_319 = arith.constant 0 : i32
        %dma_start3A_320 = tpu.memref_slice %arg17[%dma_start3A_318, %dma_start3A_319] : memref<1280x8xf32, #tpu.memory_space<vmem>> -> memref<128x8xf32, #tpu.memory_space<vmem>>
        %dma_start3A_321 = arith.constant 0 : i32
        %dma_start3A_322 = tpu.memref_slice %arg15[%dma_start3A_317, %dma_start3A_321] : memref<10x128xi32, #tpu.memory_space<vmem>> -> memref<1x128xi32, #tpu.memory_space<vmem>>
        %dma_start3A_323 = tpu.memref_squeeze %dma_start3A_322 : memref<1x128xi32, #tpu.memory_space<vmem>> -> memref<128xi32, #tpu.memory_space<vmem>>
        %dma_start3A_324 = arith.constant 0 : i32
        %dma_start3A_325 = arith.constant 0 : i32
        %dma_start3A_326 = tpu.memref_slice %arg27[%dma_start3A_324, %dma_start3A_325] : memref<100000x8xf32, #tpu.memory_space<vmem_shared>> -> memref<100000x8xf32, #tpu.memory_space<vmem_shared>>
        tpu.enqueue_indirect_dma source(%dma_start3A_326 : memref<100000x8xf32, #tpu.memory_space<vmem_shared>>) target(%dma_start3A_320 : memref<128x8xf32, #tpu.memory_space<vmem>>) offsets(%dma_start3A_323 : memref<128xi32, #tpu.memory_space<vmem>>) semaphore(%arg29 : memref<!tpu.dma_semaphore, #tpu.memory_space<semaphore_mem>>)
        %dma_start3A_327 = arith.constant 9 : i32
        %dma_start3A_328 = arith.constant 1152 : i32
        %dma_start3A_329 = arith.constant 0 : i32
        %dma_start3A_330 = tpu.memref_slice %arg16[%dma_start3A_328, %dma_start3A_329] : memref<1280x8xf32, #tpu.memory_space<vmem>> -> memref<128x8xf32, #tpu.memory_space<vmem>>
        %dma_start3A_331 = arith.constant 0 : i32
        %dma_start3A_332 = tpu.memref_slice %arg14[%dma_start3A_327, %dma_start3A_331] : memref<10x128xi32, #tpu.memory_space<vmem>> -> memref<1x128xi32, #tpu.memory_space<vmem>>
        %dma_start3A_333 = tpu.memref_squeeze %dma_start3A_332 : memref<1x128xi32, #tpu.memory_space<vmem>> -> memref<128xi32, #tpu.memory_space<vmem>>
        %dma_start3A_334 = arith.constant 0 : i32
        %dma_start3A_335 = arith.constant 0 : i32
        %dma_start3A_336 = tpu.memref_slice %arg27[%dma_start3A_334, %dma_start3A_335] : memref<100000x8xf32, #tpu.memory_space<vmem_shared>> -> memref<100000x8xf32, #tpu.memory_space<vmem_shared>>
        tpu.enqueue_indirect_dma source(%dma_start3A_336 : memref<100000x8xf32, #tpu.memory_space<vmem_shared>>) target(%dma_start3A_330 : memref<128x8xf32, #tpu.memory_space<vmem>>) offsets(%dma_start3A_333 : memref<128xi32, #tpu.memory_space<vmem>>) semaphore(%arg29 : memref<!tpu.dma_semaphore, #tpu.memory_space<semaphore_mem>>)
        %dma_start3A_337 = arith.constant 9 : i32
        %dma_start3A_338 = arith.constant 1152 : i32
        %dma_start3A_339 = arith.constant 0 : i32
        %dma_start3A_340 = tpu.memref_slice %arg17[%dma_start3A_338, %dma_start3A_339] : memref<1280x8xf32, #tpu.memory_space<vmem>> -> memref<128x8xf32, #tpu.memory_space<vmem>>
        %dma_start3A_341 = arith.constant 0 : i32
        %dma_start3A_342 = tpu.memref_slice %arg15[%dma_start3A_337, %dma_start3A_341] : memref<10x128xi32, #tpu.memory_space<vmem>> -> memref<1x128xi32, #tpu.memory_space<vmem>>
        %dma_start3A_343 = tpu.memref_squeeze %dma_start3A_342 : memref<1x128xi32, #tpu.memory_space<vmem>> -> memref<128xi32, #tpu.memory_space<vmem>>
        %dma_start3A_344 = arith.constant 0 : i32
        %dma_start3A_345 = arith.constant 0 : i32
        %dma_start3A_346 = tpu.memref_slice %arg27[%dma_start3A_344, %dma_start3A_345] : memref<100000x8xf32, #tpu.memory_space<vmem_shared>> -> memref<100000x8xf32, #tpu.memory_space<vmem_shared>>
        tpu.enqueue_indirect_dma source(%dma_start3A_346 : memref<100000x8xf32, #tpu.memory_space<vmem_shared>>) target(%dma_start3A_340 : memref<128x8xf32, #tpu.memory_space<vmem>>) offsets(%dma_start3A_343 : memref<128xi32, #tpu.memory_space<vmem>>) semaphore(%arg29 : memref<!tpu.dma_semaphore, #tpu.memory_space<semaphore_mem>>)
      } else {
      }
      %lt3A_103 = arith.constant 5000 : i32
      %lt3A_104 = arith.cmpi slt, %add3A_93, %lt3A_103 : i32
      %convert_element_type3A_105 = arith.extui %lt3A_104 : i1 to i32
      %cond3A_106 = arith.constant 0 : i32
      %cond3A_107 = arith.cmpi ne, %convert_element_type3A_105, %cond3A_106 : i32
      scf.if %cond3A_107 {
        %ge3A_139 = arith.constant 2 : i32
        %ge3A_140 = arith.cmpi sge, %add3A_90, %ge3A_139 : i32
        %convert_element_type3A_141 = arith.extui %ge3A_140 : i1 to i32
        %cond3A_142 = arith.constant 0 : i32
        %cond3A_143 = arith.cmpi ne, %convert_element_type3A_141, %cond3A_142 : i32
        scf.if %cond3A_143 {
          %dma_wait3A_358 = arith.constant 0 : i32
          %dma_wait3A_359 = tpu.memref_slice %arg6[%dma_wait3A_358] : memref<6400000xf32, #tpu.memory_space<hbm>> -> memref<1280xf32, #tpu.memory_space<hbm>>
          %dma_wait3A_360 = arith.constant 0 : i32
          %dma_wait3A_361 = tpu.memref_slice %arg6[%dma_wait3A_360] : memref<6400000xf32, #tpu.memory_space<hbm>> -> memref<1280xf32, #tpu.memory_space<hbm>>
          tpu.wait_dma2 semaphore(%arg30 : memref<!tpu.dma_semaphore, #tpu.memory_space<semaphore_mem>>) src(%arg18 : memref<1280xf32, #tpu.memory_space<vmem>>) dst(%dma_wait3A_361 : memref<1280xf32, #tpu.memory_space<hbm>>)
          %dma_wait3A_362 = arith.constant 0 : i32
          %dma_wait3A_363 = tpu.memref_slice %arg7[%dma_wait3A_362] : memref<6400000xf32, #tpu.memory_space<hbm>> -> memref<1280xf32, #tpu.memory_space<hbm>>
          %dma_wait3A_364 = arith.constant 0 : i32
          %dma_wait3A_365 = tpu.memref_slice %arg7[%dma_wait3A_364] : memref<6400000xf32, #tpu.memory_space<hbm>> -> memref<1280xf32, #tpu.memory_space<hbm>>
          tpu.wait_dma2 semaphore(%arg30 : memref<!tpu.dma_semaphore, #tpu.memory_space<semaphore_mem>>) src(%arg19 : memref<1280xf32, #tpu.memory_space<vmem>>) dst(%dma_wait3A_365 : memref<1280xf32, #tpu.memory_space<hbm>>)
          %dma_wait3A_366 = arith.constant 0 : i32
          %dma_wait3A_367 = tpu.memref_slice %arg8[%dma_wait3A_366] : memref<6400000xf32, #tpu.memory_space<hbm>> -> memref<1280xf32, #tpu.memory_space<hbm>>
          %dma_wait3A_368 = arith.constant 0 : i32
          %dma_wait3A_369 = tpu.memref_slice %arg8[%dma_wait3A_368] : memref<6400000xf32, #tpu.memory_space<hbm>> -> memref<1280xf32, #tpu.memory_space<hbm>>
          tpu.wait_dma2 semaphore(%arg30 : memref<!tpu.dma_semaphore, #tpu.memory_space<semaphore_mem>>) src(%arg20 : memref<1280xf32, #tpu.memory_space<vmem>>) dst(%dma_wait3A_369 : memref<1280xf32, #tpu.memory_space<hbm>>)
          %dma_wait3A_370 = arith.constant 0 : i32
          %dma_wait3A_371 = tpu.memref_slice %arg9[%dma_wait3A_370] : memref<6400000xf32, #tpu.memory_space<hbm>> -> memref<1280xf32, #tpu.memory_space<hbm>>
          %dma_wait3A_372 = arith.constant 0 : i32
          %dma_wait3A_373 = tpu.memref_slice %arg9[%dma_wait3A_372] : memref<6400000xf32, #tpu.memory_space<hbm>> -> memref<1280xf32, #tpu.memory_space<hbm>>
          tpu.wait_dma2 semaphore(%arg30 : memref<!tpu.dma_semaphore, #tpu.memory_space<semaphore_mem>>) src(%arg21 : memref<1280xf32, #tpu.memory_space<vmem>>) dst(%dma_wait3A_373 : memref<1280xf32, #tpu.memory_space<hbm>>)
        } else {
        }
        %dma_wait3A = arith.constant 0 : i32
        %dma_wait3A_144 = arith.constant 0 : i32
        %dma_wait3A_145 = arith.constant 0 : i32
        %dma_wait3A_146 = tpu.memref_slice %arg12[%dma_wait3A_144, %dma_wait3A_145] : memref<1280x8xf32, #tpu.memory_space<vmem>> -> memref<128x8xf32, #tpu.memory_space<vmem>>
        %dma_wait3A_147 = arith.constant 0 : i32
        %dma_wait3A_148 = tpu.memref_slice %arg10[%dma_wait3A, %dma_wait3A_147] : memref<10x128xi32, #tpu.memory_space<vmem>> -> memref<1x128xi32, #tpu.memory_space<vmem>>
        %dma_wait3A_149 = tpu.memref_squeeze %dma_wait3A_148 : memref<1x128xi32, #tpu.memory_space<vmem>> -> memref<128xi32, #tpu.memory_space<vmem>>
        %dma_wait3A_150 = arith.constant 0 : i32
        %dma_wait3A_151 = arith.constant 0 : i32
        %dma_wait3A_152 = tpu.memref_slice %arg27[%dma_wait3A_150, %dma_wait3A_151] : memref<100000x8xf32, #tpu.memory_space<vmem_shared>> -> memref<100000x8xf32, #tpu.memory_space<vmem_shared>>
        tpu.wait_indirect_dma semaphore(%arg28 : memref<!tpu.dma_semaphore, #tpu.memory_space<semaphore_mem>>) src(%dma_wait3A_152 : memref<100000x8xf32, #tpu.memory_space<vmem_shared>>) dst(%dma_wait3A_146 : memref<128x8xf32, #tpu.memory_space<vmem>>)
        %dma_wait3A_153 = arith.constant 0 : i32
        %dma_wait3A_154 = arith.constant 0 : i32
        %dma_wait3A_155 = arith.constant 0 : i32
        %dma_wait3A_156 = tpu.memref_slice %arg13[%dma_wait3A_154, %dma_wait3A_155] : memref<1280x8xf32, #tpu.memory_space<vmem>> -> memref<128x8xf32, #tpu.memory_space<vmem>>
        %dma_wait3A_157 = arith.constant 0 : i32
        %dma_wait3A_158 = tpu.memref_slice %arg11[%dma_wait3A_153, %dma_wait3A_157] : memref<10x128xi32, #tpu.memory_space<vmem>> -> memref<1x128xi32, #tpu.memory_space<vmem>>
        %dma_wait3A_159 = tpu.memref_squeeze %dma_wait3A_158 : memref<1x128xi32, #tpu.memory_space<vmem>> -> memref<128xi32, #tpu.memory_space<vmem>>
        %dma_wait3A_160 = arith.constant 0 : i32
        %dma_wait3A_161 = arith.constant 0 : i32
        %dma_wait3A_162 = tpu.memref_slice %arg27[%dma_wait3A_160, %dma_wait3A_161] : memref<100000x8xf32, #tpu.memory_space<vmem_shared>> -> memref<100000x8xf32, #tpu.memory_space<vmem_shared>>
        tpu.wait_indirect_dma semaphore(%arg28 : memref<!tpu.dma_semaphore, #tpu.memory_space<semaphore_mem>>) src(%dma_wait3A_162 : memref<100000x8xf32, #tpu.memory_space<vmem_shared>>) dst(%dma_wait3A_156 : memref<128x8xf32, #tpu.memory_space<vmem>>)
        %dma_wait3A_163 = arith.constant 1 : i32
        %dma_wait3A_164 = arith.constant 128 : i32
        %dma_wait3A_165 = arith.constant 0 : i32
        %dma_wait3A_166 = tpu.memref_slice %arg12[%dma_wait3A_164, %dma_wait3A_165] : memref<1280x8xf32, #tpu.memory_space<vmem>> -> memref<128x8xf32, #tpu.memory_space<vmem>>
        %dma_wait3A_167 = arith.constant 0 : i32
        %dma_wait3A_168 = tpu.memref_slice %arg10[%dma_wait3A_163, %dma_wait3A_167] : memref<10x128xi32, #tpu.memory_space<vmem>> -> memref<1x128xi32, #tpu.memory_space<vmem>>
        %dma_wait3A_169 = tpu.memref_squeeze %dma_wait3A_168 : memref<1x128xi32, #tpu.memory_space<vmem>> -> memref<128xi32, #tpu.memory_space<vmem>>
        %dma_wait3A_170 = arith.constant 0 : i32
        %dma_wait3A_171 = arith.constant 0 : i32
        %dma_wait3A_172 = tpu.memref_slice %arg27[%dma_wait3A_170, %dma_wait3A_171] : memref<100000x8xf32, #tpu.memory_space<vmem_shared>> -> memref<100000x8xf32, #tpu.memory_space<vmem_shared>>
        tpu.wait_indirect_dma semaphore(%arg28 : memref<!tpu.dma_semaphore, #tpu.memory_space<semaphore_mem>>) src(%dma_wait3A_172 : memref<100000x8xf32, #tpu.memory_space<vmem_shared>>) dst(%dma_wait3A_166 : memref<128x8xf32, #tpu.memory_space<vmem>>)
        %dma_wait3A_173 = arith.constant 1 : i32
        %dma_wait3A_174 = arith.constant 128 : i32
        %dma_wait3A_175 = arith.constant 0 : i32
        %dma_wait3A_176 = tpu.memref_slice %arg13[%dma_wait3A_174, %dma_wait3A_175] : memref<1280x8xf32, #tpu.memory_space<vmem>> -> memref<128x8xf32, #tpu.memory_space<vmem>>
        %dma_wait3A_177 = arith.constant 0 : i32
        %dma_wait3A_178 = tpu.memref_slice %arg11[%dma_wait3A_173, %dma_wait3A_177] : memref<10x128xi32, #tpu.memory_space<vmem>> -> memref<1x128xi32, #tpu.memory_space<vmem>>
        %dma_wait3A_179 = tpu.memref_squeeze %dma_wait3A_178 : memref<1x128xi32, #tpu.memory_space<vmem>> -> memref<128xi32, #tpu.memory_space<vmem>>
        %dma_wait3A_180 = arith.constant 0 : i32
        %dma_wait3A_181 = arith.constant 0 : i32
        %dma_wait3A_182 = tpu.memref_slice %arg27[%dma_wait3A_180, %dma_wait3A_181] : memref<100000x8xf32, #tpu.memory_space<vmem_shared>> -> memref<100000x8xf32, #tpu.memory_space<vmem_shared>>
        tpu.wait_indirect_dma semaphore(%arg28 : memref<!tpu.dma_semaphore, #tpu.memory_space<semaphore_mem>>) src(%dma_wait3A_182 : memref<100000x8xf32, #tpu.memory_space<vmem_shared>>) dst(%dma_wait3A_176 : memref<128x8xf32, #tpu.memory_space<vmem>>)
        %dma_wait3A_183 = arith.constant 2 : i32
        %dma_wait3A_184 = arith.constant 256 : i32
        %dma_wait3A_185 = arith.constant 0 : i32
        %dma_wait3A_186 = tpu.memref_slice %arg12[%dma_wait3A_184, %dma_wait3A_185] : memref<1280x8xf32, #tpu.memory_space<vmem>> -> memref<128x8xf32, #tpu.memory_space<vmem>>
        %dma_wait3A_187 = arith.constant 0 : i32
        %dma_wait3A_188 = tpu.memref_slice %arg10[%dma_wait3A_183, %dma_wait3A_187] : memref<10x128xi32, #tpu.memory_space<vmem>> -> memref<1x128xi32, #tpu.memory_space<vmem>>
        %dma_wait3A_189 = tpu.memref_squeeze %dma_wait3A_188 : memref<1x128xi32, #tpu.memory_space<vmem>> -> memref<128xi32, #tpu.memory_space<vmem>>
        %dma_wait3A_190 = arith.constant 0 : i32
        %dma_wait3A_191 = arith.constant 0 : i32
        %dma_wait3A_192 = tpu.memref_slice %arg27[%dma_wait3A_190, %dma_wait3A_191] : memref<100000x8xf32, #tpu.memory_space<vmem_shared>> -> memref<100000x8xf32, #tpu.memory_space<vmem_shared>>
        tpu.wait_indirect_dma semaphore(%arg28 : memref<!tpu.dma_semaphore, #tpu.memory_space<semaphore_mem>>) src(%dma_wait3A_192 : memref<100000x8xf32, #tpu.memory_space<vmem_shared>>) dst(%dma_wait3A_186 : memref<128x8xf32, #tpu.memory_space<vmem>>)
        %dma_wait3A_193 = arith.constant 2 : i32
        %dma_wait3A_194 = arith.constant 256 : i32
        %dma_wait3A_195 = arith.constant 0 : i32
        %dma_wait3A_196 = tpu.memref_slice %arg13[%dma_wait3A_194, %dma_wait3A_195] : memref<1280x8xf32, #tpu.memory_space<vmem>> -> memref<128x8xf32, #tpu.memory_space<vmem>>
        %dma_wait3A_197 = arith.constant 0 : i32
        %dma_wait3A_198 = tpu.memref_slice %arg11[%dma_wait3A_193, %dma_wait3A_197] : memref<10x128xi32, #tpu.memory_space<vmem>> -> memref<1x128xi32, #tpu.memory_space<vmem>>
        %dma_wait3A_199 = tpu.memref_squeeze %dma_wait3A_198 : memref<1x128xi32, #tpu.memory_space<vmem>> -> memref<128xi32, #tpu.memory_space<vmem>>
        %dma_wait3A_200 = arith.constant 0 : i32
        %dma_wait3A_201 = arith.constant 0 : i32
        %dma_wait3A_202 = tpu.memref_slice %arg27[%dma_wait3A_200, %dma_wait3A_201] : memref<100000x8xf32, #tpu.memory_space<vmem_shared>> -> memref<100000x8xf32, #tpu.memory_space<vmem_shared>>
        tpu.wait_indirect_dma semaphore(%arg28 : memref<!tpu.dma_semaphore, #tpu.memory_space<semaphore_mem>>) src(%dma_wait3A_202 : memref<100000x8xf32, #tpu.memory_space<vmem_shared>>) dst(%dma_wait3A_196 : memref<128x8xf32, #tpu.memory_space<vmem>>)
        %dma_wait3A_203 = arith.constant 3 : i32
        %dma_wait3A_204 = arith.constant 384 : i32
        %dma_wait3A_205 = arith.constant 0 : i32
        %dma_wait3A_206 = tpu.memref_slice %arg12[%dma_wait3A_204, %dma_wait3A_205] : memref<1280x8xf32, #tpu.memory_space<vmem>> -> memref<128x8xf32, #tpu.memory_space<vmem>>
        %dma_wait3A_207 = arith.constant 0 : i32
        %dma_wait3A_208 = tpu.memref_slice %arg10[%dma_wait3A_203, %dma_wait3A_207] : memref<10x128xi32, #tpu.memory_space<vmem>> -> memref<1x128xi32, #tpu.memory_space<vmem>>
        %dma_wait3A_209 = tpu.memref_squeeze %dma_wait3A_208 : memref<1x128xi32, #tpu.memory_space<vmem>> -> memref<128xi32, #tpu.memory_space<vmem>>
        %dma_wait3A_210 = arith.constant 0 : i32
        %dma_wait3A_211 = arith.constant 0 : i32
        %dma_wait3A_212 = tpu.memref_slice %arg27[%dma_wait3A_210, %dma_wait3A_211] : memref<100000x8xf32, #tpu.memory_space<vmem_shared>> -> memref<100000x8xf32, #tpu.memory_space<vmem_shared>>
        tpu.wait_indirect_dma semaphore(%arg28 : memref<!tpu.dma_semaphore, #tpu.memory_space<semaphore_mem>>) src(%dma_wait3A_212 : memref<100000x8xf32, #tpu.memory_space<vmem_shared>>) dst(%dma_wait3A_206 : memref<128x8xf32, #tpu.memory_space<vmem>>)
        %dma_wait3A_213 = arith.constant 3 : i32
        %dma_wait3A_214 = arith.constant 384 : i32
        %dma_wait3A_215 = arith.constant 0 : i32
        %dma_wait3A_216 = tpu.memref_slice %arg13[%dma_wait3A_214, %dma_wait3A_215] : memref<1280x8xf32, #tpu.memory_space<vmem>> -> memref<128x8xf32, #tpu.memory_space<vmem>>
        %dma_wait3A_217 = arith.constant 0 : i32
        %dma_wait3A_218 = tpu.memref_slice %arg11[%dma_wait3A_213, %dma_wait3A_217] : memref<10x128xi32, #tpu.memory_space<vmem>> -> memref<1x128xi32, #tpu.memory_space<vmem>>
        %dma_wait3A_219 = tpu.memref_squeeze %dma_wait3A_218 : memref<1x128xi32, #tpu.memory_space<vmem>> -> memref<128xi32, #tpu.memory_space<vmem>>
        %dma_wait3A_220 = arith.constant 0 : i32
        %dma_wait3A_221 = arith.constant 0 : i32
        %dma_wait3A_222 = tpu.memref_slice %arg27[%dma_wait3A_220, %dma_wait3A_221] : memref<100000x8xf32, #tpu.memory_space<vmem_shared>> -> memref<100000x8xf32, #tpu.memory_space<vmem_shared>>
        tpu.wait_indirect_dma semaphore(%arg28 : memref<!tpu.dma_semaphore, #tpu.memory_space<semaphore_mem>>) src(%dma_wait3A_222 : memref<100000x8xf32, #tpu.memory_space<vmem_shared>>) dst(%dma_wait3A_216 : memref<128x8xf32, #tpu.memory_space<vmem>>)
        %dma_wait3A_223 = arith.constant 4 : i32
        %dma_wait3A_224 = arith.constant 512 : i32
        %dma_wait3A_225 = arith.constant 0 : i32
        %dma_wait3A_226 = tpu.memref_slice %arg12[%dma_wait3A_224, %dma_wait3A_225] : memref<1280x8xf32, #tpu.memory_space<vmem>> -> memref<128x8xf32, #tpu.memory_space<vmem>>
        %dma_wait3A_227 = arith.constant 0 : i32
        %dma_wait3A_228 = tpu.memref_slice %arg10[%dma_wait3A_223, %dma_wait3A_227] : memref<10x128xi32, #tpu.memory_space<vmem>> -> memref<1x128xi32, #tpu.memory_space<vmem>>
        %dma_wait3A_229 = tpu.memref_squeeze %dma_wait3A_228 : memref<1x128xi32, #tpu.memory_space<vmem>> -> memref<128xi32, #tpu.memory_space<vmem>>
        %dma_wait3A_230 = arith.constant 0 : i32
        %dma_wait3A_231 = arith.constant 0 : i32
        %dma_wait3A_232 = tpu.memref_slice %arg27[%dma_wait3A_230, %dma_wait3A_231] : memref<100000x8xf32, #tpu.memory_space<vmem_shared>> -> memref<100000x8xf32, #tpu.memory_space<vmem_shared>>
        tpu.wait_indirect_dma semaphore(%arg28 : memref<!tpu.dma_semaphore, #tpu.memory_space<semaphore_mem>>) src(%dma_wait3A_232 : memref<100000x8xf32, #tpu.memory_space<vmem_shared>>) dst(%dma_wait3A_226 : memref<128x8xf32, #tpu.memory_space<vmem>>)
        %dma_wait3A_233 = arith.constant 4 : i32
        %dma_wait3A_234 = arith.constant 512 : i32
        %dma_wait3A_235 = arith.constant 0 : i32
        %dma_wait3A_236 = tpu.memref_slice %arg13[%dma_wait3A_234, %dma_wait3A_235] : memref<1280x8xf32, #tpu.memory_space<vmem>> -> memref<128x8xf32, #tpu.memory_space<vmem>>
        %dma_wait3A_237 = arith.constant 0 : i32
        %dma_wait3A_238 = tpu.memref_slice %arg11[%dma_wait3A_233, %dma_wait3A_237] : memref<10x128xi32, #tpu.memory_space<vmem>> -> memref<1x128xi32, #tpu.memory_space<vmem>>
        %dma_wait3A_239 = tpu.memref_squeeze %dma_wait3A_238 : memref<1x128xi32, #tpu.memory_space<vmem>> -> memref<128xi32, #tpu.memory_space<vmem>>
        %dma_wait3A_240 = arith.constant 0 : i32
        %dma_wait3A_241 = arith.constant 0 : i32
        %dma_wait3A_242 = tpu.memref_slice %arg27[%dma_wait3A_240, %dma_wait3A_241] : memref<100000x8xf32, #tpu.memory_space<vmem_shared>> -> memref<100000x8xf32, #tpu.memory_space<vmem_shared>>
        tpu.wait_indirect_dma semaphore(%arg28 : memref<!tpu.dma_semaphore, #tpu.memory_space<semaphore_mem>>) src(%dma_wait3A_242 : memref<100000x8xf32, #tpu.memory_space<vmem_shared>>) dst(%dma_wait3A_236 : memref<128x8xf32, #tpu.memory_space<vmem>>)
        %dma_wait3A_243 = arith.constant 5 : i32
        %dma_wait3A_244 = arith.constant 640 : i32
        %dma_wait3A_245 = arith.constant 0 : i32
        %dma_wait3A_246 = tpu.memref_slice %arg12[%dma_wait3A_244, %dma_wait3A_245] : memref<1280x8xf32, #tpu.memory_space<vmem>> -> memref<128x8xf32, #tpu.memory_space<vmem>>
        %dma_wait3A_247 = arith.constant 0 : i32
        %dma_wait3A_248 = tpu.memref_slice %arg10[%dma_wait3A_243, %dma_wait3A_247] : memref<10x128xi32, #tpu.memory_space<vmem>> -> memref<1x128xi32, #tpu.memory_space<vmem>>
        %dma_wait3A_249 = tpu.memref_squeeze %dma_wait3A_248 : memref<1x128xi32, #tpu.memory_space<vmem>> -> memref<128xi32, #tpu.memory_space<vmem>>
        %dma_wait3A_250 = arith.constant 0 : i32
        %dma_wait3A_251 = arith.constant 0 : i32
        %dma_wait3A_252 = tpu.memref_slice %arg27[%dma_wait3A_250, %dma_wait3A_251] : memref<100000x8xf32, #tpu.memory_space<vmem_shared>> -> memref<100000x8xf32, #tpu.memory_space<vmem_shared>>
        tpu.wait_indirect_dma semaphore(%arg28 : memref<!tpu.dma_semaphore, #tpu.memory_space<semaphore_mem>>) src(%dma_wait3A_252 : memref<100000x8xf32, #tpu.memory_space<vmem_shared>>) dst(%dma_wait3A_246 : memref<128x8xf32, #tpu.memory_space<vmem>>)
        %dma_wait3A_253 = arith.constant 5 : i32
        %dma_wait3A_254 = arith.constant 640 : i32
        %dma_wait3A_255 = arith.constant 0 : i32
        %dma_wait3A_256 = tpu.memref_slice %arg13[%dma_wait3A_254, %dma_wait3A_255] : memref<1280x8xf32, #tpu.memory_space<vmem>> -> memref<128x8xf32, #tpu.memory_space<vmem>>
        %dma_wait3A_257 = arith.constant 0 : i32
        %dma_wait3A_258 = tpu.memref_slice %arg11[%dma_wait3A_253, %dma_wait3A_257] : memref<10x128xi32, #tpu.memory_space<vmem>> -> memref<1x128xi32, #tpu.memory_space<vmem>>
        %dma_wait3A_259 = tpu.memref_squeeze %dma_wait3A_258 : memref<1x128xi32, #tpu.memory_space<vmem>> -> memref<128xi32, #tpu.memory_space<vmem>>
        %dma_wait3A_260 = arith.constant 0 : i32
        %dma_wait3A_261 = arith.constant 0 : i32
        %dma_wait3A_262 = tpu.memref_slice %arg27[%dma_wait3A_260, %dma_wait3A_261] : memref<100000x8xf32, #tpu.memory_space<vmem_shared>> -> memref<100000x8xf32, #tpu.memory_space<vmem_shared>>
        tpu.wait_indirect_dma semaphore(%arg28 : memref<!tpu.dma_semaphore, #tpu.memory_space<semaphore_mem>>) src(%dma_wait3A_262 : memref<100000x8xf32, #tpu.memory_space<vmem_shared>>) dst(%dma_wait3A_256 : memref<128x8xf32, #tpu.memory_space<vmem>>)
        %dma_wait3A_263 = arith.constant 6 : i32
        %dma_wait3A_264 = arith.constant 768 : i32
        %dma_wait3A_265 = arith.constant 0 : i32
        %dma_wait3A_266 = tpu.memref_slice %arg12[%dma_wait3A_264, %dma_wait3A_265] : memref<1280x8xf32, #tpu.memory_space<vmem>> -> memref<128x8xf32, #tpu.memory_space<vmem>>
        %dma_wait3A_267 = arith.constant 0 : i32
        %dma_wait3A_268 = tpu.memref_slice %arg10[%dma_wait3A_263, %dma_wait3A_267] : memref<10x128xi32, #tpu.memory_space<vmem>> -> memref<1x128xi32, #tpu.memory_space<vmem>>
        %dma_wait3A_269 = tpu.memref_squeeze %dma_wait3A_268 : memref<1x128xi32, #tpu.memory_space<vmem>> -> memref<128xi32, #tpu.memory_space<vmem>>
        %dma_wait3A_270 = arith.constant 0 : i32
        %dma_wait3A_271 = arith.constant 0 : i32
        %dma_wait3A_272 = tpu.memref_slice %arg27[%dma_wait3A_270, %dma_wait3A_271] : memref<100000x8xf32, #tpu.memory_space<vmem_shared>> -> memref<100000x8xf32, #tpu.memory_space<vmem_shared>>
        tpu.wait_indirect_dma semaphore(%arg28 : memref<!tpu.dma_semaphore, #tpu.memory_space<semaphore_mem>>) src(%dma_wait3A_272 : memref<100000x8xf32, #tpu.memory_space<vmem_shared>>) dst(%dma_wait3A_266 : memref<128x8xf32, #tpu.memory_space<vmem>>)
        %dma_wait3A_273 = arith.constant 6 : i32
        %dma_wait3A_274 = arith.constant 768 : i32
        %dma_wait3A_275 = arith.constant 0 : i32
        %dma_wait3A_276 = tpu.memref_slice %arg13[%dma_wait3A_274, %dma_wait3A_275] : memref<1280x8xf32, #tpu.memory_space<vmem>> -> memref<128x8xf32, #tpu.memory_space<vmem>>
        %dma_wait3A_277 = arith.constant 0 : i32
        %dma_wait3A_278 = tpu.memref_slice %arg11[%dma_wait3A_273, %dma_wait3A_277] : memref<10x128xi32, #tpu.memory_space<vmem>> -> memref<1x128xi32, #tpu.memory_space<vmem>>
        %dma_wait3A_279 = tpu.memref_squeeze %dma_wait3A_278 : memref<1x128xi32, #tpu.memory_space<vmem>> -> memref<128xi32, #tpu.memory_space<vmem>>
        %dma_wait3A_280 = arith.constant 0 : i32
        %dma_wait3A_281 = arith.constant 0 : i32
        %dma_wait3A_282 = tpu.memref_slice %arg27[%dma_wait3A_280, %dma_wait3A_281] : memref<100000x8xf32, #tpu.memory_space<vmem_shared>> -> memref<100000x8xf32, #tpu.memory_space<vmem_shared>>
        tpu.wait_indirect_dma semaphore(%arg28 : memref<!tpu.dma_semaphore, #tpu.memory_space<semaphore_mem>>) src(%dma_wait3A_282 : memref<100000x8xf32, #tpu.memory_space<vmem_shared>>) dst(%dma_wait3A_276 : memref<128x8xf32, #tpu.memory_space<vmem>>)
        %dma_wait3A_283 = arith.constant 7 : i32
        %dma_wait3A_284 = arith.constant 896 : i32
        %dma_wait3A_285 = arith.constant 0 : i32
        %dma_wait3A_286 = tpu.memref_slice %arg12[%dma_wait3A_284, %dma_wait3A_285] : memref<1280x8xf32, #tpu.memory_space<vmem>> -> memref<128x8xf32, #tpu.memory_space<vmem>>
        %dma_wait3A_287 = arith.constant 0 : i32
        %dma_wait3A_288 = tpu.memref_slice %arg10[%dma_wait3A_283, %dma_wait3A_287] : memref<10x128xi32, #tpu.memory_space<vmem>> -> memref<1x128xi32, #tpu.memory_space<vmem>>
        %dma_wait3A_289 = tpu.memref_squeeze %dma_wait3A_288 : memref<1x128xi32, #tpu.memory_space<vmem>> -> memref<128xi32, #tpu.memory_space<vmem>>
        %dma_wait3A_290 = arith.constant 0 : i32
        %dma_wait3A_291 = arith.constant 0 : i32
        %dma_wait3A_292 = tpu.memref_slice %arg27[%dma_wait3A_290, %dma_wait3A_291] : memref<100000x8xf32, #tpu.memory_space<vmem_shared>> -> memref<100000x8xf32, #tpu.memory_space<vmem_shared>>
        tpu.wait_indirect_dma semaphore(%arg28 : memref<!tpu.dma_semaphore, #tpu.memory_space<semaphore_mem>>) src(%dma_wait3A_292 : memref<100000x8xf32, #tpu.memory_space<vmem_shared>>) dst(%dma_wait3A_286 : memref<128x8xf32, #tpu.memory_space<vmem>>)
        %dma_wait3A_293 = arith.constant 7 : i32
        %dma_wait3A_294 = arith.constant 896 : i32
        %dma_wait3A_295 = arith.constant 0 : i32
        %dma_wait3A_296 = tpu.memref_slice %arg13[%dma_wait3A_294, %dma_wait3A_295] : memref<1280x8xf32, #tpu.memory_space<vmem>> -> memref<128x8xf32, #tpu.memory_space<vmem>>
        %dma_wait3A_297 = arith.constant 0 : i32
        %dma_wait3A_298 = tpu.memref_slice %arg11[%dma_wait3A_293, %dma_wait3A_297] : memref<10x128xi32, #tpu.memory_space<vmem>> -> memref<1x128xi32, #tpu.memory_space<vmem>>
        %dma_wait3A_299 = tpu.memref_squeeze %dma_wait3A_298 : memref<1x128xi32, #tpu.memory_space<vmem>> -> memref<128xi32, #tpu.memory_space<vmem>>
        %dma_wait3A_300 = arith.constant 0 : i32
        %dma_wait3A_301 = arith.constant 0 : i32
        %dma_wait3A_302 = tpu.memref_slice %arg27[%dma_wait3A_300, %dma_wait3A_301] : memref<100000x8xf32, #tpu.memory_space<vmem_shared>> -> memref<100000x8xf32, #tpu.memory_space<vmem_shared>>
        tpu.wait_indirect_dma semaphore(%arg28 : memref<!tpu.dma_semaphore, #tpu.memory_space<semaphore_mem>>) src(%dma_wait3A_302 : memref<100000x8xf32, #tpu.memory_space<vmem_shared>>) dst(%dma_wait3A_296 : memref<128x8xf32, #tpu.memory_space<vmem>>)
        %dma_wait3A_303 = arith.constant 8 : i32
        %dma_wait3A_304 = arith.constant 1024 : i32
        %dma_wait3A_305 = arith.constant 0 : i32
        %dma_wait3A_306 = tpu.memref_slice %arg12[%dma_wait3A_304, %dma_wait3A_305] : memref<1280x8xf32, #tpu.memory_space<vmem>> -> memref<128x8xf32, #tpu.memory_space<vmem>>
        %dma_wait3A_307 = arith.constant 0 : i32
        %dma_wait3A_308 = tpu.memref_slice %arg10[%dma_wait3A_303, %dma_wait3A_307] : memref<10x128xi32, #tpu.memory_space<vmem>> -> memref<1x128xi32, #tpu.memory_space<vmem>>
        %dma_wait3A_309 = tpu.memref_squeeze %dma_wait3A_308 : memref<1x128xi32, #tpu.memory_space<vmem>> -> memref<128xi32, #tpu.memory_space<vmem>>
        %dma_wait3A_310 = arith.constant 0 : i32
        %dma_wait3A_311 = arith.constant 0 : i32
        %dma_wait3A_312 = tpu.memref_slice %arg27[%dma_wait3A_310, %dma_wait3A_311] : memref<100000x8xf32, #tpu.memory_space<vmem_shared>> -> memref<100000x8xf32, #tpu.memory_space<vmem_shared>>
        tpu.wait_indirect_dma semaphore(%arg28 : memref<!tpu.dma_semaphore, #tpu.memory_space<semaphore_mem>>) src(%dma_wait3A_312 : memref<100000x8xf32, #tpu.memory_space<vmem_shared>>) dst(%dma_wait3A_306 : memref<128x8xf32, #tpu.memory_space<vmem>>)
        %dma_wait3A_313 = arith.constant 8 : i32
        %dma_wait3A_314 = arith.constant 1024 : i32
        %dma_wait3A_315 = arith.constant 0 : i32
        %dma_wait3A_316 = tpu.memref_slice %arg13[%dma_wait3A_314, %dma_wait3A_315] : memref<1280x8xf32, #tpu.memory_space<vmem>> -> memref<128x8xf32, #tpu.memory_space<vmem>>
        %dma_wait3A_317 = arith.constant 0 : i32
        %dma_wait3A_318 = tpu.memref_slice %arg11[%dma_wait3A_313, %dma_wait3A_317] : memref<10x128xi32, #tpu.memory_space<vmem>> -> memref<1x128xi32, #tpu.memory_space<vmem>>
        %dma_wait3A_319 = tpu.memref_squeeze %dma_wait3A_318 : memref<1x128xi32, #tpu.memory_space<vmem>> -> memref<128xi32, #tpu.memory_space<vmem>>
        %dma_wait3A_320 = arith.constant 0 : i32
        %dma_wait3A_321 = arith.constant 0 : i32
        %dma_wait3A_322 = tpu.memref_slice %arg27[%dma_wait3A_320, %dma_wait3A_321] : memref<100000x8xf32, #tpu.memory_space<vmem_shared>> -> memref<100000x8xf32, #tpu.memory_space<vmem_shared>>
        tpu.wait_indirect_dma semaphore(%arg28 : memref<!tpu.dma_semaphore, #tpu.memory_space<semaphore_mem>>) src(%dma_wait3A_322 : memref<100000x8xf32, #tpu.memory_space<vmem_shared>>) dst(%dma_wait3A_316 : memref<128x8xf32, #tpu.memory_space<vmem>>)
        %dma_wait3A_323 = arith.constant 9 : i32
        %dma_wait3A_324 = arith.constant 1152 : i32
        %dma_wait3A_325 = arith.constant 0 : i32
        %dma_wait3A_326 = tpu.memref_slice %arg12[%dma_wait3A_324, %dma_wait3A_325] : memref<1280x8xf32, #tpu.memory_space<vmem>> -> memref<128x8xf32, #tpu.memory_space<vmem>>
        %dma_wait3A_327 = arith.constant 0 : i32
        %dma_wait3A_328 = tpu.memref_slice %arg10[%dma_wait3A_323, %dma_wait3A_327] : memref<10x128xi32, #tpu.memory_space<vmem>> -> memref<1x128xi32, #tpu.memory_space<vmem>>
        %dma_wait3A_329 = tpu.memref_squeeze %dma_wait3A_328 : memref<1x128xi32, #tpu.memory_space<vmem>> -> memref<128xi32, #tpu.memory_space<vmem>>
        %dma_wait3A_330 = arith.constant 0 : i32
        %dma_wait3A_331 = arith.constant 0 : i32
        %dma_wait3A_332 = tpu.memref_slice %arg27[%dma_wait3A_330, %dma_wait3A_331] : memref<100000x8xf32, #tpu.memory_space<vmem_shared>> -> memref<100000x8xf32, #tpu.memory_space<vmem_shared>>
        tpu.wait_indirect_dma semaphore(%arg28 : memref<!tpu.dma_semaphore, #tpu.memory_space<semaphore_mem>>) src(%dma_wait3A_332 : memref<100000x8xf32, #tpu.memory_space<vmem_shared>>) dst(%dma_wait3A_326 : memref<128x8xf32, #tpu.memory_space<vmem>>)
        %dma_wait3A_333 = arith.constant 9 : i32
        %dma_wait3A_334 = arith.constant 1152 : i32
        %dma_wait3A_335 = arith.constant 0 : i32
        %dma_wait3A_336 = tpu.memref_slice %arg13[%dma_wait3A_334, %dma_wait3A_335] : memref<1280x8xf32, #tpu.memory_space<vmem>> -> memref<128x8xf32, #tpu.memory_space<vmem>>
        %dma_wait3A_337 = arith.constant 0 : i32
        %dma_wait3A_338 = tpu.memref_slice %arg11[%dma_wait3A_333, %dma_wait3A_337] : memref<10x128xi32, #tpu.memory_space<vmem>> -> memref<1x128xi32, #tpu.memory_space<vmem>>
        %dma_wait3A_339 = tpu.memref_squeeze %dma_wait3A_338 : memref<1x128xi32, #tpu.memory_space<vmem>> -> memref<128xi32, #tpu.memory_space<vmem>>
        %dma_wait3A_340 = arith.constant 0 : i32
        %dma_wait3A_341 = arith.constant 0 : i32
        %dma_wait3A_342 = tpu.memref_slice %arg27[%dma_wait3A_340, %dma_wait3A_341] : memref<100000x8xf32, #tpu.memory_space<vmem_shared>> -> memref<100000x8xf32, #tpu.memory_space<vmem_shared>>
        tpu.wait_indirect_dma semaphore(%arg28 : memref<!tpu.dma_semaphore, #tpu.memory_space<semaphore_mem>>) src(%dma_wait3A_342 : memref<100000x8xf32, #tpu.memory_space<vmem_shared>>) dst(%dma_wait3A_336 : memref<128x8xf32, #tpu.memory_space<vmem>>)
        %scan3A_343 = arith.constant 0 : i32
        %scan3A_344 = arith.constant 0 : i32
        %scan3A_345 = arith.constant 80 : i32
        %scan3A_346 = arith.addi %scan3A_344, %scan3A_345 : i32
        %scan3A_347 = arith.constant 2 : i32
        scf.for %scan3A_358 = %scan3A_344 to %scan3A_346 step %scan3A_347  : i32 {
          %mul3A_359 = arith.constant 16 : i32
          %mul3A_360 = arith.muli %scan3A_358, %mul3A_359 : i32
          %add3A_361 = vector.broadcast %mul3A_360 : i32 to vector<16xi32>
          %add3A_362 = arith.addi %add3A_361, %iota3A : vector<16xi32>
          %gather3A = tpu.vector_load_idx %arg12[%add3A_362, %broadcast_in_dim3A_26] : memref<1280x8xf32, #tpu.memory_space<vmem>>[vector<16xi32>, vector<16xi32>], vector<16xf32>,
          %gather3A_363 = tpu.vector_load_idx %arg12[%add3A_362, %broadcast_in_dim3A_28] : memref<1280x8xf32, #tpu.memory_space<vmem>>[vector<16xi32>, vector<16xi32>], vector<16xf32>,
          %gather3A_364 = tpu.vector_load_idx %arg12[%add3A_362, %broadcast_in_dim3A_30] : memref<1280x8xf32, #tpu.memory_space<vmem>>[vector<16xi32>, vector<16xi32>], vector<16xf32>,
          %gather3A_365 = tpu.vector_load_idx %arg13[%add3A_362, %broadcast_in_dim3A_26] : memref<1280x8xf32, #tpu.memory_space<vmem>>[vector<16xi32>, vector<16xi32>], vector<16xf32>,
          %gather3A_366 = tpu.vector_load_idx %arg13[%add3A_362, %broadcast_in_dim3A_28] : memref<1280x8xf32, #tpu.memory_space<vmem>>[vector<16xi32>, vector<16xi32>], vector<16xf32>,
          %gather3A_367 = tpu.vector_load_idx %arg13[%add3A_362, %broadcast_in_dim3A_30] : memref<1280x8xf32, #tpu.memory_space<vmem>>[vector<16xi32>, vector<16xi32>], vector<16xf32>,
          %sub3A_368 = arith.subf %gather3A_365, %gather3A : vector<16xf32>
          %sub3A_369 = arith.subf %gather3A_366, %gather3A_363 : vector<16xf32>
          %sub3A_370 = arith.subf %gather3A_367, %gather3A_364 : vector<16xf32>
          %mul3A_371 = arith.mulf %sub3A_368, %get3A_17 : vector<16xf32>
          %add3A_372 = arith.addf %mul3A_371, %broadcast_in_dim3A_32 : vector<16xf32>
          %sub3A_373 = arith.subf %add3A_372, %broadcast_in_dim3A_32 : vector<16xf32>
          %mul3A_374 = arith.mulf %sub3A_369, %get3A_21 : vector<16xf32>
          %add3A_375 = arith.addf %mul3A_374, %broadcast_in_dim3A_32 : vector<16xf32>
          %sub3A_376 = arith.subf %add3A_375, %broadcast_in_dim3A_32 : vector<16xf32>
          %mul3A_377 = arith.mulf %sub3A_370, %get3A_25 : vector<16xf32>
          %add3A_378 = arith.addf %mul3A_377, %broadcast_in_dim3A_32 : vector<16xf32>
          %sub3A_379 = arith.subf %add3A_378, %broadcast_in_dim3A_32 : vector<16xf32>
          %mul3A_380 = arith.mulf %sub3A_373, %get3A_5 : vector<16xf32>
          %sub3A_381 = arith.subf %sub3A_368, %mul3A_380 : vector<16xf32>
          %mul3A_382 = arith.mulf %sub3A_376, %get3A_9 : vector<16xf32>
          %sub3A_383 = arith.subf %sub3A_369, %mul3A_382 : vector<16xf32>
          %mul3A_384 = arith.mulf %sub3A_379, %get3A_13 : vector<16xf32>
          %sub3A_385 = arith.subf %sub3A_370, %mul3A_384 : vector<16xf32>
          %mul3A_386 = arith.mulf %sub3A_381, %sub3A_381 : vector<16xf32>
          %mul3A_387 = arith.mulf %sub3A_383, %sub3A_383 : vector<16xf32>
          %add3A_388 = arith.addf %mul3A_386, %mul3A_387 : vector<16xf32>
          %mul3A_389 = arith.mulf %sub3A_385, %sub3A_385 : vector<16xf32>
          %add3A_390 = arith.addf %add3A_388, %mul3A_389 : vector<16xf32>
          %bitcast3A = vector.bitcast %add3A_390 : vector<16xf32> to vector<16xi32>
          %shift_right_logical3A = arith.constant 1 : i32
          %shift_right_logical3A_391 = vector.broadcast %shift_right_logical3A : i32 to vector<16xi32>
          %shift_right_logical3A_392 = arith.shrui %bitcast3A, %shift_right_logical3A_391 : vector<16xi32>
          %sub3A_393 = arith.subi %broadcast_in_dim3A_38, %shift_right_logical3A_392 : vector<16xi32>
          %bitcast3A_394 = vector.bitcast %sub3A_393 : vector<16xi32> to vector<16xf32>
          %mul3A_395 = arith.mulf %add3A_390, %broadcast_in_dim3A_34 : vector<16xf32>
          %mul3A_396 = arith.mulf %mul3A_395, %bitcast3A_394 : vector<16xf32>
          %mul3A_397 = arith.mulf %mul3A_396, %bitcast3A_394 : vector<16xf32>
          %sub3A_398 = arith.subf %broadcast_in_dim3A_36, %mul3A_397 : vector<16xf32>
          %mul3A_399 = arith.mulf %bitcast3A_394, %sub3A_398 : vector<16xf32>
          %mul3A_400 = arith.mulf %mul3A_395, %mul3A_399 : vector<16xf32>
          %mul3A_401 = arith.mulf %mul3A_400, %mul3A_399 : vector<16xf32>
          %sub3A_402 = arith.subf %broadcast_in_dim3A_36, %mul3A_401 : vector<16xf32>
          %mul3A_403 = arith.mulf %mul3A_399, %sub3A_402 : vector<16xf32>
          %mul3A_404 = arith.mulf %add3A_390, %mul3A_403 : vector<16xf32>
          %mul3A_405 = arith.constant 16 : i32
          %mul3A_406 = arith.muli %scan3A_358, %mul3A_405 : i32
          %swap3A = arith.index_cast %mul3A_406 : i32 to index
          %swap3A_407 = tpu.vector_load %arg18[%swap3A] {strides = array<i32>} : memref<1280xf32, #tpu.memory_space<vmem>>, vector<16xf32>,
          tpu.vector_store %arg18[%swap3A], %sub3A_381 {strides = array<i32>} : memref<1280xf32, #tpu.memory_space<vmem>>, vector<16xf32>,
          %swap3A_408 = arith.index_cast %mul3A_406 : i32 to index
          %swap3A_409 = tpu.vector_load %arg19[%swap3A_408] {strides = array<i32>} : memref<1280xf32, #tpu.memory_space<vmem>>, vector<16xf32>,
          tpu.vector_store %arg19[%swap3A_408], %sub3A_383 {strides = array<i32>} : memref<1280xf32, #tpu.memory_space<vmem>>, vector<16xf32>,
          %swap3A_410 = arith.index_cast %mul3A_406 : i32 to index
          %swap3A_411 = tpu.vector_load %arg20[%swap3A_410] {strides = array<i32>} : memref<1280xf32, #tpu.memory_space<vmem>>, vector<16xf32>,
          tpu.vector_store %arg20[%swap3A_410], %sub3A_385 {strides = array<i32>} : memref<1280xf32, #tpu.memory_space<vmem>>, vector<16xf32>,
          %swap3A_412 = arith.index_cast %mul3A_406 : i32 to index
          %swap3A_413 = tpu.vector_load %arg21[%swap3A_412] {strides = array<i32>} : memref<1280xf32, #tpu.memory_space<vmem>>, vector<16xf32>,
          tpu.vector_store %arg21[%swap3A_412], %mul3A_404 {strides = array<i32>} : memref<1280xf32, #tpu.memory_space<vmem>>, vector<16xf32>,
          %scan3A_414 = arith.constant 1 : i32
          %scan3A_415 = arith.addi %scan3A_358, %scan3A_414 : i32
          %mul3A_416 = arith.constant 16 : i32
          %mul3A_417 = arith.muli %scan3A_415, %mul3A_416 : i32
          %add3A_418 = vector.broadcast %mul3A_417 : i32 to vector<16xi32>
          %add3A_419 = arith.addi %add3A_418, %iota3A : vector<16xi32>
          %gather3A_420 = tpu.vector_load_idx %arg12[%add3A_419, %broadcast_in_dim3A_26] : memref<1280x8xf32, #tpu.memory_space<vmem>>[vector<16xi32>, vector<16xi32>], vector<16xf32>,
          %gather3A_421 = tpu.vector_load_idx %arg12[%add3A_419, %broadcast_in_dim3A_28] : memref<1280x8xf32, #tpu.memory_space<vmem>>[vector<16xi32>, vector<16xi32>], vector<16xf32>,
          %gather3A_422 = tpu.vector_load_idx %arg12[%add3A_419, %broadcast_in_dim3A_30] : memref<1280x8xf32, #tpu.memory_space<vmem>>[vector<16xi32>, vector<16xi32>], vector<16xf32>,
          %gather3A_423 = tpu.vector_load_idx %arg13[%add3A_419, %broadcast_in_dim3A_26] : memref<1280x8xf32, #tpu.memory_space<vmem>>[vector<16xi32>, vector<16xi32>], vector<16xf32>,
          %gather3A_424 = tpu.vector_load_idx %arg13[%add3A_419, %broadcast_in_dim3A_28] : memref<1280x8xf32, #tpu.memory_space<vmem>>[vector<16xi32>, vector<16xi32>], vector<16xf32>,
          %gather3A_425 = tpu.vector_load_idx %arg13[%add3A_419, %broadcast_in_dim3A_30] : memref<1280x8xf32, #tpu.memory_space<vmem>>[vector<16xi32>, vector<16xi32>], vector<16xf32>,
          %sub3A_426 = arith.subf %gather3A_423, %gather3A_420 : vector<16xf32>
          %sub3A_427 = arith.subf %gather3A_424, %gather3A_421 : vector<16xf32>
          %sub3A_428 = arith.subf %gather3A_425, %gather3A_422 : vector<16xf32>
          %mul3A_429 = arith.mulf %sub3A_426, %get3A_17 : vector<16xf32>
          %add3A_430 = arith.addf %mul3A_429, %broadcast_in_dim3A_32 : vector<16xf32>
          %sub3A_431 = arith.subf %add3A_430, %broadcast_in_dim3A_32 : vector<16xf32>
          %mul3A_432 = arith.mulf %sub3A_427, %get3A_21 : vector<16xf32>
          %add3A_433 = arith.addf %mul3A_432, %broadcast_in_dim3A_32 : vector<16xf32>
          %sub3A_434 = arith.subf %add3A_433, %broadcast_in_dim3A_32 : vector<16xf32>
          %mul3A_435 = arith.mulf %sub3A_428, %get3A_25 : vector<16xf32>
          %add3A_436 = arith.addf %mul3A_435, %broadcast_in_dim3A_32 : vector<16xf32>
          %sub3A_437 = arith.subf %add3A_436, %broadcast_in_dim3A_32 : vector<16xf32>
          %mul3A_438 = arith.mulf %sub3A_431, %get3A_5 : vector<16xf32>
          %sub3A_439 = arith.subf %sub3A_426, %mul3A_438 : vector<16xf32>
          %mul3A_440 = arith.mulf %sub3A_434, %get3A_9 : vector<16xf32>
          %sub3A_441 = arith.subf %sub3A_427, %mul3A_440 : vector<16xf32>
          %mul3A_442 = arith.mulf %sub3A_437, %get3A_13 : vector<16xf32>
          %sub3A_443 = arith.subf %sub3A_428, %mul3A_442 : vector<16xf32>
          %mul3A_444 = arith.mulf %sub3A_439, %sub3A_439 : vector<16xf32>
          %mul3A_445 = arith.mulf %sub3A_441, %sub3A_441 : vector<16xf32>
          %add3A_446 = arith.addf %mul3A_444, %mul3A_445 : vector<16xf32>
          %mul3A_447 = arith.mulf %sub3A_443, %sub3A_443 : vector<16xf32>
          %add3A_448 = arith.addf %add3A_446, %mul3A_447 : vector<16xf32>
          %bitcast3A_449 = vector.bitcast %add3A_448 : vector<16xf32> to vector<16xi32>
          %shift_right_logical3A_450 = arith.constant 1 : i32
          %shift_right_logical3A_451 = vector.broadcast %shift_right_logical3A_450 : i32 to vector<16xi32>
          %shift_right_logical3A_452 = arith.shrui %bitcast3A_449, %shift_right_logical3A_451 : vector<16xi32>
          %sub3A_453 = arith.subi %broadcast_in_dim3A_38, %shift_right_logical3A_452 : vector<16xi32>
          %bitcast3A_454 = vector.bitcast %sub3A_453 : vector<16xi32> to vector<16xf32>
          %mul3A_455 = arith.mulf %add3A_448, %broadcast_in_dim3A_34 : vector<16xf32>
          %mul3A_456 = arith.mulf %mul3A_455, %bitcast3A_454 : vector<16xf32>
          %mul3A_457 = arith.mulf %mul3A_456, %bitcast3A_454 : vector<16xf32>
          %sub3A_458 = arith.subf %broadcast_in_dim3A_36, %mul3A_457 : vector<16xf32>
          %mul3A_459 = arith.mulf %bitcast3A_454, %sub3A_458 : vector<16xf32>
          %mul3A_460 = arith.mulf %mul3A_455, %mul3A_459 : vector<16xf32>
          %mul3A_461 = arith.mulf %mul3A_460, %mul3A_459 : vector<16xf32>
          %sub3A_462 = arith.subf %broadcast_in_dim3A_36, %mul3A_461 : vector<16xf32>
          %mul3A_463 = arith.mulf %mul3A_459, %sub3A_462 : vector<16xf32>
          %mul3A_464 = arith.mulf %add3A_448, %mul3A_463 : vector<16xf32>
          %mul3A_465 = arith.constant 16 : i32
          %mul3A_466 = arith.muli %scan3A_415, %mul3A_465 : i32
          %swap3A_467 = arith.index_cast %mul3A_466 : i32 to index
          %swap3A_468 = tpu.vector_load %arg18[%swap3A_467] {strides = array<i32>} : memref<1280xf32, #tpu.memory_space<vmem>>, vector<16xf32>,
          tpu.vector_store %arg18[%swap3A_467], %sub3A_439 {strides = array<i32>} : memref<1280xf32, #tpu.memory_space<vmem>>, vector<16xf32>,
          %swap3A_469 = arith.index_cast %mul3A_466 : i32 to index
          %swap3A_470 = tpu.vector_load %arg19[%swap3A_469] {strides = array<i32>} : memref<1280xf32, #tpu.memory_space<vmem>>, vector<16xf32>,
          tpu.vector_store %arg19[%swap3A_469], %sub3A_441 {strides = array<i32>} : memref<1280xf32, #tpu.memory_space<vmem>>, vector<16xf32>,
          %swap3A_471 = arith.index_cast %mul3A_466 : i32 to index
          %swap3A_472 = tpu.vector_load %arg20[%swap3A_471] {strides = array<i32>} : memref<1280xf32, #tpu.memory_space<vmem>>, vector<16xf32>,
          tpu.vector_store %arg20[%swap3A_471], %sub3A_443 {strides = array<i32>} : memref<1280xf32, #tpu.memory_space<vmem>>, vector<16xf32>,
          %swap3A_473 = arith.index_cast %mul3A_466 : i32 to index
          %swap3A_474 = tpu.vector_load %arg21[%swap3A_473] {strides = array<i32>} : memref<1280xf32, #tpu.memory_space<vmem>>, vector<16xf32>,
          tpu.vector_store %arg21[%swap3A_473], %mul3A_464 {strides = array<i32>} : memref<1280xf32, #tpu.memory_space<vmem>>, vector<16xf32>,
        }
        %scan3A_348 = arith.constant 80 : i32
        %mul3A_349 = arith.constant 1280 : i32
        %mul3A_350 = arith.muli %add3A_93, %mul3A_349 : i32
        %dma_start3A = tpu.memref_slice %arg6[%mul3A_350] : memref<6400000xf32, #tpu.memory_space<hbm>> -> memref<1280xf32, #tpu.memory_space<hbm>>
        %dma_start3A_351 = tpu.memref_slice %arg6[%mul3A_350] : memref<6400000xf32, #tpu.memory_space<hbm>> -> memref<1280xf32, #tpu.memory_space<hbm>>
        tpu.enqueue_dma source(%arg18 : memref<1280xf32, #tpu.memory_space<vmem>>) target(%dma_start3A_351 : memref<1280xf32, #tpu.memory_space<hbm>>) target_semaphore(%arg30 : memref<!tpu.dma_semaphore, #tpu.memory_space<semaphore_mem>>)
        %dma_start3A_352 = tpu.memref_slice %arg7[%mul3A_350] : memref<6400000xf32, #tpu.memory_space<hbm>> -> memref<1280xf32, #tpu.memory_space<hbm>>
        %dma_start3A_353 = tpu.memref_slice %arg7[%mul3A_350] : memref<6400000xf32, #tpu.memory_space<hbm>> -> memref<1280xf32, #tpu.memory_space<hbm>>
        tpu.enqueue_dma source(%arg19 : memref<1280xf32, #tpu.memory_space<vmem>>) target(%dma_start3A_353 : memref<1280xf32, #tpu.memory_space<hbm>>) target_semaphore(%arg30 : memref<!tpu.dma_semaphore, #tpu.memory_space<semaphore_mem>>)
        %dma_start3A_354 = tpu.memref_slice %arg8[%mul3A_350] : memref<6400000xf32, #tpu.memory_space<hbm>> -> memref<1280xf32, #tpu.memory_space<hbm>>
        %dma_start3A_355 = tpu.memref_slice %arg8[%mul3A_350] : memref<6400000xf32, #tpu.memory_space<hbm>> -> memref<1280xf32, #tpu.memory_space<hbm>>
        tpu.enqueue_dma source(%arg20 : memref<1280xf32, #tpu.memory_space<vmem>>) target(%dma_start3A_355 : memref<1280xf32, #tpu.memory_space<hbm>>) target_semaphore(%arg30 : memref<!tpu.dma_semaphore, #tpu.memory_space<semaphore_mem>>)
        %dma_start3A_356 = tpu.memref_slice %arg9[%mul3A_350] : memref<6400000xf32, #tpu.memory_space<hbm>> -> memref<1280xf32, #tpu.memory_space<hbm>>
        %dma_start3A_357 = tpu.memref_slice %arg9[%mul3A_350] : memref<6400000xf32, #tpu.memory_space<hbm>> -> memref<1280xf32, #tpu.memory_space<hbm>>
        tpu.enqueue_dma source(%arg21 : memref<1280xf32, #tpu.memory_space<vmem>>) target(%dma_start3A_357 : memref<1280xf32, #tpu.memory_space<hbm>>) target_semaphore(%arg30 : memref<!tpu.dma_semaphore, #tpu.memory_space<semaphore_mem>>)
      } else {
      }
      %lt3A_108 = arith.constant 5000 : i32
      %lt3A_109 = arith.cmpi slt, %add3A_97, %lt3A_108 : i32
      %convert_element_type3A_110 = arith.extui %lt3A_109 : i1 to i32
      %cond3A_111 = arith.constant 0 : i32
      %cond3A_112 = arith.cmpi ne, %convert_element_type3A_110, %cond3A_111 : i32
      scf.if %cond3A_112 {
        %mul3A_139 = arith.constant 10 : i32
        %mul3A_140 = arith.muli %mul3A_139, %add3A_97 : i32
        %dma_start3A = arith.constant 0 : i32
        %dma_start3A_141 = tpu.memref_slice %arg2[%mul3A_140, %dma_start3A] : memref<50000x128xi32, #tpu.memory_space<hbm>> -> memref<10x128xi32, #tpu.memory_space<hbm>>
        %dma_start3A_142 = arith.constant 0 : i32
        %dma_start3A_143 = tpu.memref_slice %arg2[%mul3A_140, %dma_start3A_142] : memref<50000x128xi32, #tpu.memory_space<hbm>> -> memref<10x128xi32, #tpu.memory_space<hbm>>
        tpu.enqueue_dma source(%dma_start3A_143 : memref<10x128xi32, #tpu.memory_space<hbm>>) target(%arg10 : memref<10x128xi32, #tpu.memory_space<vmem>>) target_semaphore(%arg32 : memref<!tpu.dma_semaphore, #tpu.memory_space<semaphore_mem>>)
        %dma_start3A_144 = arith.constant 0 : i32
        %dma_start3A_145 = tpu.memref_slice %arg3[%mul3A_140, %dma_start3A_144] : memref<50000x128xi32, #tpu.memory_space<hbm>> -> memref<10x128xi32, #tpu.memory_space<hbm>>
        %dma_start3A_146 = arith.constant 0 : i32
        %dma_start3A_147 = tpu.memref_slice %arg3[%mul3A_140, %dma_start3A_146] : memref<50000x128xi32, #tpu.memory_space<hbm>> -> memref<10x128xi32, #tpu.memory_space<hbm>>
        tpu.enqueue_dma source(%dma_start3A_147 : memref<10x128xi32, #tpu.memory_space<hbm>>) target(%arg11 : memref<10x128xi32, #tpu.memory_space<vmem>>) target_semaphore(%arg32 : memref<!tpu.dma_semaphore, #tpu.memory_space<semaphore_mem>>)
      } else {
      }
      %mul3A_113 = arith.constant 2 : i32
      %mul3A_114 = arith.muli %mul3A_113, %scan3A_86 : i32
      %add3A_115 = arith.constant 1 : i32
      %add3A_116 = arith.addi %mul3A_114, %add3A_115 : i32
      %mul3A_117 = arith.constant 32 : i32
      %mul3A_118 = arith.muli %mul3A_117, %add3A_116 : i32
      %add3A_119 = arith.addi %add3A, %mul3A_118 : i32
      %add3A_120 = arith.constant 32 : i32
      %add3A_121 = arith.addi %add3A_119, %add3A_120 : i32
      %add3A_122 = arith.constant 32 : i32
      %add3A_123 = arith.addi %add3A_121, %add3A_122 : i32
      %lt3A_124 = arith.constant 5000 : i32
      %lt3A_125 = arith.cmpi slt, %add3A_121, %lt3A_124 : i32
      %convert_element_type3A_126 = arith.extui %lt3A_125 : i1 to i32
      %cond3A_127 = arith.constant 0 : i32
      %cond3A_128 = arith.cmpi ne, %convert_element_type3A_126, %cond3A_127 : i32
      scf.if %cond3A_128 {
        %mul3A_139 = arith.constant 10 : i32
        %mul3A_140 = arith.muli %mul3A_139, %add3A_121 : i32
        %dma_wait3A = arith.constant 0 : i32
        %dma_wait3A_141 = tpu.memref_slice %arg2[%mul3A_140, %dma_wait3A] : memref<50000x128xi32, #tpu.memory_space<hbm>> -> memref<10x128xi32, #tpu.memory_space<hbm>>
        %dma_wait3A_142 = arith.constant 0 : i32
        %dma_wait3A_143 = tpu.memref_slice %arg2[%mul3A_140, %dma_wait3A_142] : memref<50000x128xi32, #tpu.memory_space<hbm>> -> memref<10x128xi32, #tpu.memory_space<hbm>>
        tpu.wait_dma2 semaphore(%arg32 : memref<!tpu.dma_semaphore, #tpu.memory_space<semaphore_mem>>) src(%dma_wait3A_143 : memref<10x128xi32, #tpu.memory_space<hbm>>) dst(%arg10 : memref<10x128xi32, #tpu.memory_space<vmem>>)
        %dma_wait3A_144 = arith.constant 0 : i32
        %dma_wait3A_145 = tpu.memref_slice %arg3[%mul3A_140, %dma_wait3A_144] : memref<50000x128xi32, #tpu.memory_space<hbm>> -> memref<10x128xi32, #tpu.memory_space<hbm>>
        %dma_wait3A_146 = arith.constant 0 : i32
        %dma_wait3A_147 = tpu.memref_slice %arg3[%mul3A_140, %dma_wait3A_146] : memref<50000x128xi32, #tpu.memory_space<hbm>> -> memref<10x128xi32, #tpu.memory_space<hbm>>
        tpu.wait_dma2 semaphore(%arg32 : memref<!tpu.dma_semaphore, #tpu.memory_space<semaphore_mem>>) src(%dma_wait3A_147 : memref<10x128xi32, #tpu.memory_space<hbm>>) dst(%arg11 : memref<10x128xi32, #tpu.memory_space<vmem>>)
        %dma_start3A = arith.constant 0 : i32
        %dma_start3A_148 = arith.constant 0 : i32
        %dma_start3A_149 = arith.constant 0 : i32
        %dma_start3A_150 = tpu.memref_slice %arg12[%dma_start3A_148, %dma_start3A_149] : memref<1280x8xf32, #tpu.memory_space<vmem>> -> memref<128x8xf32, #tpu.memory_space<vmem>>
        %dma_start3A_151 = arith.constant 0 : i32
        %dma_start3A_152 = tpu.memref_slice %arg10[%dma_start3A, %dma_start3A_151] : memref<10x128xi32, #tpu.memory_space<vmem>> -> memref<1x128xi32, #tpu.memory_space<vmem>>
        %dma_start3A_153 = tpu.memref_squeeze %dma_start3A_152 : memref<1x128xi32, #tpu.memory_space<vmem>> -> memref<128xi32, #tpu.memory_space<vmem>>
        %dma_start3A_154 = arith.constant 0 : i32
        %dma_start3A_155 = arith.constant 0 : i32
        %dma_start3A_156 = tpu.memref_slice %arg27[%dma_start3A_154, %dma_start3A_155] : memref<100000x8xf32, #tpu.memory_space<vmem_shared>> -> memref<100000x8xf32, #tpu.memory_space<vmem_shared>>
        tpu.enqueue_indirect_dma source(%dma_start3A_156 : memref<100000x8xf32, #tpu.memory_space<vmem_shared>>) target(%dma_start3A_150 : memref<128x8xf32, #tpu.memory_space<vmem>>) offsets(%dma_start3A_153 : memref<128xi32, #tpu.memory_space<vmem>>) semaphore(%arg28 : memref<!tpu.dma_semaphore, #tpu.memory_space<semaphore_mem>>)
        %dma_start3A_157 = arith.constant 0 : i32
        %dma_start3A_158 = arith.constant 0 : i32
        %dma_start3A_159 = arith.constant 0 : i32
        %dma_start3A_160 = tpu.memref_slice %arg13[%dma_start3A_158, %dma_start3A_159] : memref<1280x8xf32, #tpu.memory_space<vmem>> -> memref<128x8xf32, #tpu.memory_space<vmem>>
        %dma_start3A_161 = arith.constant 0 : i32
        %dma_start3A_162 = tpu.memref_slice %arg11[%dma_start3A_157, %dma_start3A_161] : memref<10x128xi32, #tpu.memory_space<vmem>> -> memref<1x128xi32, #tpu.memory_space<vmem>>
        %dma_start3A_163 = tpu.memref_squeeze %dma_start3A_162 : memref<1x128xi32, #tpu.memory_space<vmem>> -> memref<128xi32, #tpu.memory_space<vmem>>
        %dma_start3A_164 = arith.constant 0 : i32
        %dma_start3A_165 = arith.constant 0 : i32
        %dma_start3A_166 = tpu.memref_slice %arg27[%dma_start3A_164, %dma_start3A_165] : memref<100000x8xf32, #tpu.memory_space<vmem_shared>> -> memref<100000x8xf32, #tpu.memory_space<vmem_shared>>
        tpu.enqueue_indirect_dma source(%dma_start3A_166 : memref<100000x8xf32, #tpu.memory_space<vmem_shared>>) target(%dma_start3A_160 : memref<128x8xf32, #tpu.memory_space<vmem>>) offsets(%dma_start3A_163 : memref<128xi32, #tpu.memory_space<vmem>>) semaphore(%arg28 : memref<!tpu.dma_semaphore, #tpu.memory_space<semaphore_mem>>)
        %dma_start3A_167 = arith.constant 1 : i32
        %dma_start3A_168 = arith.constant 128 : i32
        %dma_start3A_169 = arith.constant 0 : i32
        %dma_start3A_170 = tpu.memref_slice %arg12[%dma_start3A_168, %dma_start3A_169] : memref<1280x8xf32, #tpu.memory_space<vmem>> -> memref<128x8xf32, #tpu.memory_space<vmem>>
        %dma_start3A_171 = arith.constant 0 : i32
        %dma_start3A_172 = tpu.memref_slice %arg10[%dma_start3A_167, %dma_start3A_171] : memref<10x128xi32, #tpu.memory_space<vmem>> -> memref<1x128xi32, #tpu.memory_space<vmem>>
        %dma_start3A_173 = tpu.memref_squeeze %dma_start3A_172 : memref<1x128xi32, #tpu.memory_space<vmem>> -> memref<128xi32, #tpu.memory_space<vmem>>
        %dma_start3A_174 = arith.constant 0 : i32
        %dma_start3A_175 = arith.constant 0 : i32
        %dma_start3A_176 = tpu.memref_slice %arg27[%dma_start3A_174, %dma_start3A_175] : memref<100000x8xf32, #tpu.memory_space<vmem_shared>> -> memref<100000x8xf32, #tpu.memory_space<vmem_shared>>
        tpu.enqueue_indirect_dma source(%dma_start3A_176 : memref<100000x8xf32, #tpu.memory_space<vmem_shared>>) target(%dma_start3A_170 : memref<128x8xf32, #tpu.memory_space<vmem>>) offsets(%dma_start3A_173 : memref<128xi32, #tpu.memory_space<vmem>>) semaphore(%arg28 : memref<!tpu.dma_semaphore, #tpu.memory_space<semaphore_mem>>)
        %dma_start3A_177 = arith.constant 1 : i32
        %dma_start3A_178 = arith.constant 128 : i32
        %dma_start3A_179 = arith.constant 0 : i32
        %dma_start3A_180 = tpu.memref_slice %arg13[%dma_start3A_178, %dma_start3A_179] : memref<1280x8xf32, #tpu.memory_space<vmem>> -> memref<128x8xf32, #tpu.memory_space<vmem>>
        %dma_start3A_181 = arith.constant 0 : i32
        %dma_start3A_182 = tpu.memref_slice %arg11[%dma_start3A_177, %dma_start3A_181] : memref<10x128xi32, #tpu.memory_space<vmem>> -> memref<1x128xi32, #tpu.memory_space<vmem>>
        %dma_start3A_183 = tpu.memref_squeeze %dma_start3A_182 : memref<1x128xi32, #tpu.memory_space<vmem>> -> memref<128xi32, #tpu.memory_space<vmem>>
        %dma_start3A_184 = arith.constant 0 : i32
        %dma_start3A_185 = arith.constant 0 : i32
        %dma_start3A_186 = tpu.memref_slice %arg27[%dma_start3A_184, %dma_start3A_185] : memref<100000x8xf32, #tpu.memory_space<vmem_shared>> -> memref<100000x8xf32, #tpu.memory_space<vmem_shared>>
        tpu.enqueue_indirect_dma source(%dma_start3A_186 : memref<100000x8xf32, #tpu.memory_space<vmem_shared>>) target(%dma_start3A_180 : memref<128x8xf32, #tpu.memory_space<vmem>>) offsets(%dma_start3A_183 : memref<128xi32, #tpu.memory_space<vmem>>) semaphore(%arg28 : memref<!tpu.dma_semaphore, #tpu.memory_space<semaphore_mem>>)
        %dma_start3A_187 = arith.constant 2 : i32
        %dma_start3A_188 = arith.constant 256 : i32
        %dma_start3A_189 = arith.constant 0 : i32
        %dma_start3A_190 = tpu.memref_slice %arg12[%dma_start3A_188, %dma_start3A_189] : memref<1280x8xf32, #tpu.memory_space<vmem>> -> memref<128x8xf32, #tpu.memory_space<vmem>>
        %dma_start3A_191 = arith.constant 0 : i32
        %dma_start3A_192 = tpu.memref_slice %arg10[%dma_start3A_187, %dma_start3A_191] : memref<10x128xi32, #tpu.memory_space<vmem>> -> memref<1x128xi32, #tpu.memory_space<vmem>>
        %dma_start3A_193 = tpu.memref_squeeze %dma_start3A_192 : memref<1x128xi32, #tpu.memory_space<vmem>> -> memref<128xi32, #tpu.memory_space<vmem>>
        %dma_start3A_194 = arith.constant 0 : i32
        %dma_start3A_195 = arith.constant 0 : i32
        %dma_start3A_196 = tpu.memref_slice %arg27[%dma_start3A_194, %dma_start3A_195] : memref<100000x8xf32, #tpu.memory_space<vmem_shared>> -> memref<100000x8xf32, #tpu.memory_space<vmem_shared>>
        tpu.enqueue_indirect_dma source(%dma_start3A_196 : memref<100000x8xf32, #tpu.memory_space<vmem_shared>>) target(%dma_start3A_190 : memref<128x8xf32, #tpu.memory_space<vmem>>) offsets(%dma_start3A_193 : memref<128xi32, #tpu.memory_space<vmem>>) semaphore(%arg28 : memref<!tpu.dma_semaphore, #tpu.memory_space<semaphore_mem>>)
        %dma_start3A_197 = arith.constant 2 : i32
        %dma_start3A_198 = arith.constant 256 : i32
        %dma_start3A_199 = arith.constant 0 : i32
        %dma_start3A_200 = tpu.memref_slice %arg13[%dma_start3A_198, %dma_start3A_199] : memref<1280x8xf32, #tpu.memory_space<vmem>> -> memref<128x8xf32, #tpu.memory_space<vmem>>
        %dma_start3A_201 = arith.constant 0 : i32
        %dma_start3A_202 = tpu.memref_slice %arg11[%dma_start3A_197, %dma_start3A_201] : memref<10x128xi32, #tpu.memory_space<vmem>> -> memref<1x128xi32, #tpu.memory_space<vmem>>
        %dma_start3A_203 = tpu.memref_squeeze %dma_start3A_202 : memref<1x128xi32, #tpu.memory_space<vmem>> -> memref<128xi32, #tpu.memory_space<vmem>>
        %dma_start3A_204 = arith.constant 0 : i32
        %dma_start3A_205 = arith.constant 0 : i32
        %dma_start3A_206 = tpu.memref_slice %arg27[%dma_start3A_204, %dma_start3A_205] : memref<100000x8xf32, #tpu.memory_space<vmem_shared>> -> memref<100000x8xf32, #tpu.memory_space<vmem_shared>>
        tpu.enqueue_indirect_dma source(%dma_start3A_206 : memref<100000x8xf32, #tpu.memory_space<vmem_shared>>) target(%dma_start3A_200 : memref<128x8xf32, #tpu.memory_space<vmem>>) offsets(%dma_start3A_203 : memref<128xi32, #tpu.memory_space<vmem>>) semaphore(%arg28 : memref<!tpu.dma_semaphore, #tpu.memory_space<semaphore_mem>>)
        %dma_start3A_207 = arith.constant 3 : i32
        %dma_start3A_208 = arith.constant 384 : i32
        %dma_start3A_209 = arith.constant 0 : i32
        %dma_start3A_210 = tpu.memref_slice %arg12[%dma_start3A_208, %dma_start3A_209] : memref<1280x8xf32, #tpu.memory_space<vmem>> -> memref<128x8xf32, #tpu.memory_space<vmem>>
        %dma_start3A_211 = arith.constant 0 : i32
        %dma_start3A_212 = tpu.memref_slice %arg10[%dma_start3A_207, %dma_start3A_211] : memref<10x128xi32, #tpu.memory_space<vmem>> -> memref<1x128xi32, #tpu.memory_space<vmem>>
        %dma_start3A_213 = tpu.memref_squeeze %dma_start3A_212 : memref<1x128xi32, #tpu.memory_space<vmem>> -> memref<128xi32, #tpu.memory_space<vmem>>
        %dma_start3A_214 = arith.constant 0 : i32
        %dma_start3A_215 = arith.constant 0 : i32
        %dma_start3A_216 = tpu.memref_slice %arg27[%dma_start3A_214, %dma_start3A_215] : memref<100000x8xf32, #tpu.memory_space<vmem_shared>> -> memref<100000x8xf32, #tpu.memory_space<vmem_shared>>
        tpu.enqueue_indirect_dma source(%dma_start3A_216 : memref<100000x8xf32, #tpu.memory_space<vmem_shared>>) target(%dma_start3A_210 : memref<128x8xf32, #tpu.memory_space<vmem>>) offsets(%dma_start3A_213 : memref<128xi32, #tpu.memory_space<vmem>>) semaphore(%arg28 : memref<!tpu.dma_semaphore, #tpu.memory_space<semaphore_mem>>)
        %dma_start3A_217 = arith.constant 3 : i32
        %dma_start3A_218 = arith.constant 384 : i32
        %dma_start3A_219 = arith.constant 0 : i32
        %dma_start3A_220 = tpu.memref_slice %arg13[%dma_start3A_218, %dma_start3A_219] : memref<1280x8xf32, #tpu.memory_space<vmem>> -> memref<128x8xf32, #tpu.memory_space<vmem>>
        %dma_start3A_221 = arith.constant 0 : i32
        %dma_start3A_222 = tpu.memref_slice %arg11[%dma_start3A_217, %dma_start3A_221] : memref<10x128xi32, #tpu.memory_space<vmem>> -> memref<1x128xi32, #tpu.memory_space<vmem>>
        %dma_start3A_223 = tpu.memref_squeeze %dma_start3A_222 : memref<1x128xi32, #tpu.memory_space<vmem>> -> memref<128xi32, #tpu.memory_space<vmem>>
        %dma_start3A_224 = arith.constant 0 : i32
        %dma_start3A_225 = arith.constant 0 : i32
        %dma_start3A_226 = tpu.memref_slice %arg27[%dma_start3A_224, %dma_start3A_225] : memref<100000x8xf32, #tpu.memory_space<vmem_shared>> -> memref<100000x8xf32, #tpu.memory_space<vmem_shared>>
        tpu.enqueue_indirect_dma source(%dma_start3A_226 : memref<100000x8xf32, #tpu.memory_space<vmem_shared>>) target(%dma_start3A_220 : memref<128x8xf32, #tpu.memory_space<vmem>>) offsets(%dma_start3A_223 : memref<128xi32, #tpu.memory_space<vmem>>) semaphore(%arg28 : memref<!tpu.dma_semaphore, #tpu.memory_space<semaphore_mem>>)
        %dma_start3A_227 = arith.constant 4 : i32
        %dma_start3A_228 = arith.constant 512 : i32
        %dma_start3A_229 = arith.constant 0 : i32
        %dma_start3A_230 = tpu.memref_slice %arg12[%dma_start3A_228, %dma_start3A_229] : memref<1280x8xf32, #tpu.memory_space<vmem>> -> memref<128x8xf32, #tpu.memory_space<vmem>>
        %dma_start3A_231 = arith.constant 0 : i32
        %dma_start3A_232 = tpu.memref_slice %arg10[%dma_start3A_227, %dma_start3A_231] : memref<10x128xi32, #tpu.memory_space<vmem>> -> memref<1x128xi32, #tpu.memory_space<vmem>>
        %dma_start3A_233 = tpu.memref_squeeze %dma_start3A_232 : memref<1x128xi32, #tpu.memory_space<vmem>> -> memref<128xi32, #tpu.memory_space<vmem>>
        %dma_start3A_234 = arith.constant 0 : i32
        %dma_start3A_235 = arith.constant 0 : i32
        %dma_start3A_236 = tpu.memref_slice %arg27[%dma_start3A_234, %dma_start3A_235] : memref<100000x8xf32, #tpu.memory_space<vmem_shared>> -> memref<100000x8xf32, #tpu.memory_space<vmem_shared>>
        tpu.enqueue_indirect_dma source(%dma_start3A_236 : memref<100000x8xf32, #tpu.memory_space<vmem_shared>>) target(%dma_start3A_230 : memref<128x8xf32, #tpu.memory_space<vmem>>) offsets(%dma_start3A_233 : memref<128xi32, #tpu.memory_space<vmem>>) semaphore(%arg28 : memref<!tpu.dma_semaphore, #tpu.memory_space<semaphore_mem>>)
        %dma_start3A_237 = arith.constant 4 : i32
        %dma_start3A_238 = arith.constant 512 : i32
        %dma_start3A_239 = arith.constant 0 : i32
        %dma_start3A_240 = tpu.memref_slice %arg13[%dma_start3A_238, %dma_start3A_239] : memref<1280x8xf32, #tpu.memory_space<vmem>> -> memref<128x8xf32, #tpu.memory_space<vmem>>
        %dma_start3A_241 = arith.constant 0 : i32
        %dma_start3A_242 = tpu.memref_slice %arg11[%dma_start3A_237, %dma_start3A_241] : memref<10x128xi32, #tpu.memory_space<vmem>> -> memref<1x128xi32, #tpu.memory_space<vmem>>
        %dma_start3A_243 = tpu.memref_squeeze %dma_start3A_242 : memref<1x128xi32, #tpu.memory_space<vmem>> -> memref<128xi32, #tpu.memory_space<vmem>>
        %dma_start3A_244 = arith.constant 0 : i32
        %dma_start3A_245 = arith.constant 0 : i32
        %dma_start3A_246 = tpu.memref_slice %arg27[%dma_start3A_244, %dma_start3A_245] : memref<100000x8xf32, #tpu.memory_space<vmem_shared>> -> memref<100000x8xf32, #tpu.memory_space<vmem_shared>>
        tpu.enqueue_indirect_dma source(%dma_start3A_246 : memref<100000x8xf32, #tpu.memory_space<vmem_shared>>) target(%dma_start3A_240 : memref<128x8xf32, #tpu.memory_space<vmem>>) offsets(%dma_start3A_243 : memref<128xi32, #tpu.memory_space<vmem>>) semaphore(%arg28 : memref<!tpu.dma_semaphore, #tpu.memory_space<semaphore_mem>>)
        %dma_start3A_247 = arith.constant 5 : i32
        %dma_start3A_248 = arith.constant 640 : i32
        %dma_start3A_249 = arith.constant 0 : i32
        %dma_start3A_250 = tpu.memref_slice %arg12[%dma_start3A_248, %dma_start3A_249] : memref<1280x8xf32, #tpu.memory_space<vmem>> -> memref<128x8xf32, #tpu.memory_space<vmem>>
        %dma_start3A_251 = arith.constant 0 : i32
        %dma_start3A_252 = tpu.memref_slice %arg10[%dma_start3A_247, %dma_start3A_251] : memref<10x128xi32, #tpu.memory_space<vmem>> -> memref<1x128xi32, #tpu.memory_space<vmem>>
        %dma_start3A_253 = tpu.memref_squeeze %dma_start3A_252 : memref<1x128xi32, #tpu.memory_space<vmem>> -> memref<128xi32, #tpu.memory_space<vmem>>
        %dma_start3A_254 = arith.constant 0 : i32
        %dma_start3A_255 = arith.constant 0 : i32
        %dma_start3A_256 = tpu.memref_slice %arg27[%dma_start3A_254, %dma_start3A_255] : memref<100000x8xf32, #tpu.memory_space<vmem_shared>> -> memref<100000x8xf32, #tpu.memory_space<vmem_shared>>
        tpu.enqueue_indirect_dma source(%dma_start3A_256 : memref<100000x8xf32, #tpu.memory_space<vmem_shared>>) target(%dma_start3A_250 : memref<128x8xf32, #tpu.memory_space<vmem>>) offsets(%dma_start3A_253 : memref<128xi32, #tpu.memory_space<vmem>>) semaphore(%arg28 : memref<!tpu.dma_semaphore, #tpu.memory_space<semaphore_mem>>)
        %dma_start3A_257 = arith.constant 5 : i32
        %dma_start3A_258 = arith.constant 640 : i32
        %dma_start3A_259 = arith.constant 0 : i32
        %dma_start3A_260 = tpu.memref_slice %arg13[%dma_start3A_258, %dma_start3A_259] : memref<1280x8xf32, #tpu.memory_space<vmem>> -> memref<128x8xf32, #tpu.memory_space<vmem>>
        %dma_start3A_261 = arith.constant 0 : i32
        %dma_start3A_262 = tpu.memref_slice %arg11[%dma_start3A_257, %dma_start3A_261] : memref<10x128xi32, #tpu.memory_space<vmem>> -> memref<1x128xi32, #tpu.memory_space<vmem>>
        %dma_start3A_263 = tpu.memref_squeeze %dma_start3A_262 : memref<1x128xi32, #tpu.memory_space<vmem>> -> memref<128xi32, #tpu.memory_space<vmem>>
        %dma_start3A_264 = arith.constant 0 : i32
        %dma_start3A_265 = arith.constant 0 : i32
        %dma_start3A_266 = tpu.memref_slice %arg27[%dma_start3A_264, %dma_start3A_265] : memref<100000x8xf32, #tpu.memory_space<vmem_shared>> -> memref<100000x8xf32, #tpu.memory_space<vmem_shared>>
        tpu.enqueue_indirect_dma source(%dma_start3A_266 : memref<100000x8xf32, #tpu.memory_space<vmem_shared>>) target(%dma_start3A_260 : memref<128x8xf32, #tpu.memory_space<vmem>>) offsets(%dma_start3A_263 : memref<128xi32, #tpu.memory_space<vmem>>) semaphore(%arg28 : memref<!tpu.dma_semaphore, #tpu.memory_space<semaphore_mem>>)
        %dma_start3A_267 = arith.constant 6 : i32
        %dma_start3A_268 = arith.constant 768 : i32
        %dma_start3A_269 = arith.constant 0 : i32
        %dma_start3A_270 = tpu.memref_slice %arg12[%dma_start3A_268, %dma_start3A_269] : memref<1280x8xf32, #tpu.memory_space<vmem>> -> memref<128x8xf32, #tpu.memory_space<vmem>>
        %dma_start3A_271 = arith.constant 0 : i32
        %dma_start3A_272 = tpu.memref_slice %arg10[%dma_start3A_267, %dma_start3A_271] : memref<10x128xi32, #tpu.memory_space<vmem>> -> memref<1x128xi32, #tpu.memory_space<vmem>>
        %dma_start3A_273 = tpu.memref_squeeze %dma_start3A_272 : memref<1x128xi32, #tpu.memory_space<vmem>> -> memref<128xi32, #tpu.memory_space<vmem>>
        %dma_start3A_274 = arith.constant 0 : i32
        %dma_start3A_275 = arith.constant 0 : i32
        %dma_start3A_276 = tpu.memref_slice %arg27[%dma_start3A_274, %dma_start3A_275] : memref<100000x8xf32, #tpu.memory_space<vmem_shared>> -> memref<100000x8xf32, #tpu.memory_space<vmem_shared>>
        tpu.enqueue_indirect_dma source(%dma_start3A_276 : memref<100000x8xf32, #tpu.memory_space<vmem_shared>>) target(%dma_start3A_270 : memref<128x8xf32, #tpu.memory_space<vmem>>) offsets(%dma_start3A_273 : memref<128xi32, #tpu.memory_space<vmem>>) semaphore(%arg28 : memref<!tpu.dma_semaphore, #tpu.memory_space<semaphore_mem>>)
        %dma_start3A_277 = arith.constant 6 : i32
        %dma_start3A_278 = arith.constant 768 : i32
        %dma_start3A_279 = arith.constant 0 : i32
        %dma_start3A_280 = tpu.memref_slice %arg13[%dma_start3A_278, %dma_start3A_279] : memref<1280x8xf32, #tpu.memory_space<vmem>> -> memref<128x8xf32, #tpu.memory_space<vmem>>
        %dma_start3A_281 = arith.constant 0 : i32
        %dma_start3A_282 = tpu.memref_slice %arg11[%dma_start3A_277, %dma_start3A_281] : memref<10x128xi32, #tpu.memory_space<vmem>> -> memref<1x128xi32, #tpu.memory_space<vmem>>
        %dma_start3A_283 = tpu.memref_squeeze %dma_start3A_282 : memref<1x128xi32, #tpu.memory_space<vmem>> -> memref<128xi32, #tpu.memory_space<vmem>>
        %dma_start3A_284 = arith.constant 0 : i32
        %dma_start3A_285 = arith.constant 0 : i32
        %dma_start3A_286 = tpu.memref_slice %arg27[%dma_start3A_284, %dma_start3A_285] : memref<100000x8xf32, #tpu.memory_space<vmem_shared>> -> memref<100000x8xf32, #tpu.memory_space<vmem_shared>>
        tpu.enqueue_indirect_dma source(%dma_start3A_286 : memref<100000x8xf32, #tpu.memory_space<vmem_shared>>) target(%dma_start3A_280 : memref<128x8xf32, #tpu.memory_space<vmem>>) offsets(%dma_start3A_283 : memref<128xi32, #tpu.memory_space<vmem>>) semaphore(%arg28 : memref<!tpu.dma_semaphore, #tpu.memory_space<semaphore_mem>>)
        %dma_start3A_287 = arith.constant 7 : i32
        %dma_start3A_288 = arith.constant 896 : i32
        %dma_start3A_289 = arith.constant 0 : i32
        %dma_start3A_290 = tpu.memref_slice %arg12[%dma_start3A_288, %dma_start3A_289] : memref<1280x8xf32, #tpu.memory_space<vmem>> -> memref<128x8xf32, #tpu.memory_space<vmem>>
        %dma_start3A_291 = arith.constant 0 : i32
        %dma_start3A_292 = tpu.memref_slice %arg10[%dma_start3A_287, %dma_start3A_291] : memref<10x128xi32, #tpu.memory_space<vmem>> -> memref<1x128xi32, #tpu.memory_space<vmem>>
        %dma_start3A_293 = tpu.memref_squeeze %dma_start3A_292 : memref<1x128xi32, #tpu.memory_space<vmem>> -> memref<128xi32, #tpu.memory_space<vmem>>
        %dma_start3A_294 = arith.constant 0 : i32
        %dma_start3A_295 = arith.constant 0 : i32
        %dma_start3A_296 = tpu.memref_slice %arg27[%dma_start3A_294, %dma_start3A_295] : memref<100000x8xf32, #tpu.memory_space<vmem_shared>> -> memref<100000x8xf32, #tpu.memory_space<vmem_shared>>
        tpu.enqueue_indirect_dma source(%dma_start3A_296 : memref<100000x8xf32, #tpu.memory_space<vmem_shared>>) target(%dma_start3A_290 : memref<128x8xf32, #tpu.memory_space<vmem>>) offsets(%dma_start3A_293 : memref<128xi32, #tpu.memory_space<vmem>>) semaphore(%arg28 : memref<!tpu.dma_semaphore, #tpu.memory_space<semaphore_mem>>)
        %dma_start3A_297 = arith.constant 7 : i32
        %dma_start3A_298 = arith.constant 896 : i32
        %dma_start3A_299 = arith.constant 0 : i32
        %dma_start3A_300 = tpu.memref_slice %arg13[%dma_start3A_298, %dma_start3A_299] : memref<1280x8xf32, #tpu.memory_space<vmem>> -> memref<128x8xf32, #tpu.memory_space<vmem>>
        %dma_start3A_301 = arith.constant 0 : i32
        %dma_start3A_302 = tpu.memref_slice %arg11[%dma_start3A_297, %dma_start3A_301] : memref<10x128xi32, #tpu.memory_space<vmem>> -> memref<1x128xi32, #tpu.memory_space<vmem>>
        %dma_start3A_303 = tpu.memref_squeeze %dma_start3A_302 : memref<1x128xi32, #tpu.memory_space<vmem>> -> memref<128xi32, #tpu.memory_space<vmem>>
        %dma_start3A_304 = arith.constant 0 : i32
        %dma_start3A_305 = arith.constant 0 : i32
        %dma_start3A_306 = tpu.memref_slice %arg27[%dma_start3A_304, %dma_start3A_305] : memref<100000x8xf32, #tpu.memory_space<vmem_shared>> -> memref<100000x8xf32, #tpu.memory_space<vmem_shared>>
        tpu.enqueue_indirect_dma source(%dma_start3A_306 : memref<100000x8xf32, #tpu.memory_space<vmem_shared>>) target(%dma_start3A_300 : memref<128x8xf32, #tpu.memory_space<vmem>>) offsets(%dma_start3A_303 : memref<128xi32, #tpu.memory_space<vmem>>) semaphore(%arg28 : memref<!tpu.dma_semaphore, #tpu.memory_space<semaphore_mem>>)
        %dma_start3A_307 = arith.constant 8 : i32
        %dma_start3A_308 = arith.constant 1024 : i32
        %dma_start3A_309 = arith.constant 0 : i32
        %dma_start3A_310 = tpu.memref_slice %arg12[%dma_start3A_308, %dma_start3A_309] : memref<1280x8xf32, #tpu.memory_space<vmem>> -> memref<128x8xf32, #tpu.memory_space<vmem>>
        %dma_start3A_311 = arith.constant 0 : i32
        %dma_start3A_312 = tpu.memref_slice %arg10[%dma_start3A_307, %dma_start3A_311] : memref<10x128xi32, #tpu.memory_space<vmem>> -> memref<1x128xi32, #tpu.memory_space<vmem>>
        %dma_start3A_313 = tpu.memref_squeeze %dma_start3A_312 : memref<1x128xi32, #tpu.memory_space<vmem>> -> memref<128xi32, #tpu.memory_space<vmem>>
        %dma_start3A_314 = arith.constant 0 : i32
        %dma_start3A_315 = arith.constant 0 : i32
        %dma_start3A_316 = tpu.memref_slice %arg27[%dma_start3A_314, %dma_start3A_315] : memref<100000x8xf32, #tpu.memory_space<vmem_shared>> -> memref<100000x8xf32, #tpu.memory_space<vmem_shared>>
        tpu.enqueue_indirect_dma source(%dma_start3A_316 : memref<100000x8xf32, #tpu.memory_space<vmem_shared>>) target(%dma_start3A_310 : memref<128x8xf32, #tpu.memory_space<vmem>>) offsets(%dma_start3A_313 : memref<128xi32, #tpu.memory_space<vmem>>) semaphore(%arg28 : memref<!tpu.dma_semaphore, #tpu.memory_space<semaphore_mem>>)
        %dma_start3A_317 = arith.constant 8 : i32
        %dma_start3A_318 = arith.constant 1024 : i32
        %dma_start3A_319 = arith.constant 0 : i32
        %dma_start3A_320 = tpu.memref_slice %arg13[%dma_start3A_318, %dma_start3A_319] : memref<1280x8xf32, #tpu.memory_space<vmem>> -> memref<128x8xf32, #tpu.memory_space<vmem>>
        %dma_start3A_321 = arith.constant 0 : i32
        %dma_start3A_322 = tpu.memref_slice %arg11[%dma_start3A_317, %dma_start3A_321] : memref<10x128xi32, #tpu.memory_space<vmem>> -> memref<1x128xi32, #tpu.memory_space<vmem>>
        %dma_start3A_323 = tpu.memref_squeeze %dma_start3A_322 : memref<1x128xi32, #tpu.memory_space<vmem>> -> memref<128xi32, #tpu.memory_space<vmem>>
        %dma_start3A_324 = arith.constant 0 : i32
        %dma_start3A_325 = arith.constant 0 : i32
        %dma_start3A_326 = tpu.memref_slice %arg27[%dma_start3A_324, %dma_start3A_325] : memref<100000x8xf32, #tpu.memory_space<vmem_shared>> -> memref<100000x8xf32, #tpu.memory_space<vmem_shared>>
        tpu.enqueue_indirect_dma source(%dma_start3A_326 : memref<100000x8xf32, #tpu.memory_space<vmem_shared>>) target(%dma_start3A_320 : memref<128x8xf32, #tpu.memory_space<vmem>>) offsets(%dma_start3A_323 : memref<128xi32, #tpu.memory_space<vmem>>) semaphore(%arg28 : memref<!tpu.dma_semaphore, #tpu.memory_space<semaphore_mem>>)
        %dma_start3A_327 = arith.constant 9 : i32
        %dma_start3A_328 = arith.constant 1152 : i32
        %dma_start3A_329 = arith.constant 0 : i32
        %dma_start3A_330 = tpu.memref_slice %arg12[%dma_start3A_328, %dma_start3A_329] : memref<1280x8xf32, #tpu.memory_space<vmem>> -> memref<128x8xf32, #tpu.memory_space<vmem>>
        %dma_start3A_331 = arith.constant 0 : i32
        %dma_start3A_332 = tpu.memref_slice %arg10[%dma_start3A_327, %dma_start3A_331] : memref<10x128xi32, #tpu.memory_space<vmem>> -> memref<1x128xi32, #tpu.memory_space<vmem>>
        %dma_start3A_333 = tpu.memref_squeeze %dma_start3A_332 : memref<1x128xi32, #tpu.memory_space<vmem>> -> memref<128xi32, #tpu.memory_space<vmem>>
        %dma_start3A_334 = arith.constant 0 : i32
        %dma_start3A_335 = arith.constant 0 : i32
        %dma_start3A_336 = tpu.memref_slice %arg27[%dma_start3A_334, %dma_start3A_335] : memref<100000x8xf32, #tpu.memory_space<vmem_shared>> -> memref<100000x8xf32, #tpu.memory_space<vmem_shared>>
        tpu.enqueue_indirect_dma source(%dma_start3A_336 : memref<100000x8xf32, #tpu.memory_space<vmem_shared>>) target(%dma_start3A_330 : memref<128x8xf32, #tpu.memory_space<vmem>>) offsets(%dma_start3A_333 : memref<128xi32, #tpu.memory_space<vmem>>) semaphore(%arg28 : memref<!tpu.dma_semaphore, #tpu.memory_space<semaphore_mem>>)
        %dma_start3A_337 = arith.constant 9 : i32
        %dma_start3A_338 = arith.constant 1152 : i32
        %dma_start3A_339 = arith.constant 0 : i32
        %dma_start3A_340 = tpu.memref_slice %arg13[%dma_start3A_338, %dma_start3A_339] : memref<1280x8xf32, #tpu.memory_space<vmem>> -> memref<128x8xf32, #tpu.memory_space<vmem>>
        %dma_start3A_341 = arith.constant 0 : i32
        %dma_start3A_342 = tpu.memref_slice %arg11[%dma_start3A_337, %dma_start3A_341] : memref<10x128xi32, #tpu.memory_space<vmem>> -> memref<1x128xi32, #tpu.memory_space<vmem>>
        %dma_start3A_343 = tpu.memref_squeeze %dma_start3A_342 : memref<1x128xi32, #tpu.memory_space<vmem>> -> memref<128xi32, #tpu.memory_space<vmem>>
        %dma_start3A_344 = arith.constant 0 : i32
        %dma_start3A_345 = arith.constant 0 : i32
        %dma_start3A_346 = tpu.memref_slice %arg27[%dma_start3A_344, %dma_start3A_345] : memref<100000x8xf32, #tpu.memory_space<vmem_shared>> -> memref<100000x8xf32, #tpu.memory_space<vmem_shared>>
        tpu.enqueue_indirect_dma source(%dma_start3A_346 : memref<100000x8xf32, #tpu.memory_space<vmem_shared>>) target(%dma_start3A_340 : memref<128x8xf32, #tpu.memory_space<vmem>>) offsets(%dma_start3A_343 : memref<128xi32, #tpu.memory_space<vmem>>) semaphore(%arg28 : memref<!tpu.dma_semaphore, #tpu.memory_space<semaphore_mem>>)
      } else {
      }
      %lt3A_129 = arith.constant 5000 : i32
      %lt3A_130 = arith.cmpi slt, %add3A_119, %lt3A_129 : i32
      %convert_element_type3A_131 = arith.extui %lt3A_130 : i1 to i32
      %cond3A_132 = arith.constant 0 : i32
      %cond3A_133 = arith.cmpi ne, %convert_element_type3A_131, %cond3A_132 : i32
      scf.if %cond3A_133 {
        %ge3A_139 = arith.constant 2 : i32
        %ge3A_140 = arith.cmpi sge, %add3A_116, %ge3A_139 : i32
        %convert_element_type3A_141 = arith.extui %ge3A_140 : i1 to i32
        %cond3A_142 = arith.constant 0 : i32
        %cond3A_143 = arith.cmpi ne, %convert_element_type3A_141, %cond3A_142 : i32
        scf.if %cond3A_143 {
          %dma_wait3A_358 = arith.constant 0 : i32
          %dma_wait3A_359 = tpu.memref_slice %arg6[%dma_wait3A_358] : memref<6400000xf32, #tpu.memory_space<hbm>> -> memref<1280xf32, #tpu.memory_space<hbm>>
          %dma_wait3A_360 = arith.constant 0 : i32
          %dma_wait3A_361 = tpu.memref_slice %arg6[%dma_wait3A_360] : memref<6400000xf32, #tpu.memory_space<hbm>> -> memref<1280xf32, #tpu.memory_space<hbm>>
          tpu.wait_dma2 semaphore(%arg31 : memref<!tpu.dma_semaphore, #tpu.memory_space<semaphore_mem>>) src(%arg22 : memref<1280xf32, #tpu.memory_space<vmem>>) dst(%dma_wait3A_361 : memref<1280xf32, #tpu.memory_space<hbm>>)
          %dma_wait3A_362 = arith.constant 0 : i32
          %dma_wait3A_363 = tpu.memref_slice %arg7[%dma_wait3A_362] : memref<6400000xf32, #tpu.memory_space<hbm>> -> memref<1280xf32, #tpu.memory_space<hbm>>
          %dma_wait3A_364 = arith.constant 0 : i32
          %dma_wait3A_365 = tpu.memref_slice %arg7[%dma_wait3A_364] : memref<6400000xf32, #tpu.memory_space<hbm>> -> memref<1280xf32, #tpu.memory_space<hbm>>
          tpu.wait_dma2 semaphore(%arg31 : memref<!tpu.dma_semaphore, #tpu.memory_space<semaphore_mem>>) src(%arg23 : memref<1280xf32, #tpu.memory_space<vmem>>) dst(%dma_wait3A_365 : memref<1280xf32, #tpu.memory_space<hbm>>)
          %dma_wait3A_366 = arith.constant 0 : i32
          %dma_wait3A_367 = tpu.memref_slice %arg8[%dma_wait3A_366] : memref<6400000xf32, #tpu.memory_space<hbm>> -> memref<1280xf32, #tpu.memory_space<hbm>>
          %dma_wait3A_368 = arith.constant 0 : i32
          %dma_wait3A_369 = tpu.memref_slice %arg8[%dma_wait3A_368] : memref<6400000xf32, #tpu.memory_space<hbm>> -> memref<1280xf32, #tpu.memory_space<hbm>>
          tpu.wait_dma2 semaphore(%arg31 : memref<!tpu.dma_semaphore, #tpu.memory_space<semaphore_mem>>) src(%arg24 : memref<1280xf32, #tpu.memory_space<vmem>>) dst(%dma_wait3A_369 : memref<1280xf32, #tpu.memory_space<hbm>>)
          %dma_wait3A_370 = arith.constant 0 : i32
          %dma_wait3A_371 = tpu.memref_slice %arg9[%dma_wait3A_370] : memref<6400000xf32, #tpu.memory_space<hbm>> -> memref<1280xf32, #tpu.memory_space<hbm>>
          %dma_wait3A_372 = arith.constant 0 : i32
          %dma_wait3A_373 = tpu.memref_slice %arg9[%dma_wait3A_372] : memref<6400000xf32, #tpu.memory_space<hbm>> -> memref<1280xf32, #tpu.memory_space<hbm>>
          tpu.wait_dma2 semaphore(%arg31 : memref<!tpu.dma_semaphore, #tpu.memory_space<semaphore_mem>>) src(%arg25 : memref<1280xf32, #tpu.memory_space<vmem>>) dst(%dma_wait3A_373 : memref<1280xf32, #tpu.memory_space<hbm>>)
        } else {
        }
        %dma_wait3A = arith.constant 0 : i32
        %dma_wait3A_144 = arith.constant 0 : i32
        %dma_wait3A_145 = arith.constant 0 : i32
        %dma_wait3A_146 = tpu.memref_slice %arg16[%dma_wait3A_144, %dma_wait3A_145] : memref<1280x8xf32, #tpu.memory_space<vmem>> -> memref<128x8xf32, #tpu.memory_space<vmem>>
        %dma_wait3A_147 = arith.constant 0 : i32
        %dma_wait3A_148 = tpu.memref_slice %arg14[%dma_wait3A, %dma_wait3A_147] : memref<10x128xi32, #tpu.memory_space<vmem>> -> memref<1x128xi32, #tpu.memory_space<vmem>>
        %dma_wait3A_149 = tpu.memref_squeeze %dma_wait3A_148 : memref<1x128xi32, #tpu.memory_space<vmem>> -> memref<128xi32, #tpu.memory_space<vmem>>
        %dma_wait3A_150 = arith.constant 0 : i32
        %dma_wait3A_151 = arith.constant 0 : i32
        %dma_wait3A_152 = tpu.memref_slice %arg27[%dma_wait3A_150, %dma_wait3A_151] : memref<100000x8xf32, #tpu.memory_space<vmem_shared>> -> memref<100000x8xf32, #tpu.memory_space<vmem_shared>>
        tpu.wait_indirect_dma semaphore(%arg29 : memref<!tpu.dma_semaphore, #tpu.memory_space<semaphore_mem>>) src(%dma_wait3A_152 : memref<100000x8xf32, #tpu.memory_space<vmem_shared>>) dst(%dma_wait3A_146 : memref<128x8xf32, #tpu.memory_space<vmem>>)
        %dma_wait3A_153 = arith.constant 0 : i32
        %dma_wait3A_154 = arith.constant 0 : i32
        %dma_wait3A_155 = arith.constant 0 : i32
        %dma_wait3A_156 = tpu.memref_slice %arg17[%dma_wait3A_154, %dma_wait3A_155] : memref<1280x8xf32, #tpu.memory_space<vmem>> -> memref<128x8xf32, #tpu.memory_space<vmem>>
        %dma_wait3A_157 = arith.constant 0 : i32
        %dma_wait3A_158 = tpu.memref_slice %arg15[%dma_wait3A_153, %dma_wait3A_157] : memref<10x128xi32, #tpu.memory_space<vmem>> -> memref<1x128xi32, #tpu.memory_space<vmem>>
        %dma_wait3A_159 = tpu.memref_squeeze %dma_wait3A_158 : memref<1x128xi32, #tpu.memory_space<vmem>> -> memref<128xi32, #tpu.memory_space<vmem>>
        %dma_wait3A_160 = arith.constant 0 : i32
        %dma_wait3A_161 = arith.constant 0 : i32
        %dma_wait3A_162 = tpu.memref_slice %arg27[%dma_wait3A_160, %dma_wait3A_161] : memref<100000x8xf32, #tpu.memory_space<vmem_shared>> -> memref<100000x8xf32, #tpu.memory_space<vmem_shared>>
        tpu.wait_indirect_dma semaphore(%arg29 : memref<!tpu.dma_semaphore, #tpu.memory_space<semaphore_mem>>) src(%dma_wait3A_162 : memref<100000x8xf32, #tpu.memory_space<vmem_shared>>) dst(%dma_wait3A_156 : memref<128x8xf32, #tpu.memory_space<vmem>>)
        %dma_wait3A_163 = arith.constant 1 : i32
        %dma_wait3A_164 = arith.constant 128 : i32
        %dma_wait3A_165 = arith.constant 0 : i32
        %dma_wait3A_166 = tpu.memref_slice %arg16[%dma_wait3A_164, %dma_wait3A_165] : memref<1280x8xf32, #tpu.memory_space<vmem>> -> memref<128x8xf32, #tpu.memory_space<vmem>>
        %dma_wait3A_167 = arith.constant 0 : i32
        %dma_wait3A_168 = tpu.memref_slice %arg14[%dma_wait3A_163, %dma_wait3A_167] : memref<10x128xi32, #tpu.memory_space<vmem>> -> memref<1x128xi32, #tpu.memory_space<vmem>>
        %dma_wait3A_169 = tpu.memref_squeeze %dma_wait3A_168 : memref<1x128xi32, #tpu.memory_space<vmem>> -> memref<128xi32, #tpu.memory_space<vmem>>
        %dma_wait3A_170 = arith.constant 0 : i32
        %dma_wait3A_171 = arith.constant 0 : i32
        %dma_wait3A_172 = tpu.memref_slice %arg27[%dma_wait3A_170, %dma_wait3A_171] : memref<100000x8xf32, #tpu.memory_space<vmem_shared>> -> memref<100000x8xf32, #tpu.memory_space<vmem_shared>>
        tpu.wait_indirect_dma semaphore(%arg29 : memref<!tpu.dma_semaphore, #tpu.memory_space<semaphore_mem>>) src(%dma_wait3A_172 : memref<100000x8xf32, #tpu.memory_space<vmem_shared>>) dst(%dma_wait3A_166 : memref<128x8xf32, #tpu.memory_space<vmem>>)
        %dma_wait3A_173 = arith.constant 1 : i32
        %dma_wait3A_174 = arith.constant 128 : i32
        %dma_wait3A_175 = arith.constant 0 : i32
        %dma_wait3A_176 = tpu.memref_slice %arg17[%dma_wait3A_174, %dma_wait3A_175] : memref<1280x8xf32, #tpu.memory_space<vmem>> -> memref<128x8xf32, #tpu.memory_space<vmem>>
        %dma_wait3A_177 = arith.constant 0 : i32
        %dma_wait3A_178 = tpu.memref_slice %arg15[%dma_wait3A_173, %dma_wait3A_177] : memref<10x128xi32, #tpu.memory_space<vmem>> -> memref<1x128xi32, #tpu.memory_space<vmem>>
        %dma_wait3A_179 = tpu.memref_squeeze %dma_wait3A_178 : memref<1x128xi32, #tpu.memory_space<vmem>> -> memref<128xi32, #tpu.memory_space<vmem>>
        %dma_wait3A_180 = arith.constant 0 : i32
        %dma_wait3A_181 = arith.constant 0 : i32
        %dma_wait3A_182 = tpu.memref_slice %arg27[%dma_wait3A_180, %dma_wait3A_181] : memref<100000x8xf32, #tpu.memory_space<vmem_shared>> -> memref<100000x8xf32, #tpu.memory_space<vmem_shared>>
        tpu.wait_indirect_dma semaphore(%arg29 : memref<!tpu.dma_semaphore, #tpu.memory_space<semaphore_mem>>) src(%dma_wait3A_182 : memref<100000x8xf32, #tpu.memory_space<vmem_shared>>) dst(%dma_wait3A_176 : memref<128x8xf32, #tpu.memory_space<vmem>>)
        %dma_wait3A_183 = arith.constant 2 : i32
        %dma_wait3A_184 = arith.constant 256 : i32
        %dma_wait3A_185 = arith.constant 0 : i32
        %dma_wait3A_186 = tpu.memref_slice %arg16[%dma_wait3A_184, %dma_wait3A_185] : memref<1280x8xf32, #tpu.memory_space<vmem>> -> memref<128x8xf32, #tpu.memory_space<vmem>>
        %dma_wait3A_187 = arith.constant 0 : i32
        %dma_wait3A_188 = tpu.memref_slice %arg14[%dma_wait3A_183, %dma_wait3A_187] : memref<10x128xi32, #tpu.memory_space<vmem>> -> memref<1x128xi32, #tpu.memory_space<vmem>>
        %dma_wait3A_189 = tpu.memref_squeeze %dma_wait3A_188 : memref<1x128xi32, #tpu.memory_space<vmem>> -> memref<128xi32, #tpu.memory_space<vmem>>
        %dma_wait3A_190 = arith.constant 0 : i32
        %dma_wait3A_191 = arith.constant 0 : i32
        %dma_wait3A_192 = tpu.memref_slice %arg27[%dma_wait3A_190, %dma_wait3A_191] : memref<100000x8xf32, #tpu.memory_space<vmem_shared>> -> memref<100000x8xf32, #tpu.memory_space<vmem_shared>>
        tpu.wait_indirect_dma semaphore(%arg29 : memref<!tpu.dma_semaphore, #tpu.memory_space<semaphore_mem>>) src(%dma_wait3A_192 : memref<100000x8xf32, #tpu.memory_space<vmem_shared>>) dst(%dma_wait3A_186 : memref<128x8xf32, #tpu.memory_space<vmem>>)
        %dma_wait3A_193 = arith.constant 2 : i32
        %dma_wait3A_194 = arith.constant 256 : i32
        %dma_wait3A_195 = arith.constant 0 : i32
        %dma_wait3A_196 = tpu.memref_slice %arg17[%dma_wait3A_194, %dma_wait3A_195] : memref<1280x8xf32, #tpu.memory_space<vmem>> -> memref<128x8xf32, #tpu.memory_space<vmem>>
        %dma_wait3A_197 = arith.constant 0 : i32
        %dma_wait3A_198 = tpu.memref_slice %arg15[%dma_wait3A_193, %dma_wait3A_197] : memref<10x128xi32, #tpu.memory_space<vmem>> -> memref<1x128xi32, #tpu.memory_space<vmem>>
        %dma_wait3A_199 = tpu.memref_squeeze %dma_wait3A_198 : memref<1x128xi32, #tpu.memory_space<vmem>> -> memref<128xi32, #tpu.memory_space<vmem>>
        %dma_wait3A_200 = arith.constant 0 : i32
        %dma_wait3A_201 = arith.constant 0 : i32
        %dma_wait3A_202 = tpu.memref_slice %arg27[%dma_wait3A_200, %dma_wait3A_201] : memref<100000x8xf32, #tpu.memory_space<vmem_shared>> -> memref<100000x8xf32, #tpu.memory_space<vmem_shared>>
        tpu.wait_indirect_dma semaphore(%arg29 : memref<!tpu.dma_semaphore, #tpu.memory_space<semaphore_mem>>) src(%dma_wait3A_202 : memref<100000x8xf32, #tpu.memory_space<vmem_shared>>) dst(%dma_wait3A_196 : memref<128x8xf32, #tpu.memory_space<vmem>>)
        %dma_wait3A_203 = arith.constant 3 : i32
        %dma_wait3A_204 = arith.constant 384 : i32
        %dma_wait3A_205 = arith.constant 0 : i32
        %dma_wait3A_206 = tpu.memref_slice %arg16[%dma_wait3A_204, %dma_wait3A_205] : memref<1280x8xf32, #tpu.memory_space<vmem>> -> memref<128x8xf32, #tpu.memory_space<vmem>>
        %dma_wait3A_207 = arith.constant 0 : i32
        %dma_wait3A_208 = tpu.memref_slice %arg14[%dma_wait3A_203, %dma_wait3A_207] : memref<10x128xi32, #tpu.memory_space<vmem>> -> memref<1x128xi32, #tpu.memory_space<vmem>>
        %dma_wait3A_209 = tpu.memref_squeeze %dma_wait3A_208 : memref<1x128xi32, #tpu.memory_space<vmem>> -> memref<128xi32, #tpu.memory_space<vmem>>
        %dma_wait3A_210 = arith.constant 0 : i32
        %dma_wait3A_211 = arith.constant 0 : i32
        %dma_wait3A_212 = tpu.memref_slice %arg27[%dma_wait3A_210, %dma_wait3A_211] : memref<100000x8xf32, #tpu.memory_space<vmem_shared>> -> memref<100000x8xf32, #tpu.memory_space<vmem_shared>>
        tpu.wait_indirect_dma semaphore(%arg29 : memref<!tpu.dma_semaphore, #tpu.memory_space<semaphore_mem>>) src(%dma_wait3A_212 : memref<100000x8xf32, #tpu.memory_space<vmem_shared>>) dst(%dma_wait3A_206 : memref<128x8xf32, #tpu.memory_space<vmem>>)
        %dma_wait3A_213 = arith.constant 3 : i32
        %dma_wait3A_214 = arith.constant 384 : i32
        %dma_wait3A_215 = arith.constant 0 : i32
        %dma_wait3A_216 = tpu.memref_slice %arg17[%dma_wait3A_214, %dma_wait3A_215] : memref<1280x8xf32, #tpu.memory_space<vmem>> -> memref<128x8xf32, #tpu.memory_space<vmem>>
        %dma_wait3A_217 = arith.constant 0 : i32
        %dma_wait3A_218 = tpu.memref_slice %arg15[%dma_wait3A_213, %dma_wait3A_217] : memref<10x128xi32, #tpu.memory_space<vmem>> -> memref<1x128xi32, #tpu.memory_space<vmem>>
        %dma_wait3A_219 = tpu.memref_squeeze %dma_wait3A_218 : memref<1x128xi32, #tpu.memory_space<vmem>> -> memref<128xi32, #tpu.memory_space<vmem>>
        %dma_wait3A_220 = arith.constant 0 : i32
        %dma_wait3A_221 = arith.constant 0 : i32
        %dma_wait3A_222 = tpu.memref_slice %arg27[%dma_wait3A_220, %dma_wait3A_221] : memref<100000x8xf32, #tpu.memory_space<vmem_shared>> -> memref<100000x8xf32, #tpu.memory_space<vmem_shared>>
        tpu.wait_indirect_dma semaphore(%arg29 : memref<!tpu.dma_semaphore, #tpu.memory_space<semaphore_mem>>) src(%dma_wait3A_222 : memref<100000x8xf32, #tpu.memory_space<vmem_shared>>) dst(%dma_wait3A_216 : memref<128x8xf32, #tpu.memory_space<vmem>>)
        %dma_wait3A_223 = arith.constant 4 : i32
        %dma_wait3A_224 = arith.constant 512 : i32
        %dma_wait3A_225 = arith.constant 0 : i32
        %dma_wait3A_226 = tpu.memref_slice %arg16[%dma_wait3A_224, %dma_wait3A_225] : memref<1280x8xf32, #tpu.memory_space<vmem>> -> memref<128x8xf32, #tpu.memory_space<vmem>>
        %dma_wait3A_227 = arith.constant 0 : i32
        %dma_wait3A_228 = tpu.memref_slice %arg14[%dma_wait3A_223, %dma_wait3A_227] : memref<10x128xi32, #tpu.memory_space<vmem>> -> memref<1x128xi32, #tpu.memory_space<vmem>>
        %dma_wait3A_229 = tpu.memref_squeeze %dma_wait3A_228 : memref<1x128xi32, #tpu.memory_space<vmem>> -> memref<128xi32, #tpu.memory_space<vmem>>
        %dma_wait3A_230 = arith.constant 0 : i32
        %dma_wait3A_231 = arith.constant 0 : i32
        %dma_wait3A_232 = tpu.memref_slice %arg27[%dma_wait3A_230, %dma_wait3A_231] : memref<100000x8xf32, #tpu.memory_space<vmem_shared>> -> memref<100000x8xf32, #tpu.memory_space<vmem_shared>>
        tpu.wait_indirect_dma semaphore(%arg29 : memref<!tpu.dma_semaphore, #tpu.memory_space<semaphore_mem>>) src(%dma_wait3A_232 : memref<100000x8xf32, #tpu.memory_space<vmem_shared>>) dst(%dma_wait3A_226 : memref<128x8xf32, #tpu.memory_space<vmem>>)
        %dma_wait3A_233 = arith.constant 4 : i32
        %dma_wait3A_234 = arith.constant 512 : i32
        %dma_wait3A_235 = arith.constant 0 : i32
        %dma_wait3A_236 = tpu.memref_slice %arg17[%dma_wait3A_234, %dma_wait3A_235] : memref<1280x8xf32, #tpu.memory_space<vmem>> -> memref<128x8xf32, #tpu.memory_space<vmem>>
        %dma_wait3A_237 = arith.constant 0 : i32
        %dma_wait3A_238 = tpu.memref_slice %arg15[%dma_wait3A_233, %dma_wait3A_237] : memref<10x128xi32, #tpu.memory_space<vmem>> -> memref<1x128xi32, #tpu.memory_space<vmem>>
        %dma_wait3A_239 = tpu.memref_squeeze %dma_wait3A_238 : memref<1x128xi32, #tpu.memory_space<vmem>> -> memref<128xi32, #tpu.memory_space<vmem>>
        %dma_wait3A_240 = arith.constant 0 : i32
        %dma_wait3A_241 = arith.constant 0 : i32
        %dma_wait3A_242 = tpu.memref_slice %arg27[%dma_wait3A_240, %dma_wait3A_241] : memref<100000x8xf32, #tpu.memory_space<vmem_shared>> -> memref<100000x8xf32, #tpu.memory_space<vmem_shared>>
        tpu.wait_indirect_dma semaphore(%arg29 : memref<!tpu.dma_semaphore, #tpu.memory_space<semaphore_mem>>) src(%dma_wait3A_242 : memref<100000x8xf32, #tpu.memory_space<vmem_shared>>) dst(%dma_wait3A_236 : memref<128x8xf32, #tpu.memory_space<vmem>>)
        %dma_wait3A_243 = arith.constant 5 : i32
        %dma_wait3A_244 = arith.constant 640 : i32
        %dma_wait3A_245 = arith.constant 0 : i32
        %dma_wait3A_246 = tpu.memref_slice %arg16[%dma_wait3A_244, %dma_wait3A_245] : memref<1280x8xf32, #tpu.memory_space<vmem>> -> memref<128x8xf32, #tpu.memory_space<vmem>>
        %dma_wait3A_247 = arith.constant 0 : i32
        %dma_wait3A_248 = tpu.memref_slice %arg14[%dma_wait3A_243, %dma_wait3A_247] : memref<10x128xi32, #tpu.memory_space<vmem>> -> memref<1x128xi32, #tpu.memory_space<vmem>>
        %dma_wait3A_249 = tpu.memref_squeeze %dma_wait3A_248 : memref<1x128xi32, #tpu.memory_space<vmem>> -> memref<128xi32, #tpu.memory_space<vmem>>
        %dma_wait3A_250 = arith.constant 0 : i32
        %dma_wait3A_251 = arith.constant 0 : i32
        %dma_wait3A_252 = tpu.memref_slice %arg27[%dma_wait3A_250, %dma_wait3A_251] : memref<100000x8xf32, #tpu.memory_space<vmem_shared>> -> memref<100000x8xf32, #tpu.memory_space<vmem_shared>>
        tpu.wait_indirect_dma semaphore(%arg29 : memref<!tpu.dma_semaphore, #tpu.memory_space<semaphore_mem>>) src(%dma_wait3A_252 : memref<100000x8xf32, #tpu.memory_space<vmem_shared>>) dst(%dma_wait3A_246 : memref<128x8xf32, #tpu.memory_space<vmem>>)
        %dma_wait3A_253 = arith.constant 5 : i32
        %dma_wait3A_254 = arith.constant 640 : i32
        %dma_wait3A_255 = arith.constant 0 : i32
        %dma_wait3A_256 = tpu.memref_slice %arg17[%dma_wait3A_254, %dma_wait3A_255] : memref<1280x8xf32, #tpu.memory_space<vmem>> -> memref<128x8xf32, #tpu.memory_space<vmem>>
        %dma_wait3A_257 = arith.constant 0 : i32
        %dma_wait3A_258 = tpu.memref_slice %arg15[%dma_wait3A_253, %dma_wait3A_257] : memref<10x128xi32, #tpu.memory_space<vmem>> -> memref<1x128xi32, #tpu.memory_space<vmem>>
        %dma_wait3A_259 = tpu.memref_squeeze %dma_wait3A_258 : memref<1x128xi32, #tpu.memory_space<vmem>> -> memref<128xi32, #tpu.memory_space<vmem>>
        %dma_wait3A_260 = arith.constant 0 : i32
        %dma_wait3A_261 = arith.constant 0 : i32
        %dma_wait3A_262 = tpu.memref_slice %arg27[%dma_wait3A_260, %dma_wait3A_261] : memref<100000x8xf32, #tpu.memory_space<vmem_shared>> -> memref<100000x8xf32, #tpu.memory_space<vmem_shared>>
        tpu.wait_indirect_dma semaphore(%arg29 : memref<!tpu.dma_semaphore, #tpu.memory_space<semaphore_mem>>) src(%dma_wait3A_262 : memref<100000x8xf32, #tpu.memory_space<vmem_shared>>) dst(%dma_wait3A_256 : memref<128x8xf32, #tpu.memory_space<vmem>>)
        %dma_wait3A_263 = arith.constant 6 : i32
        %dma_wait3A_264 = arith.constant 768 : i32
        %dma_wait3A_265 = arith.constant 0 : i32
        %dma_wait3A_266 = tpu.memref_slice %arg16[%dma_wait3A_264, %dma_wait3A_265] : memref<1280x8xf32, #tpu.memory_space<vmem>> -> memref<128x8xf32, #tpu.memory_space<vmem>>
        %dma_wait3A_267 = arith.constant 0 : i32
        %dma_wait3A_268 = tpu.memref_slice %arg14[%dma_wait3A_263, %dma_wait3A_267] : memref<10x128xi32, #tpu.memory_space<vmem>> -> memref<1x128xi32, #tpu.memory_space<vmem>>
        %dma_wait3A_269 = tpu.memref_squeeze %dma_wait3A_268 : memref<1x128xi32, #tpu.memory_space<vmem>> -> memref<128xi32, #tpu.memory_space<vmem>>
        %dma_wait3A_270 = arith.constant 0 : i32
        %dma_wait3A_271 = arith.constant 0 : i32
        %dma_wait3A_272 = tpu.memref_slice %arg27[%dma_wait3A_270, %dma_wait3A_271] : memref<100000x8xf32, #tpu.memory_space<vmem_shared>> -> memref<100000x8xf32, #tpu.memory_space<vmem_shared>>
        tpu.wait_indirect_dma semaphore(%arg29 : memref<!tpu.dma_semaphore, #tpu.memory_space<semaphore_mem>>) src(%dma_wait3A_272 : memref<100000x8xf32, #tpu.memory_space<vmem_shared>>) dst(%dma_wait3A_266 : memref<128x8xf32, #tpu.memory_space<vmem>>)
        %dma_wait3A_273 = arith.constant 6 : i32
        %dma_wait3A_274 = arith.constant 768 : i32
        %dma_wait3A_275 = arith.constant 0 : i32
        %dma_wait3A_276 = tpu.memref_slice %arg17[%dma_wait3A_274, %dma_wait3A_275] : memref<1280x8xf32, #tpu.memory_space<vmem>> -> memref<128x8xf32, #tpu.memory_space<vmem>>
        %dma_wait3A_277 = arith.constant 0 : i32
        %dma_wait3A_278 = tpu.memref_slice %arg15[%dma_wait3A_273, %dma_wait3A_277] : memref<10x128xi32, #tpu.memory_space<vmem>> -> memref<1x128xi32, #tpu.memory_space<vmem>>
        %dma_wait3A_279 = tpu.memref_squeeze %dma_wait3A_278 : memref<1x128xi32, #tpu.memory_space<vmem>> -> memref<128xi32, #tpu.memory_space<vmem>>
        %dma_wait3A_280 = arith.constant 0 : i32
        %dma_wait3A_281 = arith.constant 0 : i32
        %dma_wait3A_282 = tpu.memref_slice %arg27[%dma_wait3A_280, %dma_wait3A_281] : memref<100000x8xf32, #tpu.memory_space<vmem_shared>> -> memref<100000x8xf32, #tpu.memory_space<vmem_shared>>
        tpu.wait_indirect_dma semaphore(%arg29 : memref<!tpu.dma_semaphore, #tpu.memory_space<semaphore_mem>>) src(%dma_wait3A_282 : memref<100000x8xf32, #tpu.memory_space<vmem_shared>>) dst(%dma_wait3A_276 : memref<128x8xf32, #tpu.memory_space<vmem>>)
        %dma_wait3A_283 = arith.constant 7 : i32
        %dma_wait3A_284 = arith.constant 896 : i32
        %dma_wait3A_285 = arith.constant 0 : i32
        %dma_wait3A_286 = tpu.memref_slice %arg16[%dma_wait3A_284, %dma_wait3A_285] : memref<1280x8xf32, #tpu.memory_space<vmem>> -> memref<128x8xf32, #tpu.memory_space<vmem>>
        %dma_wait3A_287 = arith.constant 0 : i32
        %dma_wait3A_288 = tpu.memref_slice %arg14[%dma_wait3A_283, %dma_wait3A_287] : memref<10x128xi32, #tpu.memory_space<vmem>> -> memref<1x128xi32, #tpu.memory_space<vmem>>
        %dma_wait3A_289 = tpu.memref_squeeze %dma_wait3A_288 : memref<1x128xi32, #tpu.memory_space<vmem>> -> memref<128xi32, #tpu.memory_space<vmem>>
        %dma_wait3A_290 = arith.constant 0 : i32
        %dma_wait3A_291 = arith.constant 0 : i32
        %dma_wait3A_292 = tpu.memref_slice %arg27[%dma_wait3A_290, %dma_wait3A_291] : memref<100000x8xf32, #tpu.memory_space<vmem_shared>> -> memref<100000x8xf32, #tpu.memory_space<vmem_shared>>
        tpu.wait_indirect_dma semaphore(%arg29 : memref<!tpu.dma_semaphore, #tpu.memory_space<semaphore_mem>>) src(%dma_wait3A_292 : memref<100000x8xf32, #tpu.memory_space<vmem_shared>>) dst(%dma_wait3A_286 : memref<128x8xf32, #tpu.memory_space<vmem>>)
        %dma_wait3A_293 = arith.constant 7 : i32
        %dma_wait3A_294 = arith.constant 896 : i32
        %dma_wait3A_295 = arith.constant 0 : i32
        %dma_wait3A_296 = tpu.memref_slice %arg17[%dma_wait3A_294, %dma_wait3A_295] : memref<1280x8xf32, #tpu.memory_space<vmem>> -> memref<128x8xf32, #tpu.memory_space<vmem>>
        %dma_wait3A_297 = arith.constant 0 : i32
        %dma_wait3A_298 = tpu.memref_slice %arg15[%dma_wait3A_293, %dma_wait3A_297] : memref<10x128xi32, #tpu.memory_space<vmem>> -> memref<1x128xi32, #tpu.memory_space<vmem>>
        %dma_wait3A_299 = tpu.memref_squeeze %dma_wait3A_298 : memref<1x128xi32, #tpu.memory_space<vmem>> -> memref<128xi32, #tpu.memory_space<vmem>>
        %dma_wait3A_300 = arith.constant 0 : i32
        %dma_wait3A_301 = arith.constant 0 : i32
        %dma_wait3A_302 = tpu.memref_slice %arg27[%dma_wait3A_300, %dma_wait3A_301] : memref<100000x8xf32, #tpu.memory_space<vmem_shared>> -> memref<100000x8xf32, #tpu.memory_space<vmem_shared>>
        tpu.wait_indirect_dma semaphore(%arg29 : memref<!tpu.dma_semaphore, #tpu.memory_space<semaphore_mem>>) src(%dma_wait3A_302 : memref<100000x8xf32, #tpu.memory_space<vmem_shared>>) dst(%dma_wait3A_296 : memref<128x8xf32, #tpu.memory_space<vmem>>)
        %dma_wait3A_303 = arith.constant 8 : i32
        %dma_wait3A_304 = arith.constant 1024 : i32
        %dma_wait3A_305 = arith.constant 0 : i32
        %dma_wait3A_306 = tpu.memref_slice %arg16[%dma_wait3A_304, %dma_wait3A_305] : memref<1280x8xf32, #tpu.memory_space<vmem>> -> memref<128x8xf32, #tpu.memory_space<vmem>>
        %dma_wait3A_307 = arith.constant 0 : i32
        %dma_wait3A_308 = tpu.memref_slice %arg14[%dma_wait3A_303, %dma_wait3A_307] : memref<10x128xi32, #tpu.memory_space<vmem>> -> memref<1x128xi32, #tpu.memory_space<vmem>>
        %dma_wait3A_309 = tpu.memref_squeeze %dma_wait3A_308 : memref<1x128xi32, #tpu.memory_space<vmem>> -> memref<128xi32, #tpu.memory_space<vmem>>
        %dma_wait3A_310 = arith.constant 0 : i32
        %dma_wait3A_311 = arith.constant 0 : i32
        %dma_wait3A_312 = tpu.memref_slice %arg27[%dma_wait3A_310, %dma_wait3A_311] : memref<100000x8xf32, #tpu.memory_space<vmem_shared>> -> memref<100000x8xf32, #tpu.memory_space<vmem_shared>>
        tpu.wait_indirect_dma semaphore(%arg29 : memref<!tpu.dma_semaphore, #tpu.memory_space<semaphore_mem>>) src(%dma_wait3A_312 : memref<100000x8xf32, #tpu.memory_space<vmem_shared>>) dst(%dma_wait3A_306 : memref<128x8xf32, #tpu.memory_space<vmem>>)
        %dma_wait3A_313 = arith.constant 8 : i32
        %dma_wait3A_314 = arith.constant 1024 : i32
        %dma_wait3A_315 = arith.constant 0 : i32
        %dma_wait3A_316 = tpu.memref_slice %arg17[%dma_wait3A_314, %dma_wait3A_315] : memref<1280x8xf32, #tpu.memory_space<vmem>> -> memref<128x8xf32, #tpu.memory_space<vmem>>
        %dma_wait3A_317 = arith.constant 0 : i32
        %dma_wait3A_318 = tpu.memref_slice %arg15[%dma_wait3A_313, %dma_wait3A_317] : memref<10x128xi32, #tpu.memory_space<vmem>> -> memref<1x128xi32, #tpu.memory_space<vmem>>
        %dma_wait3A_319 = tpu.memref_squeeze %dma_wait3A_318 : memref<1x128xi32, #tpu.memory_space<vmem>> -> memref<128xi32, #tpu.memory_space<vmem>>
        %dma_wait3A_320 = arith.constant 0 : i32
        %dma_wait3A_321 = arith.constant 0 : i32
        %dma_wait3A_322 = tpu.memref_slice %arg27[%dma_wait3A_320, %dma_wait3A_321] : memref<100000x8xf32, #tpu.memory_space<vmem_shared>> -> memref<100000x8xf32, #tpu.memory_space<vmem_shared>>
        tpu.wait_indirect_dma semaphore(%arg29 : memref<!tpu.dma_semaphore, #tpu.memory_space<semaphore_mem>>) src(%dma_wait3A_322 : memref<100000x8xf32, #tpu.memory_space<vmem_shared>>) dst(%dma_wait3A_316 : memref<128x8xf32, #tpu.memory_space<vmem>>)
        %dma_wait3A_323 = arith.constant 9 : i32
        %dma_wait3A_324 = arith.constant 1152 : i32
        %dma_wait3A_325 = arith.constant 0 : i32
        %dma_wait3A_326 = tpu.memref_slice %arg16[%dma_wait3A_324, %dma_wait3A_325] : memref<1280x8xf32, #tpu.memory_space<vmem>> -> memref<128x8xf32, #tpu.memory_space<vmem>>
        %dma_wait3A_327 = arith.constant 0 : i32
        %dma_wait3A_328 = tpu.memref_slice %arg14[%dma_wait3A_323, %dma_wait3A_327] : memref<10x128xi32, #tpu.memory_space<vmem>> -> memref<1x128xi32, #tpu.memory_space<vmem>>
        %dma_wait3A_329 = tpu.memref_squeeze %dma_wait3A_328 : memref<1x128xi32, #tpu.memory_space<vmem>> -> memref<128xi32, #tpu.memory_space<vmem>>
        %dma_wait3A_330 = arith.constant 0 : i32
        %dma_wait3A_331 = arith.constant 0 : i32
        %dma_wait3A_332 = tpu.memref_slice %arg27[%dma_wait3A_330, %dma_wait3A_331] : memref<100000x8xf32, #tpu.memory_space<vmem_shared>> -> memref<100000x8xf32, #tpu.memory_space<vmem_shared>>
        tpu.wait_indirect_dma semaphore(%arg29 : memref<!tpu.dma_semaphore, #tpu.memory_space<semaphore_mem>>) src(%dma_wait3A_332 : memref<100000x8xf32, #tpu.memory_space<vmem_shared>>) dst(%dma_wait3A_326 : memref<128x8xf32, #tpu.memory_space<vmem>>)
        %dma_wait3A_333 = arith.constant 9 : i32
        %dma_wait3A_334 = arith.constant 1152 : i32
        %dma_wait3A_335 = arith.constant 0 : i32
        %dma_wait3A_336 = tpu.memref_slice %arg17[%dma_wait3A_334, %dma_wait3A_335] : memref<1280x8xf32, #tpu.memory_space<vmem>> -> memref<128x8xf32, #tpu.memory_space<vmem>>
        %dma_wait3A_337 = arith.constant 0 : i32
        %dma_wait3A_338 = tpu.memref_slice %arg15[%dma_wait3A_333, %dma_wait3A_337] : memref<10x128xi32, #tpu.memory_space<vmem>> -> memref<1x128xi32, #tpu.memory_space<vmem>>
        %dma_wait3A_339 = tpu.memref_squeeze %dma_wait3A_338 : memref<1x128xi32, #tpu.memory_space<vmem>> -> memref<128xi32, #tpu.memory_space<vmem>>
        %dma_wait3A_340 = arith.constant 0 : i32
        %dma_wait3A_341 = arith.constant 0 : i32
        %dma_wait3A_342 = tpu.memref_slice %arg27[%dma_wait3A_340, %dma_wait3A_341] : memref<100000x8xf32, #tpu.memory_space<vmem_shared>> -> memref<100000x8xf32, #tpu.memory_space<vmem_shared>>
        tpu.wait_indirect_dma semaphore(%arg29 : memref<!tpu.dma_semaphore, #tpu.memory_space<semaphore_mem>>) src(%dma_wait3A_342 : memref<100000x8xf32, #tpu.memory_space<vmem_shared>>) dst(%dma_wait3A_336 : memref<128x8xf32, #tpu.memory_space<vmem>>)
        %scan3A_343 = arith.constant 0 : i32
        %scan3A_344 = arith.constant 0 : i32
        %scan3A_345 = arith.constant 80 : i32
        %scan3A_346 = arith.addi %scan3A_344, %scan3A_345 : i32
        %scan3A_347 = arith.constant 2 : i32
        scf.for %scan3A_358 = %scan3A_344 to %scan3A_346 step %scan3A_347  : i32 {
          %mul3A_359 = arith.constant 16 : i32
          %mul3A_360 = arith.muli %scan3A_358, %mul3A_359 : i32
          %add3A_361 = vector.broadcast %mul3A_360 : i32 to vector<16xi32>
          %add3A_362 = arith.addi %add3A_361, %iota3A : vector<16xi32>
          %gather3A = tpu.vector_load_idx %arg16[%add3A_362, %broadcast_in_dim3A_26] : memref<1280x8xf32, #tpu.memory_space<vmem>>[vector<16xi32>, vector<16xi32>], vector<16xf32>,
          %gather3A_363 = tpu.vector_load_idx %arg16[%add3A_362, %broadcast_in_dim3A_28] : memref<1280x8xf32, #tpu.memory_space<vmem>>[vector<16xi32>, vector<16xi32>], vector<16xf32>,
          %gather3A_364 = tpu.vector_load_idx %arg16[%add3A_362, %broadcast_in_dim3A_30] : memref<1280x8xf32, #tpu.memory_space<vmem>>[vector<16xi32>, vector<16xi32>], vector<16xf32>,
          %gather3A_365 = tpu.vector_load_idx %arg17[%add3A_362, %broadcast_in_dim3A_26] : memref<1280x8xf32, #tpu.memory_space<vmem>>[vector<16xi32>, vector<16xi32>], vector<16xf32>,
          %gather3A_366 = tpu.vector_load_idx %arg17[%add3A_362, %broadcast_in_dim3A_28] : memref<1280x8xf32, #tpu.memory_space<vmem>>[vector<16xi32>, vector<16xi32>], vector<16xf32>,
          %gather3A_367 = tpu.vector_load_idx %arg17[%add3A_362, %broadcast_in_dim3A_30] : memref<1280x8xf32, #tpu.memory_space<vmem>>[vector<16xi32>, vector<16xi32>], vector<16xf32>,
          %sub3A_368 = arith.subf %gather3A_365, %gather3A : vector<16xf32>
          %sub3A_369 = arith.subf %gather3A_366, %gather3A_363 : vector<16xf32>
          %sub3A_370 = arith.subf %gather3A_367, %gather3A_364 : vector<16xf32>
          %mul3A_371 = arith.mulf %sub3A_368, %get3A_17 : vector<16xf32>
          %add3A_372 = arith.addf %mul3A_371, %broadcast_in_dim3A_32 : vector<16xf32>
          %sub3A_373 = arith.subf %add3A_372, %broadcast_in_dim3A_32 : vector<16xf32>
          %mul3A_374 = arith.mulf %sub3A_369, %get3A_21 : vector<16xf32>
          %add3A_375 = arith.addf %mul3A_374, %broadcast_in_dim3A_32 : vector<16xf32>
          %sub3A_376 = arith.subf %add3A_375, %broadcast_in_dim3A_32 : vector<16xf32>
          %mul3A_377 = arith.mulf %sub3A_370, %get3A_25 : vector<16xf32>
          %add3A_378 = arith.addf %mul3A_377, %broadcast_in_dim3A_32 : vector<16xf32>
          %sub3A_379 = arith.subf %add3A_378, %broadcast_in_dim3A_32 : vector<16xf32>
          %mul3A_380 = arith.mulf %sub3A_373, %get3A_5 : vector<16xf32>
          %sub3A_381 = arith.subf %sub3A_368, %mul3A_380 : vector<16xf32>
          %mul3A_382 = arith.mulf %sub3A_376, %get3A_9 : vector<16xf32>
          %sub3A_383 = arith.subf %sub3A_369, %mul3A_382 : vector<16xf32>
          %mul3A_384 = arith.mulf %sub3A_379, %get3A_13 : vector<16xf32>
          %sub3A_385 = arith.subf %sub3A_370, %mul3A_384 : vector<16xf32>
          %mul3A_386 = arith.mulf %sub3A_381, %sub3A_381 : vector<16xf32>
          %mul3A_387 = arith.mulf %sub3A_383, %sub3A_383 : vector<16xf32>
          %add3A_388 = arith.addf %mul3A_386, %mul3A_387 : vector<16xf32>
          %mul3A_389 = arith.mulf %sub3A_385, %sub3A_385 : vector<16xf32>
          %add3A_390 = arith.addf %add3A_388, %mul3A_389 : vector<16xf32>
          %bitcast3A = vector.bitcast %add3A_390 : vector<16xf32> to vector<16xi32>
          %shift_right_logical3A = arith.constant 1 : i32
          %shift_right_logical3A_391 = vector.broadcast %shift_right_logical3A : i32 to vector<16xi32>
          %shift_right_logical3A_392 = arith.shrui %bitcast3A, %shift_right_logical3A_391 : vector<16xi32>
          %sub3A_393 = arith.subi %broadcast_in_dim3A_38, %shift_right_logical3A_392 : vector<16xi32>
          %bitcast3A_394 = vector.bitcast %sub3A_393 : vector<16xi32> to vector<16xf32>
          %mul3A_395 = arith.mulf %add3A_390, %broadcast_in_dim3A_34 : vector<16xf32>
          %mul3A_396 = arith.mulf %mul3A_395, %bitcast3A_394 : vector<16xf32>
          %mul3A_397 = arith.mulf %mul3A_396, %bitcast3A_394 : vector<16xf32>
          %sub3A_398 = arith.subf %broadcast_in_dim3A_36, %mul3A_397 : vector<16xf32>
          %mul3A_399 = arith.mulf %bitcast3A_394, %sub3A_398 : vector<16xf32>
          %mul3A_400 = arith.mulf %mul3A_395, %mul3A_399 : vector<16xf32>
          %mul3A_401 = arith.mulf %mul3A_400, %mul3A_399 : vector<16xf32>
          %sub3A_402 = arith.subf %broadcast_in_dim3A_36, %mul3A_401 : vector<16xf32>
          %mul3A_403 = arith.mulf %mul3A_399, %sub3A_402 : vector<16xf32>
          %mul3A_404 = arith.mulf %add3A_390, %mul3A_403 : vector<16xf32>
          %mul3A_405 = arith.constant 16 : i32
          %mul3A_406 = arith.muli %scan3A_358, %mul3A_405 : i32
          %swap3A = arith.index_cast %mul3A_406 : i32 to index
          %swap3A_407 = tpu.vector_load %arg22[%swap3A] {strides = array<i32>} : memref<1280xf32, #tpu.memory_space<vmem>>, vector<16xf32>,
          tpu.vector_store %arg22[%swap3A], %sub3A_381 {strides = array<i32>} : memref<1280xf32, #tpu.memory_space<vmem>>, vector<16xf32>,
          %swap3A_408 = arith.index_cast %mul3A_406 : i32 to index
          %swap3A_409 = tpu.vector_load %arg23[%swap3A_408] {strides = array<i32>} : memref<1280xf32, #tpu.memory_space<vmem>>, vector<16xf32>,
          tpu.vector_store %arg23[%swap3A_408], %sub3A_383 {strides = array<i32>} : memref<1280xf32, #tpu.memory_space<vmem>>, vector<16xf32>,
          %swap3A_410 = arith.index_cast %mul3A_406 : i32 to index
          %swap3A_411 = tpu.vector_load %arg24[%swap3A_410] {strides = array<i32>} : memref<1280xf32, #tpu.memory_space<vmem>>, vector<16xf32>,
          tpu.vector_store %arg24[%swap3A_410], %sub3A_385 {strides = array<i32>} : memref<1280xf32, #tpu.memory_space<vmem>>, vector<16xf32>,
          %swap3A_412 = arith.index_cast %mul3A_406 : i32 to index
          %swap3A_413 = tpu.vector_load %arg25[%swap3A_412] {strides = array<i32>} : memref<1280xf32, #tpu.memory_space<vmem>>, vector<16xf32>,
          tpu.vector_store %arg25[%swap3A_412], %mul3A_404 {strides = array<i32>} : memref<1280xf32, #tpu.memory_space<vmem>>, vector<16xf32>,
          %scan3A_414 = arith.constant 1 : i32
          %scan3A_415 = arith.addi %scan3A_358, %scan3A_414 : i32
          %mul3A_416 = arith.constant 16 : i32
          %mul3A_417 = arith.muli %scan3A_415, %mul3A_416 : i32
          %add3A_418 = vector.broadcast %mul3A_417 : i32 to vector<16xi32>
          %add3A_419 = arith.addi %add3A_418, %iota3A : vector<16xi32>
          %gather3A_420 = tpu.vector_load_idx %arg16[%add3A_419, %broadcast_in_dim3A_26] : memref<1280x8xf32, #tpu.memory_space<vmem>>[vector<16xi32>, vector<16xi32>], vector<16xf32>,
          %gather3A_421 = tpu.vector_load_idx %arg16[%add3A_419, %broadcast_in_dim3A_28] : memref<1280x8xf32, #tpu.memory_space<vmem>>[vector<16xi32>, vector<16xi32>], vector<16xf32>,
          %gather3A_422 = tpu.vector_load_idx %arg16[%add3A_419, %broadcast_in_dim3A_30] : memref<1280x8xf32, #tpu.memory_space<vmem>>[vector<16xi32>, vector<16xi32>], vector<16xf32>,
          %gather3A_423 = tpu.vector_load_idx %arg17[%add3A_419, %broadcast_in_dim3A_26] : memref<1280x8xf32, #tpu.memory_space<vmem>>[vector<16xi32>, vector<16xi32>], vector<16xf32>,
          %gather3A_424 = tpu.vector_load_idx %arg17[%add3A_419, %broadcast_in_dim3A_28] : memref<1280x8xf32, #tpu.memory_space<vmem>>[vector<16xi32>, vector<16xi32>], vector<16xf32>,
          %gather3A_425 = tpu.vector_load_idx %arg17[%add3A_419, %broadcast_in_dim3A_30] : memref<1280x8xf32, #tpu.memory_space<vmem>>[vector<16xi32>, vector<16xi32>], vector<16xf32>,
          %sub3A_426 = arith.subf %gather3A_423, %gather3A_420 : vector<16xf32>
          %sub3A_427 = arith.subf %gather3A_424, %gather3A_421 : vector<16xf32>
          %sub3A_428 = arith.subf %gather3A_425, %gather3A_422 : vector<16xf32>
          %mul3A_429 = arith.mulf %sub3A_426, %get3A_17 : vector<16xf32>
          %add3A_430 = arith.addf %mul3A_429, %broadcast_in_dim3A_32 : vector<16xf32>
          %sub3A_431 = arith.subf %add3A_430, %broadcast_in_dim3A_32 : vector<16xf32>
          %mul3A_432 = arith.mulf %sub3A_427, %get3A_21 : vector<16xf32>
          %add3A_433 = arith.addf %mul3A_432, %broadcast_in_dim3A_32 : vector<16xf32>
          %sub3A_434 = arith.subf %add3A_433, %broadcast_in_dim3A_32 : vector<16xf32>
          %mul3A_435 = arith.mulf %sub3A_428, %get3A_25 : vector<16xf32>
          %add3A_436 = arith.addf %mul3A_435, %broadcast_in_dim3A_32 : vector<16xf32>
          %sub3A_437 = arith.subf %add3A_436, %broadcast_in_dim3A_32 : vector<16xf32>
          %mul3A_438 = arith.mulf %sub3A_431, %get3A_5 : vector<16xf32>
          %sub3A_439 = arith.subf %sub3A_426, %mul3A_438 : vector<16xf32>
          %mul3A_440 = arith.mulf %sub3A_434, %get3A_9 : vector<16xf32>
          %sub3A_441 = arith.subf %sub3A_427, %mul3A_440 : vector<16xf32>
          %mul3A_442 = arith.mulf %sub3A_437, %get3A_13 : vector<16xf32>
          %sub3A_443 = arith.subf %sub3A_428, %mul3A_442 : vector<16xf32>
          %mul3A_444 = arith.mulf %sub3A_439, %sub3A_439 : vector<16xf32>
          %mul3A_445 = arith.mulf %sub3A_441, %sub3A_441 : vector<16xf32>
          %add3A_446 = arith.addf %mul3A_444, %mul3A_445 : vector<16xf32>
          %mul3A_447 = arith.mulf %sub3A_443, %sub3A_443 : vector<16xf32>
          %add3A_448 = arith.addf %add3A_446, %mul3A_447 : vector<16xf32>
          %bitcast3A_449 = vector.bitcast %add3A_448 : vector<16xf32> to vector<16xi32>
          %shift_right_logical3A_450 = arith.constant 1 : i32
          %shift_right_logical3A_451 = vector.broadcast %shift_right_logical3A_450 : i32 to vector<16xi32>
          %shift_right_logical3A_452 = arith.shrui %bitcast3A_449, %shift_right_logical3A_451 : vector<16xi32>
          %sub3A_453 = arith.subi %broadcast_in_dim3A_38, %shift_right_logical3A_452 : vector<16xi32>
          %bitcast3A_454 = vector.bitcast %sub3A_453 : vector<16xi32> to vector<16xf32>
          %mul3A_455 = arith.mulf %add3A_448, %broadcast_in_dim3A_34 : vector<16xf32>
          %mul3A_456 = arith.mulf %mul3A_455, %bitcast3A_454 : vector<16xf32>
          %mul3A_457 = arith.mulf %mul3A_456, %bitcast3A_454 : vector<16xf32>
          %sub3A_458 = arith.subf %broadcast_in_dim3A_36, %mul3A_457 : vector<16xf32>
          %mul3A_459 = arith.mulf %bitcast3A_454, %sub3A_458 : vector<16xf32>
          %mul3A_460 = arith.mulf %mul3A_455, %mul3A_459 : vector<16xf32>
          %mul3A_461 = arith.mulf %mul3A_460, %mul3A_459 : vector<16xf32>
          %sub3A_462 = arith.subf %broadcast_in_dim3A_36, %mul3A_461 : vector<16xf32>
          %mul3A_463 = arith.mulf %mul3A_459, %sub3A_462 : vector<16xf32>
          %mul3A_464 = arith.mulf %add3A_448, %mul3A_463 : vector<16xf32>
          %mul3A_465 = arith.constant 16 : i32
          %mul3A_466 = arith.muli %scan3A_415, %mul3A_465 : i32
          %swap3A_467 = arith.index_cast %mul3A_466 : i32 to index
          %swap3A_468 = tpu.vector_load %arg22[%swap3A_467] {strides = array<i32>} : memref<1280xf32, #tpu.memory_space<vmem>>, vector<16xf32>,
          tpu.vector_store %arg22[%swap3A_467], %sub3A_439 {strides = array<i32>} : memref<1280xf32, #tpu.memory_space<vmem>>, vector<16xf32>,
          %swap3A_469 = arith.index_cast %mul3A_466 : i32 to index
          %swap3A_470 = tpu.vector_load %arg23[%swap3A_469] {strides = array<i32>} : memref<1280xf32, #tpu.memory_space<vmem>>, vector<16xf32>,
          tpu.vector_store %arg23[%swap3A_469], %sub3A_441 {strides = array<i32>} : memref<1280xf32, #tpu.memory_space<vmem>>, vector<16xf32>,
          %swap3A_471 = arith.index_cast %mul3A_466 : i32 to index
          %swap3A_472 = tpu.vector_load %arg24[%swap3A_471] {strides = array<i32>} : memref<1280xf32, #tpu.memory_space<vmem>>, vector<16xf32>,
          tpu.vector_store %arg24[%swap3A_471], %sub3A_443 {strides = array<i32>} : memref<1280xf32, #tpu.memory_space<vmem>>, vector<16xf32>,
          %swap3A_473 = arith.index_cast %mul3A_466 : i32 to index
          %swap3A_474 = tpu.vector_load %arg25[%swap3A_473] {strides = array<i32>} : memref<1280xf32, #tpu.memory_space<vmem>>, vector<16xf32>,
          tpu.vector_store %arg25[%swap3A_473], %mul3A_464 {strides = array<i32>} : memref<1280xf32, #tpu.memory_space<vmem>>, vector<16xf32>,
        }
        %scan3A_348 = arith.constant 80 : i32
        %mul3A_349 = arith.constant 1280 : i32
        %mul3A_350 = arith.muli %add3A_119, %mul3A_349 : i32
        %dma_start3A = tpu.memref_slice %arg6[%mul3A_350] : memref<6400000xf32, #tpu.memory_space<hbm>> -> memref<1280xf32, #tpu.memory_space<hbm>>
        %dma_start3A_351 = tpu.memref_slice %arg6[%mul3A_350] : memref<6400000xf32, #tpu.memory_space<hbm>> -> memref<1280xf32, #tpu.memory_space<hbm>>
        tpu.enqueue_dma source(%arg22 : memref<1280xf32, #tpu.memory_space<vmem>>) target(%dma_start3A_351 : memref<1280xf32, #tpu.memory_space<hbm>>) target_semaphore(%arg31 : memref<!tpu.dma_semaphore, #tpu.memory_space<semaphore_mem>>)
        %dma_start3A_352 = tpu.memref_slice %arg7[%mul3A_350] : memref<6400000xf32, #tpu.memory_space<hbm>> -> memref<1280xf32, #tpu.memory_space<hbm>>
        %dma_start3A_353 = tpu.memref_slice %arg7[%mul3A_350] : memref<6400000xf32, #tpu.memory_space<hbm>> -> memref<1280xf32, #tpu.memory_space<hbm>>
        tpu.enqueue_dma source(%arg23 : memref<1280xf32, #tpu.memory_space<vmem>>) target(%dma_start3A_353 : memref<1280xf32, #tpu.memory_space<hbm>>) target_semaphore(%arg31 : memref<!tpu.dma_semaphore, #tpu.memory_space<semaphore_mem>>)
        %dma_start3A_354 = tpu.memref_slice %arg8[%mul3A_350] : memref<6400000xf32, #tpu.memory_space<hbm>> -> memref<1280xf32, #tpu.memory_space<hbm>>
        %dma_start3A_355 = tpu.memref_slice %arg8[%mul3A_350] : memref<6400000xf32, #tpu.memory_space<hbm>> -> memref<1280xf32, #tpu.memory_space<hbm>>
        tpu.enqueue_dma source(%arg24 : memref<1280xf32, #tpu.memory_space<vmem>>) target(%dma_start3A_355 : memref<1280xf32, #tpu.memory_space<hbm>>) target_semaphore(%arg31 : memref<!tpu.dma_semaphore, #tpu.memory_space<semaphore_mem>>)
        %dma_start3A_356 = tpu.memref_slice %arg9[%mul3A_350] : memref<6400000xf32, #tpu.memory_space<hbm>> -> memref<1280xf32, #tpu.memory_space<hbm>>
        %dma_start3A_357 = tpu.memref_slice %arg9[%mul3A_350] : memref<6400000xf32, #tpu.memory_space<hbm>> -> memref<1280xf32, #tpu.memory_space<hbm>>
        tpu.enqueue_dma source(%arg25 : memref<1280xf32, #tpu.memory_space<vmem>>) target(%dma_start3A_357 : memref<1280xf32, #tpu.memory_space<hbm>>) target_semaphore(%arg31 : memref<!tpu.dma_semaphore, #tpu.memory_space<semaphore_mem>>)
      } else {
      }
      %lt3A_134 = arith.constant 5000 : i32
      %lt3A_135 = arith.cmpi slt, %add3A_123, %lt3A_134 : i32
      %convert_element_type3A_136 = arith.extui %lt3A_135 : i1 to i32
      %cond3A_137 = arith.constant 0 : i32
      %cond3A_138 = arith.cmpi ne, %convert_element_type3A_136, %cond3A_137 : i32
      scf.if %cond3A_138 {
        %mul3A_139 = arith.constant 10 : i32
        %mul3A_140 = arith.muli %mul3A_139, %add3A_123 : i32
        %dma_start3A = arith.constant 0 : i32
        %dma_start3A_141 = tpu.memref_slice %arg2[%mul3A_140, %dma_start3A] : memref<50000x128xi32, #tpu.memory_space<hbm>> -> memref<10x128xi32, #tpu.memory_space<hbm>>
        %dma_start3A_142 = arith.constant 0 : i32
        %dma_start3A_143 = tpu.memref_slice %arg2[%mul3A_140, %dma_start3A_142] : memref<50000x128xi32, #tpu.memory_space<hbm>> -> memref<10x128xi32, #tpu.memory_space<hbm>>
        tpu.enqueue_dma source(%dma_start3A_143 : memref<10x128xi32, #tpu.memory_space<hbm>>) target(%arg14 : memref<10x128xi32, #tpu.memory_space<vmem>>) target_semaphore(%arg33 : memref<!tpu.dma_semaphore, #tpu.memory_space<semaphore_mem>>)
        %dma_start3A_144 = arith.constant 0 : i32
        %dma_start3A_145 = tpu.memref_slice %arg3[%mul3A_140, %dma_start3A_144] : memref<50000x128xi32, #tpu.memory_space<hbm>> -> memref<10x128xi32, #tpu.memory_space<hbm>>
        %dma_start3A_146 = arith.constant 0 : i32
        %dma_start3A_147 = tpu.memref_slice %arg3[%mul3A_140, %dma_start3A_146] : memref<50000x128xi32, #tpu.memory_space<hbm>> -> memref<10x128xi32, #tpu.memory_space<hbm>>
        tpu.enqueue_dma source(%dma_start3A_147 : memref<10x128xi32, #tpu.memory_space<hbm>>) target(%arg15 : memref<10x128xi32, #tpu.memory_space<vmem>>) target_semaphore(%arg33 : memref<!tpu.dma_semaphore, #tpu.memory_space<semaphore_mem>>)
      } else {
      }
    }
    %scan3A_54 = arith.constant 79 : i32
    %sub3A = arith.constant 5000 : i32
    %sub3A_55 = arith.subi %sub3A, %add3A : i32
    %add3A_56 = arith.constant 32 : i32
    %add3A_57 = arith.addi %sub3A_55, %add3A_56 : i32
    %sub3A_58 = arith.constant 1 : i32
    %sub3A_59 = arith.subi %add3A_57, %sub3A_58 : i32
    %jit3A = arith.constant 32 : i32
    %div3A = arith.divsi %sub3A_59, %jit3A : i32
    %sign3A = arith.constant 0 : i32
    %sign3A_60 = arith.cmpi sgt, %sub3A_59, %sign3A : i32
    %sign3A_61 = arith.extui %sign3A_60 : i1 to i32
    %sign3A_62 = arith.constant 0 : i32
    %sign3A_63 = arith.cmpi slt, %sub3A_59, %sign3A_62 : i32
    %sign3A_64 = arith.extui %sign3A_63 : i1 to i32
    %sign3A_65 = arith.subi %sign3A_61, %sign3A_64 : i32
    %sign3A_66 = arith.constant 0 : i32
    %sign3A_67 = arith.cmpi sgt, %jit3A, %sign3A_66 : i32
    %sign3A_68 = arith.extui %sign3A_67 : i1 to i32
    %sign3A_69 = arith.constant 0 : i32
    %sign3A_70 = arith.cmpi slt, %jit3A, %sign3A_69 : i32
    %sign3A_71 = arith.extui %sign3A_70 : i1 to i32
    %sign3A_72 = arith.subi %sign3A_68, %sign3A_71 : i32
    %ne3A = arith.cmpi ne, %sign3A_65, %sign3A_72 : i32
    %rem3A = arith.remsi %sub3A_59, %jit3A : i32
    %ne3A_73 = arith.constant 0 : i32
    %ne3A_74 = arith.cmpi ne, %rem3A, %ne3A_73 : i32
    %and3A = arith.andi %ne3A, %ne3A_74 : i1
    %sub3A_75 = arith.constant 1 : i32
    %sub3A_76 = arith.subi %div3A, %sub3A_75 : i32
    %select_n3A = arith.select %and3A, %sub3A_76, %div3A : i32
    %ge3A = arith.constant 1 : i32
    %ge3A_77 = arith.cmpi sge, %select_n3A, %ge3A : i32
    %convert_element_type3A_78 = arith.extui %ge3A_77 : i1 to i32
    %cond3A_79 = arith.constant 0 : i32
    %cond3A_80 = arith.cmpi ne, %convert_element_type3A_78, %cond3A_79 : i32
    scf.if %cond3A_80 {
      %sub3A_86 = arith.constant 1 : i32
      %sub3A_87 = arith.subi %select_n3A, %sub3A_86 : i32
      %rem3A_88 = arith.constant 2 : i32
      %rem3A_89 = arith.remsi %sub3A_87, %rem3A_88 : i32
      %eq3A_90 = arith.constant 0 : i32
      %eq3A_91 = arith.cmpi eq, %rem3A_89, %eq3A_90 : i32
      %convert_element_type3A_92 = arith.extui %eq3A_91 : i1 to i32
      %cond3A_93 = arith.constant 0 : i32
      %cond3A_94 = arith.cmpi ne, %convert_element_type3A_92, %cond3A_93 : i32
      scf.if %cond3A_94 {
        %dma_wait3A = arith.constant 0 : i32
        %dma_wait3A_100 = tpu.memref_slice %arg6[%dma_wait3A] : memref<6400000xf32, #tpu.memory_space<hbm>> -> memref<1280xf32, #tpu.memory_space<hbm>>
        %dma_wait3A_101 = arith.constant 0 : i32
        %dma_wait3A_102 = tpu.memref_slice %arg6[%dma_wait3A_101] : memref<6400000xf32, #tpu.memory_space<hbm>> -> memref<1280xf32, #tpu.memory_space<hbm>>
        tpu.wait_dma2 semaphore(%arg30 : memref<!tpu.dma_semaphore, #tpu.memory_space<semaphore_mem>>) src(%arg18 : memref<1280xf32, #tpu.memory_space<vmem>>) dst(%dma_wait3A_102 : memref<1280xf32, #tpu.memory_space<hbm>>)
        %dma_wait3A_103 = arith.constant 0 : i32
        %dma_wait3A_104 = tpu.memref_slice %arg7[%dma_wait3A_103] : memref<6400000xf32, #tpu.memory_space<hbm>> -> memref<1280xf32, #tpu.memory_space<hbm>>
        %dma_wait3A_105 = arith.constant 0 : i32
        %dma_wait3A_106 = tpu.memref_slice %arg7[%dma_wait3A_105] : memref<6400000xf32, #tpu.memory_space<hbm>> -> memref<1280xf32, #tpu.memory_space<hbm>>
        tpu.wait_dma2 semaphore(%arg30 : memref<!tpu.dma_semaphore, #tpu.memory_space<semaphore_mem>>) src(%arg19 : memref<1280xf32, #tpu.memory_space<vmem>>) dst(%dma_wait3A_106 : memref<1280xf32, #tpu.memory_space<hbm>>)
        %dma_wait3A_107 = arith.constant 0 : i32
        %dma_wait3A_108 = tpu.memref_slice %arg8[%dma_wait3A_107] : memref<6400000xf32, #tpu.memory_space<hbm>> -> memref<1280xf32, #tpu.memory_space<hbm>>
        %dma_wait3A_109 = arith.constant 0 : i32
        %dma_wait3A_110 = tpu.memref_slice %arg8[%dma_wait3A_109] : memref<6400000xf32, #tpu.memory_space<hbm>> -> memref<1280xf32, #tpu.memory_space<hbm>>
        tpu.wait_dma2 semaphore(%arg30 : memref<!tpu.dma_semaphore, #tpu.memory_space<semaphore_mem>>) src(%arg20 : memref<1280xf32, #tpu.memory_space<vmem>>) dst(%dma_wait3A_110 : memref<1280xf32, #tpu.memory_space<hbm>>)
        %dma_wait3A_111 = arith.constant 0 : i32
        %dma_wait3A_112 = tpu.memref_slice %arg9[%dma_wait3A_111] : memref<6400000xf32, #tpu.memory_space<hbm>> -> memref<1280xf32, #tpu.memory_space<hbm>>
        %dma_wait3A_113 = arith.constant 0 : i32
        %dma_wait3A_114 = tpu.memref_slice %arg9[%dma_wait3A_113] : memref<6400000xf32, #tpu.memory_space<hbm>> -> memref<1280xf32, #tpu.memory_space<hbm>>
        tpu.wait_dma2 semaphore(%arg30 : memref<!tpu.dma_semaphore, #tpu.memory_space<semaphore_mem>>) src(%arg21 : memref<1280xf32, #tpu.memory_space<vmem>>) dst(%dma_wait3A_114 : memref<1280xf32, #tpu.memory_space<hbm>>)
      } else {
      }
      %eq3A_95 = arith.constant 1 : i32
      %eq3A_96 = arith.cmpi eq, %rem3A_89, %eq3A_95 : i32
      %convert_element_type3A_97 = arith.extui %eq3A_96 : i1 to i32
      %cond3A_98 = arith.constant 0 : i32
      %cond3A_99 = arith.cmpi ne, %convert_element_type3A_97, %cond3A_98 : i32
      scf.if %cond3A_99 {
        %dma_wait3A = arith.constant 0 : i32
        %dma_wait3A_100 = tpu.memref_slice %arg6[%dma_wait3A] : memref<6400000xf32, #tpu.memory_space<hbm>> -> memref<1280xf32, #tpu.memory_space<hbm>>
        %dma_wait3A_101 = arith.constant 0 : i32
        %dma_wait3A_102 = tpu.memref_slice %arg6[%dma_wait3A_101] : memref<6400000xf32, #tpu.memory_space<hbm>> -> memref<1280xf32, #tpu.memory_space<hbm>>
        tpu.wait_dma2 semaphore(%arg31 : memref<!tpu.dma_semaphore, #tpu.memory_space<semaphore_mem>>) src(%arg22 : memref<1280xf32, #tpu.memory_space<vmem>>) dst(%dma_wait3A_102 : memref<1280xf32, #tpu.memory_space<hbm>>)
        %dma_wait3A_103 = arith.constant 0 : i32
        %dma_wait3A_104 = tpu.memref_slice %arg7[%dma_wait3A_103] : memref<6400000xf32, #tpu.memory_space<hbm>> -> memref<1280xf32, #tpu.memory_space<hbm>>
        %dma_wait3A_105 = arith.constant 0 : i32
        %dma_wait3A_106 = tpu.memref_slice %arg7[%dma_wait3A_105] : memref<6400000xf32, #tpu.memory_space<hbm>> -> memref<1280xf32, #tpu.memory_space<hbm>>
        tpu.wait_dma2 semaphore(%arg31 : memref<!tpu.dma_semaphore, #tpu.memory_space<semaphore_mem>>) src(%arg23 : memref<1280xf32, #tpu.memory_space<vmem>>) dst(%dma_wait3A_106 : memref<1280xf32, #tpu.memory_space<hbm>>)
        %dma_wait3A_107 = arith.constant 0 : i32
        %dma_wait3A_108 = tpu.memref_slice %arg8[%dma_wait3A_107] : memref<6400000xf32, #tpu.memory_space<hbm>> -> memref<1280xf32, #tpu.memory_space<hbm>>
        %dma_wait3A_109 = arith.constant 0 : i32
        %dma_wait3A_110 = tpu.memref_slice %arg8[%dma_wait3A_109] : memref<6400000xf32, #tpu.memory_space<hbm>> -> memref<1280xf32, #tpu.memory_space<hbm>>
        tpu.wait_dma2 semaphore(%arg31 : memref<!tpu.dma_semaphore, #tpu.memory_space<semaphore_mem>>) src(%arg24 : memref<1280xf32, #tpu.memory_space<vmem>>) dst(%dma_wait3A_110 : memref<1280xf32, #tpu.memory_space<hbm>>)
        %dma_wait3A_111 = arith.constant 0 : i32
        %dma_wait3A_112 = tpu.memref_slice %arg9[%dma_wait3A_111] : memref<6400000xf32, #tpu.memory_space<hbm>> -> memref<1280xf32, #tpu.memory_space<hbm>>
        %dma_wait3A_113 = arith.constant 0 : i32
        %dma_wait3A_114 = tpu.memref_slice %arg9[%dma_wait3A_113] : memref<6400000xf32, #tpu.memory_space<hbm>> -> memref<1280xf32, #tpu.memory_space<hbm>>
        tpu.wait_dma2 semaphore(%arg31 : memref<!tpu.dma_semaphore, #tpu.memory_space<semaphore_mem>>) src(%arg25 : memref<1280xf32, #tpu.memory_space<vmem>>) dst(%dma_wait3A_114 : memref<1280xf32, #tpu.memory_space<hbm>>)
      } else {
      }
    } else {
    }
    %ge3A_81 = arith.constant 2 : i32
    %ge3A_82 = arith.cmpi sge, %select_n3A, %ge3A_81 : i32
    %convert_element_type3A_83 = arith.extui %ge3A_82 : i1 to i32
    %cond3A_84 = arith.constant 0 : i32
    %cond3A_85 = arith.cmpi ne, %convert_element_type3A_83, %cond3A_84 : i32
    scf.if %cond3A_85 {
      %sub3A_86 = arith.constant 2 : i32
      %sub3A_87 = arith.subi %select_n3A, %sub3A_86 : i32
      %rem3A_88 = arith.constant 2 : i32
      %rem3A_89 = arith.remsi %sub3A_87, %rem3A_88 : i32
      %eq3A_90 = arith.constant 0 : i32
      %eq3A_91 = arith.cmpi eq, %rem3A_89, %eq3A_90 : i32
      %convert_element_type3A_92 = arith.extui %eq3A_91 : i1 to i32
      %cond3A_93 = arith.constant 0 : i32
      %cond3A_94 = arith.cmpi ne, %convert_element_type3A_92, %cond3A_93 : i32
      scf.if %cond3A_94 {
        %dma_wait3A = arith.constant 0 : i32
        %dma_wait3A_100 = tpu.memref_slice %arg6[%dma_wait3A] : memref<6400000xf32, #tpu.memory_space<hbm>> -> memref<1280xf32, #tpu.memory_space<hbm>>
        %dma_wait3A_101 = arith.constant 0 : i32
        %dma_wait3A_102 = tpu.memref_slice %arg6[%dma_wait3A_101] : memref<6400000xf32, #tpu.memory_space<hbm>> -> memref<1280xf32, #tpu.memory_space<hbm>>
        tpu.wait_dma2 semaphore(%arg30 : memref<!tpu.dma_semaphore, #tpu.memory_space<semaphore_mem>>) src(%arg18 : memref<1280xf32, #tpu.memory_space<vmem>>) dst(%dma_wait3A_102 : memref<1280xf32, #tpu.memory_space<hbm>>)
        %dma_wait3A_103 = arith.constant 0 : i32
        %dma_wait3A_104 = tpu.memref_slice %arg7[%dma_wait3A_103] : memref<6400000xf32, #tpu.memory_space<hbm>> -> memref<1280xf32, #tpu.memory_space<hbm>>
        %dma_wait3A_105 = arith.constant 0 : i32
        %dma_wait3A_106 = tpu.memref_slice %arg7[%dma_wait3A_105] : memref<6400000xf32, #tpu.memory_space<hbm>> -> memref<1280xf32, #tpu.memory_space<hbm>>
        tpu.wait_dma2 semaphore(%arg30 : memref<!tpu.dma_semaphore, #tpu.memory_space<semaphore_mem>>) src(%arg19 : memref<1280xf32, #tpu.memory_space<vmem>>) dst(%dma_wait3A_106 : memref<1280xf32, #tpu.memory_space<hbm>>)
        %dma_wait3A_107 = arith.constant 0 : i32
        %dma_wait3A_108 = tpu.memref_slice %arg8[%dma_wait3A_107] : memref<6400000xf32, #tpu.memory_space<hbm>> -> memref<1280xf32, #tpu.memory_space<hbm>>
        %dma_wait3A_109 = arith.constant 0 : i32
        %dma_wait3A_110 = tpu.memref_slice %arg8[%dma_wait3A_109] : memref<6400000xf32, #tpu.memory_space<hbm>> -> memref<1280xf32, #tpu.memory_space<hbm>>
        tpu.wait_dma2 semaphore(%arg30 : memref<!tpu.dma_semaphore, #tpu.memory_space<semaphore_mem>>) src(%arg20 : memref<1280xf32, #tpu.memory_space<vmem>>) dst(%dma_wait3A_110 : memref<1280xf32, #tpu.memory_space<hbm>>)
        %dma_wait3A_111 = arith.constant 0 : i32
        %dma_wait3A_112 = tpu.memref_slice %arg9[%dma_wait3A_111] : memref<6400000xf32, #tpu.memory_space<hbm>> -> memref<1280xf32, #tpu.memory_space<hbm>>
        %dma_wait3A_113 = arith.constant 0 : i32
        %dma_wait3A_114 = tpu.memref_slice %arg9[%dma_wait3A_113] : memref<6400000xf32, #tpu.memory_space<hbm>> -> memref<1280xf32, #tpu.memory_space<hbm>>
        tpu.wait_dma2 semaphore(%arg30 : memref<!tpu.dma_semaphore, #tpu.memory_space<semaphore_mem>>) src(%arg21 : memref<1280xf32, #tpu.memory_space<vmem>>) dst(%dma_wait3A_114 : memref<1280xf32, #tpu.memory_space<hbm>>)
      } else {
      }
      %eq3A_95 = arith.constant 1 : i32
      %eq3A_96 = arith.cmpi eq, %rem3A_89, %eq3A_95 : i32
      %convert_element_type3A_97 = arith.extui %eq3A_96 : i1 to i32
      %cond3A_98 = arith.constant 0 : i32
      %cond3A_99 = arith.cmpi ne, %convert_element_type3A_97, %cond3A_98 : i32
      scf.if %cond3A_99 {
        %dma_wait3A = arith.constant 0 : i32
        %dma_wait3A_100 = tpu.memref_slice %arg6[%dma_wait3A] : memref<6400000xf32, #tpu.memory_space<hbm>> -> memref<1280xf32, #tpu.memory_space<hbm>>
        %dma_wait3A_101 = arith.constant 0 : i32
        %dma_wait3A_102 = tpu.memref_slice %arg6[%dma_wait3A_101] : memref<6400000xf32, #tpu.memory_space<hbm>> -> memref<1280xf32, #tpu.memory_space<hbm>>
        tpu.wait_dma2 semaphore(%arg31 : memref<!tpu.dma_semaphore, #tpu.memory_space<semaphore_mem>>) src(%arg22 : memref<1280xf32, #tpu.memory_space<vmem>>) dst(%dma_wait3A_102 : memref<1280xf32, #tpu.memory_space<hbm>>)
        %dma_wait3A_103 = arith.constant 0 : i32
        %dma_wait3A_104 = tpu.memref_slice %arg7[%dma_wait3A_103] : memref<6400000xf32, #tpu.memory_space<hbm>> -> memref<1280xf32, #tpu.memory_space<hbm>>
        %dma_wait3A_105 = arith.constant 0 : i32
        %dma_wait3A_106 = tpu.memref_slice %arg7[%dma_wait3A_105] : memref<6400000xf32, #tpu.memory_space<hbm>> -> memref<1280xf32, #tpu.memory_space<hbm>>
        tpu.wait_dma2 semaphore(%arg31 : memref<!tpu.dma_semaphore, #tpu.memory_space<semaphore_mem>>) src(%arg23 : memref<1280xf32, #tpu.memory_space<vmem>>) dst(%dma_wait3A_106 : memref<1280xf32, #tpu.memory_space<hbm>>)
        %dma_wait3A_107 = arith.constant 0 : i32
        %dma_wait3A_108 = tpu.memref_slice %arg8[%dma_wait3A_107] : memref<6400000xf32, #tpu.memory_space<hbm>> -> memref<1280xf32, #tpu.memory_space<hbm>>
        %dma_wait3A_109 = arith.constant 0 : i32
        %dma_wait3A_110 = tpu.memref_slice %arg8[%dma_wait3A_109] : memref<6400000xf32, #tpu.memory_space<hbm>> -> memref<1280xf32, #tpu.memory_space<hbm>>
        tpu.wait_dma2 semaphore(%arg31 : memref<!tpu.dma_semaphore, #tpu.memory_space<semaphore_mem>>) src(%arg24 : memref<1280xf32, #tpu.memory_space<vmem>>) dst(%dma_wait3A_110 : memref<1280xf32, #tpu.memory_space<hbm>>)
        %dma_wait3A_111 = arith.constant 0 : i32
        %dma_wait3A_112 = tpu.memref_slice %arg9[%dma_wait3A_111] : memref<6400000xf32, #tpu.memory_space<hbm>> -> memref<1280xf32, #tpu.memory_space<hbm>>
        %dma_wait3A_113 = arith.constant 0 : i32
        %dma_wait3A_114 = tpu.memref_slice %arg9[%dma_wait3A_113] : memref<6400000xf32, #tpu.memory_space<hbm>> -> memref<1280xf32, #tpu.memory_space<hbm>>
        tpu.wait_dma2 semaphore(%arg31 : memref<!tpu.dma_semaphore, #tpu.memory_space<semaphore_mem>>) src(%arg25 : memref<1280xf32, #tpu.memory_space<vmem>>) dst(%dma_wait3A_114 : memref<1280xf32, #tpu.memory_space<hbm>>)
      } else {
      }
    } else {
    }
    return
  }
}

</mosaic_0001>

<sc_bundles>
// kernel: kernel.3.cloned.1.call-start
scs
__scs_entry_jumppad:
0x0: {  	(pc) =	sbr.rel $0x88, $3  }
0x1: {  	(tag) =	ssettag $0x0;
	lr =	simm.s32 $0x1  }
0x2: {  	[smem:$0x3F9D] =	sst lr;
	_ =	strace $0xD0000000  }
0x3: {  	_ = 	snop  }
0x4: {  	_ = 	snop  }
0x5: {  	_ = 	snop  }
0x6: {  	_ = 	snop  }
0x7: {  	_ = 	snop  }
__scs_overlays_trampoline_lowered:
0x8: {  	[smem:$0x3FAC] =	sst s0  }
0x9: {  	[smem:$0x3FAD] =	sst s1  }
0xa: {  	[smem:$0x3FAE] =	sst s2  }
0xb: {  	[smem:$0x3FAF] =	sst s3  }
0xc: {  	[smem:$0x3FB0] =	sst s4  }
0xd: {  	[smem:$0x3FB1] =	sst s5  }
0xe: {  	[smem:$0x3FB2] =	sst s6  }
0xf: {  	[smem:$0x3FB3] =	sst s7  }
0x10: {  	[smem:$0x3FB4] =	sst s8  }
0x11: {  	[smem:$0x3FB5] =	sst s9;
	s0 =	simm.s32 @!p0 $0x0  }
0x12: {  	s1 =	sld [smem:$0x3F9B];
	s0 =	simm.s32 @p0 $0x1  }
0x13: {  	[smem:$0x3FB6] =	sst s0;
	s0 =	simm.s32 @!p1 $0x0  }
0x14: {  	s2 =	sld [smem:$0x3F9A];
	s0 =	simm.s32 @p1 $0x1  }
0x15: {  	[smem:$0x3FB7] =	sst s0;
	s0 =	simm.s32 @!p2 $0x0  }
0x16: {  	s3 =	sld [smem:$0x3FDB];
	s0 =	simm.s32 @p2 $0x1  }
0x17: {  	s4 =	simm.s32 $0x1BF5;
	[smem:$0x3FB9] =	sst s0  }
0x18: {  	s0 =	sld [smem:$0x3F9C];
	_ =	swait.ge [sflag:s4], $0x0  }
0x19: {  	s7 =	sld [smem:$0x3F9D]  }
0x1a: {  	s8 =	sadd.s32 $0xFFFFE003, lr  }
0x1b: {  	s9 =	sadd.s32 $0xFFFFFEF7, lr;
	s5 =	simm.s32 $0xFFFFFFFF;
	p2 =	slt.u32 s8, $0xFFFFF086  }
0x1c: {  	p1 =	slt.u32 s9, $0xF7A;
	s5 =	simm.s32 @!p2 $0x0  }
0x1d: {  	s5 =	simm.s32 @p1 $0x1;
	p0 =	seq.s32 s7, s2  }
0x1e: {  	s7 =	smul.u32 @!p0 $0xF7A, s2;
	p2 =	seq.s32 @!p0 s5, $0x0  }
0x1f: {  	s9 =	smul.u32 $0xF7A, s1;
	s8 =	simm.s32 @!p0 $0x1BF5;
	p2 =	por !p2, p0  }
0x20: {  	[sflag:s8] =	ssyncset.s32 @!p0 $0xFFFFF086;
	s6 =	sadd.s32 @!p0 s3, s7;
	s7 =	simm.s32 @!p0 $0x108  }
0x21: {  	s3 =	sadd.s32 s3, s9;
	s6 =	sadd.s32 @!p0 $0x88, s6;
	s7 =	simm.s32 @p2 $0x1082  }
0x22: {  	[simem:s7], [sflag:s8] =	dma.local @!p0 [hbm:s6], $0xF7A  }
0x23: {  	s9 =	sor.u32 $0xD0000000, s2;
	s6 =	simm.s32 $0x108;
	_ =	swait.ge @!p0 [sflag:s8], $0x0  }
0x24: {  	s3 =	sadd.s32 $0x88, s3;
	s6 =	simm.s32 @!p1 $0x1082;
	[sflag:s4] =	ssyncset.s32 $0xFFFFF086  }
0x25: {  	[simem:s6], [sflag:s4] =	dma.local [hbm:s3], $0xF7A  }
0x26: {  	[smem:$0x3F9D] =	sst s1;
	(tag) =	ssettag s2;
	_ =	strace s9  }
0x27: {  	s1 =	sld [smem:$0x3FAD]  }
0x28: {  	s2 =	sld [smem:$0x3FAE]  }
0x29: {  	s4 =	sld [smem:$0x3FB0]  }
0x2a: {  	p0 =	seq.s32 s5, $0x0;
	s5 =	sld [smem:$0x3FB1]  }
0x2b: {  	s6 =	sld [smem:$0x3FB2]  }
0x2c: {  	s7 =	sld [smem:$0x3FB3]  }
0x2d: {  	s3 =	simm.s32 $0x108;
	s8 =	sld [smem:$0x3FB4]  }
0x2e: {  	s3 =	simm.s32 @!p0 $0x1082;
	s9 =	sld [smem:$0x3FB5]  }
0x2f: {  	lr =	sadd.s32 s0, s3;
	s0 =	sld [smem:$0x3FAC]  }
0x30: {  	s3 =	sld [smem:$0x3FAF]  }
0x31: {  	[smem:$0x3FB8] =	sst s10  }
0x32: {  	s10 =	sld [smem:$0x3FB6];
	_ =	sdelay $0x3  }
0x33: {  	p0 =	seq.s32 s10, $0x1;
	s10 =	sld [smem:$0x3FB8];
	_ =	sdelay $0x3  }
0x34: {  	[smem:$0x3FB8] =	sst s10  }
0x35: {  	s10 =	sld [smem:$0x3FB7];
	_ =	sdelay $0x3  }
0x36: {  	p1 =	seq.s32 s10, $0x1;
	s10 =	sld [smem:$0x3FB8];
	_ =	sdelay $0x3  }
0x37: {  	[smem:$0x3FB8] =	sst s10  }
0x38: {  	s10 =	sld [smem:$0x3FB9]  }
0x39: {  	_ = 	snop;
	(pc) =	sbr.ind lr, $3  }
0x3a: {  	_ = 	snop  }
0x3b: {  	_ = 	snop  }
0x3c: {  	p2 =	seq.s32 s10, $0x1;
	s10 =	sld [smem:$0x3FB8]  }
0x3d: {  	_ =	shalt  }
0x3e: {  	_ =	shalt  }
0x3f: {  	_ =	shalt  }
0x40: {  	_ =	shalt  }
0x41: {  	_ =	shalt  }
0x42: {  	_ =	shalt  }
0x43: {  	_ =	shalt  }
0x44: {  	_ =	shalt  }
0x45: {  	_ =	shalt  }
0x46: {  	_ =	shalt  }
0x47: {  	_ =	shalt  }
0x48: {  	_ =	shalt  }
0x49: {  	_ =	shalt  }
0x4a: {  	_ =	shalt  }
0x4b: {  	_ =	shalt  }
0x4c: {  	_ =	shalt  }
0x4d: {  	_ =	shalt  }
0x4e: {  	_ =	shalt  }
0x4f: {  	_ =	shalt  }
0x50: {  	_ =	shalt  }
0x51: {  	_ =	shalt  }
0x52: {  	_ =	shalt  }
0x53: {  	_ =	shalt  }
0x54: {  	_ =	shalt  }
0x55: {  	_ =	shalt  }
0x56: {  	_ =	shalt  }
0x57: {  	_ =	shalt  }
0x58: {  	_ =	shalt  }
0x59: {  	_ =	shalt  }
0x5a: {  	_ =	shalt  }
0x5b: {  	_ =	shalt  }
0x5c: {  	_ =	shalt  }
0x5d: {  	_ =	shalt  }
0x5e: {  	_ =	shalt  }
0x5f: {  	_ =	shalt  }
0x60: {  	_ =	shalt  }
0x61: {  	_ =	shalt  }
0x62: {  	_ =	shalt  }
0x63: {  	_ =	shalt  }
0x64: {  	_ =	shalt  }
0x65: {  	_ =	shalt  }
0x66: {  	_ =	shalt  }
0x67: {  	_ =	shalt  }
0x68: {  	_ =	shalt  }
0x69: {  	_ =	shalt  }
0x6a: {  	_ =	shalt  }
0x6b: {  	_ =	shalt  }
0x6c: {  	_ =	shalt  }
0x6d: {  	_ =	shalt  }
0x6e: {  	_ =	shalt  }
0x6f: {  	_ =	shalt  }
0x70: {  	_ =	shalt  }
0x71: {  	_ =	shalt  }
0x72: {  	_ =	shalt  }
0x73: {  	_ =	shalt  }
0x74: {  	_ =	shalt  }
0x75: {  	_ =	shalt  }
0x76: {  	_ =	shalt  }
0x77: {  	_ =	shalt  }
0x78: {  	_ =	shalt  }
0x79: {  	_ =	shalt  }
0x7a: {  	_ =	shalt  }
0x7b: {  	_ =	shalt  }
0x7c: {  	_ =	shalt  }
0x7d: {  	_ =	shalt  }
0x7e: {  	_ =	shalt  }
0x7f: {  	_ =	shalt  }
0x80: {  	_ =	shalt  }
0x81: {  	_ =	shalt  }
0x82: {  	_ =	shalt  }
0x83: {  	_ =	shalt  }
0x84: {  	_ =	shalt  }
0x85: {  	_ =	shalt  }
0x86: {  	_ =	shalt  }
0x87: {  	_ =	shalt  }
.Lfunc_end0:
.L_simem_size_0:
called_computation_lowered:
.L_overlay_start_0:
0x88: {  	s2 =	sld [smem:$0x3FD9]  }
0x89: {  	s3 =	sld [smem:$0x3FFE];
	_ =	sdelay $0x1  }
0x8a: {  	s1 =	srdreg.scid  }
0x8b: {  	s0 =	sand.u32 $0x1, s1  }
0x8c: {  	s14 =	sshll.u32 s0, $0xA;
	s2 =	sadd.s32 s3, s2  }
0x8d: {  	s2 =	sadd.s32 s2, s14  }
0x8e: {  	[smem:$0x3FC4] =	sst s2  }
0x8f: {  	_ = 	snop  }
0x90: {  	s2 =	sld [smem:$0x3FD0];
	_ =	sdelay $0x1  }
0x91: {  	s15 =	sld [smem:$0x3FC7]  }
0x92: {  	s5 =	simm.s32 $0xA;
	s6 =	simm.s32 $0x10;
	s4 =	sld [smem:$0x3FC6]  }
0x93: {  	[smem:s6], [sflag:s5] =	dma.local [hbm:s2], $0x1  }
0x94: {  	_ =	swait.eq [sflag:s5], $0x1  }
0x95: {  	[sflag:s5] =	ssyncset.done $0x0  }
0x96: {  	s16 =	sld [smem:$0x10];
	[sflag:s5] =	ssyncadd.s32 $0xFFFFFFFF  }
0x97: {  	s17 =	sld [smem:$0x11];
	(tm) =	ssettm $0x1  }
0x98: {  	s18 =	sld [smem:$0x3FFB];
	_ =	sdelay $0x3  }
0x99: {  	_ =	strace s18  }
0x9a: {  	s6 =	sld [smem:$0x3FFC];
	_ =	sdelay $0x3  }
0x9b: {  	_ =	strace s6  }
0x9c: {  	s6 =	sld [smem:$0x3FFD];
	_ =	sdelay $0x3  }
0x9d: {  	_ =	strace s6  }
0x9e: {  	_ =	strace $0x8FFFFFFF  }
0x9f: {  	s19 =	sld [smem:$0x3FDB];
	_ =	sdelay $0x1  }
0xa0: {  	s7 =	simm.s32 $_scs_section_size  }
0xa1: {  	s8 =	simm.s32 $_size__tile_overlayer_lowered;
	s9 =	simm.s32 $_tile_overlayer_lowered  }
0xa2: {  	s22 =	simm.s32 $0x1BFF;
	s21 =	sshll.u32 s9, $0x1;
	s6 =	sadd.s32 s7, s19  }
0xa3: {  	s10 =	simm.s32 $0x0;
	s20 =	sshll.u32 s8, $0x1;
	s8 =	sadd.s32 s21, s6  }
0xa4: {  	[timem:s10], [sflag:s22] =	dma.local [hbm:s8], s20  }
0xa5: {  	_ =	swait.ge [sflag:s22], s20  }
0xa6: {  	s7 =	ssub.s32 $0x0, s20;
	[sflag:s22] =	ssyncset.done $0x0  }
0xa7: {  	[sflag:s22] =	ssyncadd.s32 s7;
	_ =	sdelay $0x1  }
0xa8: {  	s23 =	simm.s32 $0x1B8B  }
0xa9: {  	_ =	swait.ge [sflag:s23], $0x1  }
0xaa: {  	[sflag:s23] =	ssyncset.done $0x0  }
0xab: {  	s25 =	simm.s32 $0x1B8E;
	s24 =	sld [smem:$0x3FFE];
	[sflag:s23] =	ssyncadd.s32 $0xFFFFFFFF  }
0xac: {  	s26 =	simm.s32 $execute0_lowered;
	[smem:$0x3FD2] =	sst s25  }
0xad: {  	s8 =	sshll.u32 s26, $0x1;
	_ =	strace $0x80000046;
	[dreg:$0x1] =	wrdreg $0xFFFFFFFF  }
0xae: {  	s28 =	simm.s32 $_size_execute0_lowered;
	s6 =	sadd.s32 s6, s8;
	[dreg:$0x0] =	wrdreg $0x0  }
0xaf: {  	s8 =	sshll.u32 s28, $0x1;
	[dreg:$0x2] =	wrdreg s6  }
0xb0: {  	[dreg:$0x3] =	wrdreg s8  }
0xb1: {  	[dreg:$0x4] =	wrdreg $0xC0  }
0xb2: {  	_ =	task [dreg:s10], $0x5FFFF  }
0xb3: {  	[dreg:$0x1] =	wrdreg $0xFFFFFFFF  }
0xb4: {  	[dreg:$0x0] =	wrdreg $0x60  }
0xb5: {  	[dreg:$0x2] =	wrdreg s15  }
0xb6: {  	[dreg:$0x3] =	wrdreg s4  }
0xb7: {  	[dreg:$0x4] =	wrdreg s17  }
0xb8: {  	[dreg:$0x5] =	wrdreg s24  }
0xb9: {  	[dreg:$0x6] =	wrdreg s16  }
0xba: {  	[dreg:$0x7] =	wrdreg $0xDC800  }
0xbb: {  	[dreg:$0x8] =	wrdreg $0x9  }
0xbc: {  	_ =	task.clear_ibuf [dreg:s10], $0x9FFFF;
	_ =	strace $0x90000046  }
0xbd: {  	s29 =	simm.s32 $0x9;
	_ =	strace $0x80000048  }
0xbe: {  	_ =	swait.ge [sflag:s29], $0x1  }
0xbf: {  	[sflag:s29] =	ssyncadd.s32 $0xFFFFFFFF  }
0xc0: {  	_ =	strace $0x90000048  }
0xc1: {  	_ =	sfence  }
0xc2: {  	s30 =	sld [smem:$0x0];
	_ =	sdelay $0x2  }
0xc3: {  	s31 =	sshll.u32 s1, $0xD;
	s1 =	sshrl.u32 s1, $0x2  }
0xc4: {  	s3 =	sand.u32 $0x4000, s31;
	s1 =	sadd.s32 s1, s30  }
0xc5: {  	s0 =	sor.u32 s3, s0;
	s1 =	sshll.u32 s1, $0x11  }
0xc6: {  	s0 =	sor.u32 s1, s0  }
0xc7: {  	s0 =	sadd.s32 $0x8F2B, s0  }
0xc8: {  	[sflag:s0] =	ssyncadd.remote.s32 $0x1  }
0xc9: {  	_ =	sfence.sel $0xFFFF  }
0xca: {  	[dreg:$0x0] =	wrdreg $0xFFFFFFFF;
	(pc) =	sbr.abs _section_cstart, $3  }
0xcb: {  	[dreg:$0x1] =	wrdreg $0xFFFFFFFF  }
0xcc: {  	_ =	task.clear_ibuf [dreg:s10], $0x2FFFF;
	_ =	strace $0x9FFFFFFF  }
0xcd: {  	(tm) =	ssettm $0x7FFFFFFF  }
tec
execute0_lowered:
.L_overlay_start_1:
0x0: {  	(tag) =	ssettag $0x1  }
0x1: {  	s0 =	rddreg [dreg:$0x0]  }
0x2: {  	s2 =	rddreg [dreg:$0x1]  }
0x3: {  	s1 =	rddreg [dreg:$0x3]  }
0x4: {  	s4 =	rddreg [dreg:$0x4]  }
0x5: {  	s5 =	rddreg [dreg:$0x5]  }
0x6: {  	s6 =	simm.s32 $0x0;
	s3 =	srdreg.scid;
	s8 =	stileid.u32  }
0x7: {  	s14 =	simm.s32 $0x1;
	s28 =	simm.s32 $0x2;
	s30 =	simm.s32 $0xCD00  }
0x8: {  	s31 =	simm.s32 $0xD200;
	s16 =	simm.s32 $0x0;
	[smem:$0x7FF] =	sst s6  }
0x9: {  	s3 =	sand.u32 $0x1, s3;
	s7 =	sshll.u32 s8, $0x1;
	s9 =	sadd.s32 $0xA00, s1  }
0xa: {  	s10 =	sadd.s32 $0xC4200, s1;
	s11 =	sadd.s32 $0x187800, s1;
	s7 =	sor.u32 s3, s7  }
0xb: {  	p0 =	sgt.u32 s8, $0x3;
	s3 =	ssub.s32 $0x2, s3;
	s12 =	smul.u32 $0x500, s7  }
0xc: {  	_ =	strace $0x80000047;
	s13 =	smul.u32 $0xA0, s7;
	s23 =	sshrl.u32 s3, $0x1  }
0xd: {  	[dreg:$0x7] =	wrdreg s9;
	s9 =	sadd.s32 $0xC00, s1;
	s1 =	ssub.s32 s3, s23  }
0xe: {  	s23 =	simm.s32 $0x5;
	s12 =	sshrl.u32 s12, $0x3;
	s24 =	sadd.s32 s0, s13  }
0xf: {  	s26 =	sadd.s32 s2, s13;
	s1 =	smax.u32 s1, $0x1;
	[dreg:$0x8] =	wrdreg s24  }
0x10: {  	s13 =	simm.s32 $0x8C00;
	s25 =	sadd.s32 $0x1400, s12;
	[dreg:$0x9] =	wrdreg s26  }
0x11: {  	s12 =	simm.s32 $0x3;
	[dreg:$0xe] =	wrdreg s1;
	s24 =	simm.s32 $0x80  }
0x12: {  	s26 =	simm.s32 $0x3200;
	s29 =	sadd.s32 s0, s25;
	s3 =	sadd.s32 s2, s25  }
.Ltmp0:
0x13: {  	s12 =	simm.s32 @!p0 $0x4;
	[dreg:$0xa] =	wrdreg s29;
	(pc) =	sbr.rel .LBB2_1-.Ltmp0, $4  }
0x14: {  	s25 =	simm.s32 $0xA00;
	[dreg:$0xb] =	wrdreg s3;
	s3 =	simm.s32 $0x4  }
0x15: {  	[dreg:$0xd] =	wrdreg s12;
	s3 =	simm.s32 @!p0 $0x3;
	p0 =	sne.s32 s8, $0x0  }
0x16: {  	v0 =	vlaneseq.u32;
	s12 =	simm.s32 $0x6400;
	[dreg:$0xc] =	wrdreg s3;
	s1 =	sshrl.u32 @!p0 s5, $0x3  }
0x17: {  	v0 =	vmul.u32 $0x8, v0;
	s8 =	simm.s32 $0x6;
	[dreg:$0xf] =	wrdreg s1;
	s1 =	simm.s32 $0xD700  }
.LBB2_15:
0x18: {  	s3 =	rddreg [dreg:$0xc]  }
0x19: {  	_ =	swait.ge [sflag:s3], $0x500  }
0x1a: {  	[sflag:s3] =	ssyncset.done $0x0  }
0x1b: {  	[sflag:s3] =	ssyncadd.s32 $0xFFFFFB00  }
0x1c: {  	_ =	swait.ge [sflag:s3], $0x500  }
0x1d: {  	[sflag:s3] =	ssyncset.done $0x0  }
0x1e: {  	[sflag:s3] =	ssyncadd.s32 $0xFFFFFB00  }
0x1f: {  	_ =	swait.ge [sflag:s3], $0x500  }
0x20: {  	[sflag:s3] =	ssyncset.done $0x0  }
0x21: {  	[sflag:s3] =	ssyncadd.s32 $0xFFFFFB00  }
0x22: {  	_ =	swait.ge [sflag:s3], $0x500  }
0x23: {  	[sflag:s3] =	ssyncset.done $0x0  }
0x24: {  	s29 =	rddreg [dreg:$0xd];
	[sflag:s3] =	ssyncadd.s32 $0xFFFFFB00  }
0x25: {  	_ =	swait.ge [sflag:s29], $0x500  }
0x26: {  	[sflag:s29] =	ssyncset.done $0x0  }
0x27: {  	[sflag:s29] =	ssyncadd.s32 $0xFFFFFB00  }
0x28: {  	_ =	swait.ge [sflag:s29], $0x500  }
0x29: {  	[sflag:s29] =	ssyncset.done $0x0  }
0x2a: {  	[sflag:s29] =	ssyncadd.s32 $0xFFFFFB00  }
0x2b: {  	_ =	swait.ge [sflag:s29], $0x500  }
0x2c: {  	[sflag:s29] =	ssyncset.done $0x0  }
0x2d: {  	[sflag:s29] =	ssyncadd.s32 $0xFFFFFB00  }
0x2e: {  	_ =	swait.ge [sflag:s29], $0x500  }
0x2f: {  	s16 =	rddreg [dreg:$0x10]  }
0x30: {  	s15 =	rddreg [dreg:$0xe];
	s16 =	sadd.s32 $0x1, s16  }
0x31: {  	p1 =	sne.s32 s16, s15  }
.Ltmp1:
0x32: {  	_ = 	snop;
	(pc) =	sbr.rel @!p1 .LBB2_16-.Ltmp1, $3  }
0x33: {  	_ =	sdelay $0x1  }
0x34: {  	[sflag:s29] =	ssyncset.done $0x0  }
0x35: {  	[sflag:s29] =	ssyncadd.s32 $0xFFFFFB00  }
.LBB2_1:
0x36: {  	[dreg:$0x10] =	wrdreg s16  }
0x37: {  	s15 =	rddreg [dreg:$0x2]  }
0x38: {  	s3 =	simm.s32 @!p0 $0x1C07;
	s16 =	rddreg [dreg:$0xf]  }
0x39: {  	[spmem:s16], [sflag:s3] =	dma.local @!p0 [hbm:s15], $0x186A0  }
0x3a: {  	s3 =	simm.s32 @!p0 $0x7  }
0x3b: {  	_ =	swait.ge @!p0 [sflag:s3], $0x186A0  }
0x3c: {  	[sflag:s3] =	ssyncset.done @!p0 $0x0  }
0x3d: {  	[sflag:s3] =	ssyncadd.s32 @!p0 $0xFFFE7960  }
0x3e: {  	[bflag:$0x0] =	sbarrier.arrive $0xFFFF  }
0x3f: {  	s21 =	simm.s32 $0xDC00;
	s22 =	simm.s32 $0x7;
	s20 =	rddreg [dreg:$0x7]  }
0x40: {  	[tilespmem:s21], [sflag:$0x7] =	stream.linear.gather [hbm4b:s20+s6], $0x80, $0x38;
	[tilespmem:$0x19FD0] =	vst v63  }
0x41: {  	_ =	swait.ge [sflag:s22], $0x80  }
0x42: {  	[sflag:s22] =	ssyncset.done $0x0  }
0x43: {  	[sflag:s22] =	ssyncadd.s32 $0xFFFFFF80  }
0x44: {  	v1 =	vld [tilespmem:$0xDC00]  }
0x45: {  	v2 =	vld [tilespmem:$0xDC10]  }
0x46: {  	v3 =	vld [tilespmem:$0xDC20]  }
0x47: {  	v4 =	vld [tilespmem:$0xDC30]  }
0x48: {  	s29 =	rddreg [dreg:$0x8];
	v5 =	vld [tilespmem:$0xDC40]  }
0x49: {  	v6 =	vld [tilespmem:$0xDC50];
	[tilespmem:s6], [sflag:$0x5] =	stream.linear.gather [hbm4b:s29+s6], $0x500, $0x38  }
0x4a: {  	s16 =	simm.s32 $0x500;
	s15 =	rddreg [dreg:$0x9]  }
0x4b: {  	[tilespmem:s16], [sflag:$0x5] =	stream.linear.gather [hbm4b:s15+s6], $0x500, $0x38;
	[tilespmem:$0x19FD0] =	vst v63  }
0x4c: {  	_ =	swait.ge [sflag:s23], $0x500  }
0x4d: {  	[sflag:s23] =	ssyncset.done $0x0  }
0x4e: {  	[sflag:s23] =	ssyncadd.s32 $0xFFFFFB00  }
0x4f: {  	_ =	swait.ge [sflag:s23], $0x500  }
0x50: {  	[sflag:s23] =	ssyncset.done $0x0  }
0x51: {  	[sflag:s23] =	ssyncadd.s32 $0xFFFFFB00  }
0x52: {  	[tilespmem:s25], [sflag:$0x1] =	stream.indirect.gather [spmem:s5], $0x8, s6, s24, $0xb8;
	[tilespmem:$0x19FD0] =	vst v63  }
0x53: {  	_ = 	snop  }
0x54: {  	[tilespmem:s26], [sflag:$0x1] =	stream.indirect.gather [spmem:s5], $0x8, s16, s24, $0xb8;
	[tilespmem:$0x19FD0] =	vst v63  }
0x55: {  	s17 =	simm.s32 $0xE00  }
0x56: {  	[tilespmem:s17], [sflag:$0x1] =	stream.indirect.gather [spmem:s5], $0x8, s24, s24, $0xb8;
	[tilespmem:$0x19FD0] =	vst v63  }
0x57: {  	s18 =	simm.s32 $0x580;
	s19 =	simm.s32 $0x3600  }
0x58: {  	[tilespmem:s19], [sflag:$0x1] =	stream.indirect.gather [spmem:s5], $0x8, s18, s24, $0xb8;
	[tilespmem:$0x19FD0] =	vst v63  }
0x59: {  	s20 =	simm.s32 $0x100;
	s21 =	simm.s32 $0x1200  }
0x5a: {  	[tilespmem:s21], [sflag:$0x1] =	stream.indirect.gather [spmem:s5], $0x8, s20, s24, $0xb8;
	[tilespmem:$0x19FD0] =	vst v63  }
0x5b: {  	s22 =	simm.s32 $0x600;
	s29 =	simm.s32 $0x3A00  }
0x5c: {  	[tilespmem:s29], [sflag:$0x1] =	stream.indirect.gather [spmem:s5], $0x8, s22, s24, $0xb8;
	[tilespmem:$0x19FD0] =	vst v63  }
0x5d: {  	s16 =	simm.s32 $0x180;
	s17 =	simm.s32 $0x1600  }
0x5e: {  	[tilespmem:s17], [sflag:$0x1] =	stream.indirect.gather [spmem:s5], $0x8, s16, s24, $0xb8;
	[tilespmem:$0x19FD0] =	vst v63  }
0x5f: {  	s18 =	simm.s32 $0x680;
	s19 =	simm.s32 $0x3E00  }
0x60: {  	[tilespmem:s19], [sflag:$0x1] =	stream.indirect.gather [spmem:s5], $0x8, s18, s24, $0xb8;
	[tilespmem:$0x19FD0] =	vst v63  }
0x61: {  	s20 =	simm.s32 $0x200;
	s21 =	simm.s32 $0x1A00  }
0x62: {  	[tilespmem:s21], [sflag:$0x1] =	stream.indirect.gather [spmem:s5], $0x8, s20, s24, $0xb8;
	[tilespmem:$0x19FD0] =	vst v63  }
0x63: {  	s22 =	simm.s32 $0x700;
	s29 =	simm.s32 $0x4200  }
0x64: {  	[tilespmem:s29], [sflag:$0x1] =	stream.indirect.gather [spmem:s5], $0x8, s22, s24, $0xb8;
	[tilespmem:$0x19FD0] =	vst v63  }
0x65: {  	s16 =	simm.s32 $0x280;
	s17 =	simm.s32 $0x1E00  }
0x66: {  	[tilespmem:s17], [sflag:$0x1] =	stream.indirect.gather [spmem:s5], $0x8, s16, s24, $0xb8;
	[tilespmem:$0x19FD0] =	vst v63  }
0x67: {  	s18 =	simm.s32 $0x780;
	s19 =	simm.s32 $0x4600  }
0x68: {  	[tilespmem:s19], [sflag:$0x1] =	stream.indirect.gather [spmem:s5], $0x8, s18, s24, $0xb8;
	[tilespmem:$0x19FD0] =	vst v63  }
0x69: {  	s20 =	simm.s32 $0x300;
	s21 =	simm.s32 $0x2200  }
0x6a: {  	[tilespmem:s21], [sflag:$0x1] =	stream.indirect.gather [spmem:s5], $0x8, s20, s24, $0xb8;
	[tilespmem:$0x19FD0] =	vst v63  }
0x6b: {  	s22 =	simm.s32 $0x800;
	s29 =	simm.s32 $0x4A00  }
0x6c: {  	[tilespmem:s29], [sflag:$0x1] =	stream.indirect.gather [spmem:s5], $0x8, s22, s24, $0xb8;
	[tilespmem:$0x19FD0] =	vst v63  }
0x6d: {  	s16 =	simm.s32 $0x380;
	s17 =	simm.s32 $0x2600  }
0x6e: {  	[tilespmem:s17], [sflag:$0x1] =	stream.indirect.gather [spmem:s5], $0x8, s16, s24, $0xb8;
	[tilespmem:$0x19FD0] =	vst v63  }
0x6f: {  	s18 =	simm.s32 $0x880;
	s19 =	simm.s32 $0x4E00  }
0x70: {  	[tilespmem:s19], [sflag:$0x1] =	stream.indirect.gather [spmem:s5], $0x8, s18, s24, $0xb8;
	[tilespmem:$0x19FD0] =	vst v63  }
0x71: {  	s20 =	simm.s32 $0x400;
	s21 =	simm.s32 $0x2A00  }
0x72: {  	[tilespmem:s21], [sflag:$0x1] =	stream.indirect.gather [spmem:s5], $0x8, s20, s24, $0xb8;
	[tilespmem:$0x19FD0] =	vst v63  }
0x73: {  	s22 =	simm.s32 $0x900;
	s29 =	simm.s32 $0x5200  }
0x74: {  	[tilespmem:s29], [sflag:$0x1] =	stream.indirect.gather [spmem:s5], $0x8, s22, s24, $0xb8;
	[tilespmem:$0x19FD0] =	vst v63  }
0x75: {  	s16 =	simm.s32 $0x480;
	s17 =	simm.s32 $0x2E00  }
0x76: {  	[tilespmem:s17], [sflag:$0x1] =	stream.indirect.gather [spmem:s5], $0x8, s16, s24, $0xb8;
	[tilespmem:$0x19FD0] =	vst v63  }
0x77: {  	s18 =	simm.s32 $0x980;
	s19 =	simm.s32 $0x5600  }
0x78: {  	[tilespmem:s19], [sflag:$0x1] =	stream.indirect.gather [spmem:s5], $0x8, s18, s24, $0xb8;
	[tilespmem:$0x19FD0] =	vst v63  }
.Ltmp2:
0x79: {  	_ = 	snop;
	(pc) =	sbr.rel .LBB2_2-.Ltmp2, $4  }
0x7a: {  	s20 =	rddreg [dreg:$0xa];
	s21 =	simm.s32 $0x5A00  }
0x7b: {  	[tilespmem:s21], [sflag:$0x6] =	stream.linear.gather [hbm4b:s20+s6], $0x500, $0x38;
	[tilespmem:$0x19FD0] =	vst v63  }
0x7c: {  	s3 =	simm.s32 $0x0;
	s22 =	rddreg [dreg:$0xb];
	s29 =	simm.s32 $0x5F00  }
0x7d: {  	[tilespmem:s29], [sflag:$0x6] =	stream.linear.gather [hbm4b:s22+s6], $0x500, $0x38;
	[tilespmem:$0x19FD0] =	vst v63  }
.LBB2_14:
0x7e: {  	s3 =	sadd.s32 $0x1, s3  }
0x7f: {  	p1 =	sne.s32 s3, $0x4F  }
.Ltmp3:
0x80: {  	_ = 	snop;
	(pc) =	sbr.rel @!p1 .LBB2_15-.Ltmp3, $1  }
0x81: {  	_ =	sdelay $0x3  }
.LBB2_2:
0x82: {  	s15 =	sshll.u32 s3, $0x6  }
0x83: {  	s20 =	sor.u32 s7, s15  }
0x84: {  	p1 =	sgt.u32 s20, $0x1367  }
.Ltmp4:
0x85: {  	_ = 	snop;
	(pc) =	sbr.rel @p1 .LBB2_4-.Ltmp4, $1  }
0x86: {  	_ =	sdelay $0x3  }
0x87: {  	_ =	swait.ge [sflag:s8], $0x500  }
0x88: {  	[sflag:s8] =	ssyncset.done $0x0  }
0x89: {  	[sflag:s8] =	ssyncadd.s32 $0xFFFFFB00  }
0x8a: {  	_ =	swait.ge [sflag:s8], $0x500  }
0x8b: {  	[sflag:s8] =	ssyncset.done $0x0  }
0x8c: {  	s15 =	simm.s32 $0x5A00;
	[sflag:s8] =	ssyncadd.s32 $0xFFFFFB00  }
0x8d: {  	[tilespmem:s12], [sflag:$0x2] =	stream.indirect.gather [spmem:s5], $0x8, s15, s24, $0xb8;
	[tilespmem:$0x19FD0] =	vst v63  }
0x8e: {  	s17 =	simm.s32 $0x5F00  }
0x8f: {  	[tilespmem:s13], [sflag:$0x2] =	stream.indirect.gather [spmem:s5], $0x8, s17, s24, $0xb8;
	[tilespmem:$0x19FD0] =	vst v63  }
0x90: {  	s18 =	simm.s32 $0x5A80;
	s16 =	simm.s32 $0x6800  }
0x91: {  	[tilespmem:s16], [sflag:$0x2] =	stream.indirect.gather [spmem:s5], $0x8, s18, s24, $0xb8;
	[tilespmem:$0x19FD0] =	vst v63  }
0x92: {  	s19 =	simm.s32 $0x5F80;
	s21 =	simm.s32 $0x9000  }
0x93: {  	[tilespmem:s21], [sflag:$0x2] =	stream.indirect.gather [spmem:s5], $0x8, s19, s24, $0xb8;
	[tilespmem:$0x19FD0] =	vst v63  }
0x94: {  	s22 =	simm.s32 $0x5B00;
	s29 =	simm.s32 $0x6C00  }
0x95: {  	[tilespmem:s29], [sflag:$0x2] =	stream.indirect.gather [spmem:s5], $0x8, s22, s24, $0xb8;
	[tilespmem:$0x19FD0] =	vst v63  }
0x96: {  	s17 =	simm.s32 $0x6000;
	s18 =	simm.s32 $0x9400  }
0x97: {  	[tilespmem:s18], [sflag:$0x2] =	stream.indirect.gather [spmem:s5], $0x8, s17, s24, $0xb8;
	[tilespmem:$0x19FD0] =	vst v63  }
0x98: {  	s19 =	simm.s32 $0x5B80;
	s21 =	simm.s32 $0x7000  }
0x99: {  	[tilespmem:s21], [sflag:$0x2] =	stream.indirect.gather [spmem:s5], $0x8, s19, s24, $0xb8;
	[tilespmem:$0x19FD0] =	vst v63  }
0x9a: {  	s22 =	simm.s32 $0x6080;
	s29 =	simm.s32 $0x9800  }
0x9b: {  	[tilespmem:s29], [sflag:$0x2] =	stream.indirect.gather [spmem:s5], $0x8, s22, s24, $0xb8;
	[tilespmem:$0x19FD0] =	vst v63  }
0x9c: {  	s17 =	simm.s32 $0x5C00;
	s18 =	simm.s32 $0x7400  }
0x9d: {  	[tilespmem:s18], [sflag:$0x2] =	stream.indirect.gather [spmem:s5], $0x8, s17, s24, $0xb8;
	[tilespmem:$0x19FD0] =	vst v63  }
0x9e: {  	s19 =	simm.s32 $0x6100;
	s21 =	simm.s32 $0x9C00  }
0x9f: {  	[tilespmem:s21], [sflag:$0x2] =	stream.indirect.gather [spmem:s5], $0x8, s19, s24, $0xb8;
	[tilespmem:$0x19FD0] =	vst v63  }
0xa0: {  	s22 =	simm.s32 $0x5C80;
	s29 =	simm.s32 $0x7800  }
0xa1: {  	[tilespmem:s29], [sflag:$0x2] =	stream.indirect.gather [spmem:s5], $0x8, s22, s24, $0xb8;
	[tilespmem:$0x19FD0] =	vst v63  }
0xa2: {  	s17 =	simm.s32 $0x6180;
	s18 =	simm.s32 $0xA000  }
0xa3: {  	[tilespmem:s18], [sflag:$0x2] =	stream.indirect.gather [spmem:s5], $0x8, s17, s24, $0xb8;
	[tilespmem:$0x19FD0] =	vst v63  }
0xa4: {  	s19 =	simm.s32 $0x5D00;
	s21 =	simm.s32 $0x7C00  }
0xa5: {  	[tilespmem:s21], [sflag:$0x2] =	stream.indirect.gather [spmem:s5], $0x8, s19, s24, $0xb8;
	[tilespmem:$0x19FD0] =	vst v63  }
0xa6: {  	s22 =	simm.s32 $0x6200;
	s29 =	simm.s32 $0xA400  }
0xa7: {  	[tilespmem:s29], [sflag:$0x2] =	stream.indirect.gather [spmem:s5], $0x8, s22, s24, $0xb8;
	[tilespmem:$0x19FD0] =	vst v63  }
0xa8: {  	s17 =	simm.s32 $0x5D80;
	s18 =	simm.s32 $0x8000  }
0xa9: {  	[tilespmem:s18], [sflag:$0x2] =	stream.indirect.gather [spmem:s5], $0x8, s17, s24, $0xb8;
	[tilespmem:$0x19FD0] =	vst v63  }
0xaa: {  	s19 =	simm.s32 $0x6280;
	s21 =	simm.s32 $0xA800  }
0xab: {  	[tilespmem:s21], [sflag:$0x2] =	stream.indirect.gather [spmem:s5], $0x8, s19, s24, $0xb8;
	[tilespmem:$0x19FD0] =	vst v63  }
0xac: {  	s22 =	simm.s32 $0x5E00;
	s29 =	simm.s32 $0x8400  }
0xad: {  	[tilespmem:s29], [sflag:$0x2] =	stream.indirect.gather [spmem:s5], $0x8, s22, s24, $0xb8;
	[tilespmem:$0x19FD0] =	vst v63  }
0xae: {  	s17 =	simm.s32 $0x6300;
	s18 =	simm.s32 $0xAC00  }
0xaf: {  	[tilespmem:s18], [sflag:$0x2] =	stream.indirect.gather [spmem:s5], $0x8, s17, s24, $0xb8;
	[tilespmem:$0x19FD0] =	vst v63  }
.Ltmp5:
0xb0: {  	_ = 	snop;
	(pc) =	sbr.rel .LBB2_5-.Ltmp5, $4  }
0xb1: {  	s19 =	simm.s32 $0x5E80;
	s21 =	simm.s32 $0x8800  }
0xb2: {  	[tilespmem:s21], [sflag:$0x2] =	stream.indirect.gather [spmem:s5], $0x8, s19, s24, $0xb8;
	[tilespmem:$0x19FD0] =	vst v63  }
0xb3: {  	s22 =	simm.s32 $0x6380;
	s29 =	simm.s32 $0xB000  }
0xb4: {  	[tilespmem:s29], [sflag:$0x2] =	stream.indirect.gather [spmem:s5], $0x8, s22, s24, $0xb8;
	[tilespmem:$0x19FD0] =	vst v63  }
.LBB2_4:
0xb5: {  	p1 =	sgt.u32 s20, $0x1387  }
.Ltmp6:
0xb6: {  	_ = 	snop;
	(pc) =	sbr.rel @p1 .LBB2_8-.Ltmp6, $1  }
0xb7: {  	_ =	sdelay $0x3  }
.LBB2_5:
0xb8: {  	p1 =	seq.s32 s3, $0x0  }
0xb9: {  	s15 =	simm.s32 @!p1 $0x3  }
0xba: {  	_ =	swait.ge @!p1 [sflag:s15], $0x500  }
0xbb: {  	[sflag:s15] =	ssyncset.done @!p1 $0x0  }
0xbc: {  	[sflag:s15] =	ssyncadd.s32 @!p1 $0xFFFFFB00  }
0xbd: {  	_ =	swait.ge @!p1 [sflag:s15], $0x500  }
0xbe: {  	[sflag:s15] =	ssyncset.done @!p1 $0x0  }
0xbf: {  	[sflag:s15] =	ssyncadd.s32 @!p1 $0xFFFFFB00  }
0xc0: {  	_ =	swait.ge @!p1 [sflag:s15], $0x500  }
0xc1: {  	[sflag:s15] =	ssyncset.done @!p1 $0x0  }
0xc2: {  	[sflag:s15] =	ssyncadd.s32 @!p1 $0xFFFFFB00  }
0xc3: {  	_ =	swait.ge @!p1 [sflag:s15], $0x500  }
0xc4: {  	[sflag:s15] =	ssyncset.done @!p1 $0x0  }
0xc5: {  	[sflag:s15] =	ssyncadd.s32 @!p1 $0xFFFFFB00  }
0xc6: {  	_ =	swait.ge [sflag:s14], $0x400  }
0xc7: {  	[sflag:s14] =	ssyncset.done $0x0  }
0xc8: {  	[sflag:s14] =	ssyncadd.s32 $0xFFFFFC00  }
0xc9: {  	_ =	swait.ge [sflag:s14], $0x400  }
0xca: {  	[sflag:s14] =	ssyncset.done $0x0  }
0xcb: {  	[sflag:s14] =	ssyncadd.s32 $0xFFFFFC00  }
0xcc: {  	_ =	swait.ge [sflag:s14], $0x400  }
0xcd: {  	[sflag:s14] =	ssyncset.done $0x0  }
0xce: {  	[sflag:s14] =	ssyncadd.s32 $0xFFFFFC00  }
0xcf: {  	_ =	swait.ge [sflag:s14], $0x400  }
0xd0: {  	[sflag:s14] =	ssyncset.done $0x0  }
0xd1: {  	[sflag:s14] =	ssyncadd.s32 $0xFFFFFC00  }
0xd2: {  	_ =	swait.ge [sflag:s14], $0x400  }
0xd3: {  	[sflag:s14] =	ssyncset.done $0x0  }
0xd4: {  	[sflag:s14] =	ssyncadd.s32 $0xFFFFFC00  }
0xd5: {  	_ =	swait.ge [sflag:s14], $0x400  }
0xd6: {  	[sflag:s14] =	ssyncset.done $0x0  }
0xd7: {  	[sflag:s14] =	ssyncadd.s32 $0xFFFFFC00  }
0xd8: {  	_ =	swait.ge [sflag:s14], $0x400  }
0xd9: {  	[sflag:s14] =	ssyncset.done $0x0  }
0xda: {  	[sflag:s14] =	ssyncadd.s32 $0xFFFFFC00  }
0xdb: {  	_ =	swait.ge [sflag:s14], $0x400  }
0xdc: {  	[sflag:s14] =	ssyncset.done $0x0  }
0xdd: {  	[sflag:s14] =	ssyncadd.s32 $0xFFFFFC00  }
0xde: {  	_ =	swait.ge [sflag:s14], $0x400  }
0xdf: {  	[sflag:s14] =	ssyncset.done $0x0  }
0xe0: {  	[sflag:s14] =	ssyncadd.s32 $0xFFFFFC00  }
0xe1: {  	_ =	swait.ge [sflag:s14], $0x400  }
0xe2: {  	[sflag:s14] =	ssyncset.done $0x0  }
0xe3: {  	[sflag:s14] =	ssyncadd.s32 $0xFFFFFC00  }
0xe4: {  	_ =	swait.ge [sflag:s14], $0x400  }
0xe5: {  	[sflag:s14] =	ssyncset.done $0x0  }
0xe6: {  	[sflag:s14] =	ssyncadd.s32 $0xFFFFFC00  }
0xe7: {  	_ =	swait.ge [sflag:s14], $0x400  }
0xe8: {  	[sflag:s14] =	ssyncset.done $0x0  }
0xe9: {  	[sflag:s14] =	ssyncadd.s32 $0xFFFFFC00  }
0xea: {  	_ =	swait.ge [sflag:s14], $0x400  }
0xeb: {  	[sflag:s14] =	ssyncset.done $0x0  }
0xec: {  	[sflag:s14] =	ssyncadd.s32 $0xFFFFFC00  }
0xed: {  	_ =	swait.ge [sflag:s14], $0x400  }
0xee: {  	[sflag:s14] =	ssyncset.done $0x0  }
0xef: {  	[sflag:s14] =	ssyncadd.s32 $0xFFFFFC00  }
0xf0: {  	_ =	swait.ge [sflag:s14], $0x400  }
0xf1: {  	[sflag:s14] =	ssyncset.done $0x0  }
0xf2: {  	[sflag:s14] =	ssyncadd.s32 $0xFFFFFC00  }
0xf3: {  	_ =	swait.ge [sflag:s14], $0x400  }
0xf4: {  	[sflag:s14] =	ssyncset.done $0x0  }
0xf5: {  	[sflag:s14] =	ssyncadd.s32 $0xFFFFFC00  }
0xf6: {  	_ =	swait.ge [sflag:s14], $0x400  }
0xf7: {  	[sflag:s14] =	ssyncset.done $0x0  }
0xf8: {  	[sflag:s14] =	ssyncadd.s32 $0xFFFFFC00  }
0xf9: {  	_ =	swait.ge [sflag:s14], $0x400  }
0xfa: {  	s21 =	simm.s32 $0x0;
	[sflag:s14] =	ssyncset.done $0x0  }
0xfb: {  	v7 =	vmov s21;
	[sflag:s14] =	ssyncadd.s32 $0xFFFFFC00  }
0xfc: {  	v7 =	vshll.u32 v7, $0x3;
	_ =	swait.ge [sflag:s14], $0x400  }
0xfd: {  	v7 =	vor.u32 v0, v7;
	[sflag:s14] =	ssyncset.done $0x0  }
0xfe: {  	[sflag:s14] =	ssyncadd.s32 $0xFFFFFC00  }
0xff: {  	v8 =	vor.u32 $0x1, v7;
	_ =	swait.ge [sflag:s14], $0x400  }
0x100: {  	[sflag:s14] =	ssyncset.done $0x0  }
0x101: {  	v9 =	vor.u32 $0x2, v7;
	[sflag:s14] =	ssyncadd.s32 $0xFFFFFC00  }
0x102: {  	v10 =	vld.idx.msk [tilespmem:v7+s25+$0x0], $0xffff  }
0x103: {  	v7 =	vld.idx.msk [tilespmem:v7+s26+$0x0], $0xffff  }
0x104: {  	v11 =	vld.idx.msk [tilespmem:v8+s25+$0x0], $0xffff  }
0x105: {  	v8 =	vld.idx.msk [tilespmem:v8+s26+$0x0], $0xffff  }
0x106: {  	v12 =	vld.idx.msk [tilespmem:v9+s26+$0x0], $0xffff  }
0x107: {  	v9 =	vld.idx.msk [tilespmem:v9+s25+$0x0], $0xffff;
	_ =	sdelay $0x3  }
0x108: {  	v7 =	vsub.f32 v7, v10;
	v8 =	vsub.f32 v8, v11  }
0x109: {  	v9 =	vsub.f32 v12, v9  }
0x10a: {  	v10 =	vmul.f32 v7, v4;
	v11 =	vmul.f32 v8, v5  }
0x10b: {  	v12 =	vmul.f32 v9, v6  }
0x10c: {  	v10 =	vadd.f32 $1.258291200e+07, v10;
	v11 =	vadd.f32 $1.258291200e+07, v11  }
0x10d: {  	v12 =	vadd.f32 $1.258291200e+07, v12  }
0x10e: {  	v10 =	vadd.f32 $-1.258291200e+07, v10;
	v11 =	vadd.f32 $-1.258291200e+07, v11;
	_ =	sdelay $0x1  }
0x10f: {  	v12 =	vadd.f32 $-1.258291200e+07, v12;
	v10 =	vmul.f32 v10, v1;
	v11 =	vmul.f32 v11, v2;
	_ =	sdelay $0x1  }
0x110: {  	v7 =	vsub.f32 v7, v10;
	v8 =	vsub.f32 v8, v11;
	v10 =	vmul.f32 v12, v3;
	_ =	sdelay $0x1  }
0x111: {  	v9 =	vsub.f32 v9, v10;
	v10 =	vmul.f32 v7, v7;
	v11 =	vmul.f32 v8, v8;
	_ =	sdelay $0x1  }
0x112: {  	v10 =	vadd.f32 v11, v10;
	v11 =	vmul.f32 v9, v9;
	_ =	sdelay $0x1  }
0x113: {  	v10 =	vadd.f32 v11, v10;
	_ =	sdelay $0x1  }
0x114: {  	v11 =	vshrl.u32 v10, $0x1;
	v58 =	vmul.f32 $5.000000000e-01, v10  }
0x115: {  	v11 =	vsub.s32 $0x5F3759DF, v11  }
0x116: {  	v13 =	vmul.f32 v11, v58;
	_ =	sdelay $0x1  }
0x117: {  	v13 =	vmul.f32 v11, v13;
	_ =	sdelay $0x1  }
0x118: {  	v13 =	vsub.f32 $1.500000000e+00, v13;
	_ =	sdelay $0x1  }
0x119: {  	v11 =	vmul.f32 v11, v13;
	_ =	sdelay $0x1  }
0x11a: {  	v12 =	vmul.f32 v11, v58;
	_ =	sdelay $0x1  }
0x11b: {  	v12 =	vmul.f32 v12, v11  }
0x11c: {  	s22 =	simm.s32 $0x10  }
0x11d: {  	v59 =	vmov s22;
	v12 =	vsub.f32 $1.500000000e+00, v12  }
0x11e: {  	v13 =	vshll.u32 v59, $0x3  }
0x11f: {  	s29 =	simm.s32 $0xB410;
	v60 =	vor.u32 v0, v13;
	v11 =	vmul.f32 v12, v11  }
0x120: {  	s22 =	simm.s32 $0xB910;
	[tilespmem:s29+$0xFFFFFFF0] =	vst v7;
	v7 =	vor.u32 $0x1, v60  }
0x121: {  	s16 =	simm.s32 $0xBE10;
	[tilespmem:s22+$0xFFFFFFF0] =	vst v8;
	v10 =	vmul.f32 v11, v10  }
0x122: {  	s18 =	simm.s32 $0xC310;
	[tilespmem:s16+$0xFFFFFFF0] =	vst v9  }
0x123: {  	v8 =	vor.u32 $0x2, v60;
	[tilespmem:s18+$0xFFFFFFF0] =	vst v10  }
0x124: {  	v9 =	vld.idx.msk [tilespmem:v60+s25+$0x0], $0xffff  }
0x125: {  	v10 =	vld.idx.msk [tilespmem:v7+s25+$0x0], $0xffff  }
0x126: {  	v7 =	vld.idx.msk [tilespmem:v7+s26+$0x0], $0xffff  }
0x127: {  	v11 =	vld.idx.msk [tilespmem:v60+s26+$0x0], $0xffff  }
0x128: {  	v61 =	vld.idx.msk [tilespmem:v8+s26+$0x0], $0xffff  }
0x129: {  	v8 =	vld.idx.msk [tilespmem:v8+s25+$0x0], $0xffff;
	_ =	sdelay $0x3  }
0x12a: {  	v7 =	vsub.f32 v7, v10;
	v9 =	vsub.f32 v11, v9  }
0x12b: {  	v8 =	vsub.f32 v61, v8  }
0x12c: {  	v10 =	vmul.f32 v7, v5;
	v11 =	vmul.f32 v9, v4  }
0x12d: {  	v12 =	vmul.f32 v8, v6  }
0x12e: {  	v10 =	vadd.f32 $1.258291200e+07, v10;
	v11 =	vadd.f32 $1.258291200e+07, v11  }
0x12f: {  	v12 =	vadd.f32 $1.258291200e+07, v12  }
0x130: {  	v10 =	vadd.f32 $-1.258291200e+07, v10;
	v11 =	vadd.f32 $-1.258291200e+07, v11;
	_ =	sdelay $0x1  }
0x131: {  	v12 =	vadd.f32 $-1.258291200e+07, v12;
	v10 =	vmul.f32 v10, v2;
	v11 =	vmul.f32 v11, v1;
	_ =	sdelay $0x1  }
0x132: {  	v10 =	vsub.f32 v7, v10;
	v9 =	vsub.f32 v9, v11;
	v7 =	vmul.f32 v12, v3;
	_ =	sdelay $0x1  }
0x133: {  	v11 =	vsub.f32 v8, v7;
	v7 =	vmul.f32 v9, v9;
	v8 =	vmul.f32 v10, v10;
	_ =	sdelay $0x1  }
0x134: {  	v7 =	vadd.f32 v8, v7;
	v8 =	vmul.f32 v11, v11;
	_ =	sdelay $0x1  }
0x135: {  	v7 =	vadd.f32 v8, v7;
	_ =	sdelay $0x1  }
0x136: {  	v8 =	vshrl.u32 v7, $0x1;
	v62 =	vmul.f32 $5.000000000e-01, v7  }
0x137: {  	v8 =	vsub.s32 $0x5F3759DF, v8  }
0x138: {  	v63 =	vmul.f32 v8, v62;
	_ =	sdelay $0x1  }
0x139: {  	v13 =	vmul.f32 v8, v63;
	_ =	sdelay $0x1  }
0x13a: {  	v13 =	vsub.f32 $1.500000000e+00, v13;
	_ =	sdelay $0x1  }
0x13b: {  	v8 =	vmul.f32 v8, v13;
	_ =	sdelay $0x1  }
0x13c: {  	[tilespmem:s29+$0x0] =	vst v9;
	v9 =	vmul.f32 v8, v62  }
0x13d: {  	s19 =	simm.s32 $0x20;
	[tilespmem:s22+$0x0] =	vst v10  }
0x13e: {  	s17 =	simm.s32 $0xC330;
	s21 =	simm.s32 $0x2;
	s15 =	simm.s32 $0xB430;
	v10 =	vmov s19;
	[tilespmem:s16+$0x0] =	vst v11;
	v9 =	vmul.f32 v9, v8  }
.LBB2_6:
0x13f: {  	s21 =	sadd.s32 $0x2, s21;
	v10 =	vshll.u32 v10, $0x3;
	s22 =	sadd.s32 $0x20, s22;
	s16 =	sadd.s32 $0x20, s16  }
0x140: {  	p1 =	slt.u32 s21, $0x4E;
	v10 =	vor.u32 v0, v10;
	v9 =	vsub.f32 $1.500000000e+00, v9  }
0x141: {  	v11 =	vor.u32 $0x1, v10;
	v12 =	vor.u32 $0x2, v10  }
0x142: {  	v8 =	vmul.f32 v9, v8;
	_ =	sdelay $0x1  }
0x143: {  	v7 =	vmul.f32 v8, v7;
	_ =	sdelay $0x1  }
0x144: {  	[tilespmem:s18+$0x0] =	vst v7;
	s18 =	smov.u32 s17  }
0x145: {  	v7 =	vld.idx.msk [tilespmem:v10+s25+$0x0], $0xffff  }
0x146: {  	v8 =	vld.idx.msk [tilespmem:v10+s26+$0x0], $0xffff  }
0x147: {  	v9 =	vld.idx.msk [tilespmem:v11+s25+$0x0], $0xffff  }
0x148: {  	v10 =	vld.idx.msk [tilespmem:v11+s26+$0x0], $0xffff  }
0x149: {  	v11 =	vld.idx.msk [tilespmem:v12+s26+$0x0], $0xffff  }
0x14a: {  	v12 =	vld.idx.msk [tilespmem:v12+s25+$0x0], $0xffff;
	_ =	sdelay $0x1  }
0x14b: {  	v7 =	vsub.f32 v8, v7;
	_ =	sdelay $0x1  }
0x14c: {  	v8 =	vsub.f32 v10, v9;
	v9 =	vmul.f32 v7, v4;
	_ =	sdelay $0x1  }
0x14d: {  	v10 =	vsub.f32 v11, v12;
	v9 =	vadd.f32 $1.258291200e+07, v9;
	v11 =	vmul.f32 v8, v5;
	_ =	sdelay $0x1  }
0x14e: {  	v9 =	vadd.f32 $-1.258291200e+07, v9;
	v11 =	vadd.f32 $1.258291200e+07, v11;
	v12 =	vmul.f32 v10, v6;
	_ =	sdelay $0x1  }
0x14f: {  	v11 =	vadd.f32 $-1.258291200e+07, v11;
	v12 =	vadd.f32 $1.258291200e+07, v12;
	v9 =	vmul.f32 v9, v1;
	_ =	sdelay $0x1  }
0x150: {  	v12 =	vadd.f32 $-1.258291200e+07, v12;
	v7 =	vsub.f32 v7, v9;
	v9 =	vmul.f32 v11, v2;
	_ =	sdelay $0x1  }
0x151: {  	v8 =	vsub.f32 v8, v9;
	v9 =	vmul.f32 v12, v3;
	_ =	sdelay $0x1  }
0x152: {  	v9 =	vsub.f32 v10, v9;
	v10 =	vmul.f32 v7, v7;
	v11 =	vmul.f32 v8, v8;
	_ =	sdelay $0x1  }
0x153: {  	v10 =	vadd.f32 v11, v10;
	v11 =	vmul.f32 v9, v9;
	_ =	sdelay $0x1  }
0x154: {  	v10 =	vadd.f32 v11, v10;
	_ =	sdelay $0x1  }
0x155: {  	v11 =	vshrl.u32 v10, $0x1;
	v12 =	vmul.f32 $5.000000000e-01, v10  }
0x156: {  	v11 =	vsub.s32 $0x5F3759DF, v11  }
0x157: {  	v13 =	vmul.f32 v11, v12;
	_ =	sdelay $0x1  }
0x158: {  	v13 =	vmul.f32 v11, v13;
	_ =	sdelay $0x1  }
0x159: {  	v13 =	vsub.f32 $1.500000000e+00, v13;
	_ =	sdelay $0x1  }
0x15a: {  	v11 =	vmul.f32 v11, v13;
	_ =	sdelay $0x1  }
0x15b: {  	v12 =	vmul.f32 v11, v12;
	_ =	sdelay $0x1  }
0x15c: {  	v12 =	vmul.f32 v12, v11  }
0x15d: {  	s29 =	sadd.s32 $0x10, s19  }
0x15e: {  	v13 =	vmov s29;
	v12 =	vsub.f32 $1.500000000e+00, v12  }
0x15f: {  	v13 =	vshll.u32 v13, $0x3  }
0x160: {  	v11 =	vmul.f32 v12, v11;
	v12 =	vor.u32 v0, v13  }
0x161: {  	[tilespmem:s15+$0xFFFFFFF0] =	vst v7;
	v7 =	vor.u32 $0x1, v12  }
0x162: {  	v10 =	vmul.f32 v11, v10;
	[tilespmem:s22+$0xFFFFFFF0] =	vst v8  }
0x163: {  	[tilespmem:s16+$0xFFFFFFF0] =	vst v9  }
0x164: {  	v8 =	vor.u32 $0x2, v12;
	[tilespmem:s17+$0xFFFFFFF0] =	vst v10  }
0x165: {  	v9 =	vld.idx.msk [tilespmem:v12+s25+$0x0], $0xffff  }
0x166: {  	v10 =	vld.idx.msk [tilespmem:v7+s25+$0x0], $0xffff  }
0x167: {  	v7 =	vld.idx.msk [tilespmem:v7+s26+$0x0], $0xffff  }
0x168: {  	v11 =	vld.idx.msk [tilespmem:v12+s26+$0x0], $0xffff  }
0x169: {  	v12 =	vld.idx.msk [tilespmem:v8+s26+$0x0], $0xffff  }
0x16a: {  	v8 =	vld.idx.msk [tilespmem:v8+s25+$0x0], $0xffff;
	_ =	sdelay $0x2  }
0x16b: {  	v7 =	vsub.f32 v7, v10  }
0x16c: {  	v9 =	vsub.f32 v11, v9  }
0x16d: {  	v10 =	vmul.f32 v7, v5  }
0x16e: {  	v8 =	vsub.f32 v12, v8;
	v11 =	vmul.f32 v9, v4  }
0x16f: {  	v10 =	vadd.f32 $1.258291200e+07, v10  }
0x170: {  	v11 =	vadd.f32 $1.258291200e+07, v11;
	v12 =	vmul.f32 v8, v6  }
0x171: {  	v10 =	vadd.f32 $-1.258291200e+07, v10  }
0x172: {  	v11 =	vadd.f32 $-1.258291200e+07, v11;
	v12 =	vadd.f32 $1.258291200e+07, v12  }
0x173: {  	v10 =	vmul.f32 v10, v2  }
0x174: {  	v12 =	vadd.f32 $-1.258291200e+07, v12;
	v11 =	vmul.f32 v11, v1  }
0x175: {  	v7 =	vsub.f32 v7, v10  }
0x176: {  	v9 =	vsub.f32 v9, v11;
	v10 =	vmul.f32 v12, v3;
	_ =	sdelay $0x1  }
0x177: {  	v11 =	vmul.f32 v7, v7;
	v8 =	vsub.f32 v8, v10;
	v10 =	vmul.f32 v9, v9;
	[tilespmem:s15+$0x0] =	vst v9  }
0x178: {  	[tilespmem:s22+$0x0] =	vst v7  }
0x179: {  	v7 =	vadd.f32 v11, v10;
	v9 =	vmul.f32 v8, v8;
	[tilespmem:s16+$0x0] =	vst v8;
	_ =	sdelay $0x1  }
0x17a: {  	v7 =	vadd.f32 v9, v7;
	_ =	sdelay $0x1  }
0x17b: {  	v8 =	vshrl.u32 v7, $0x1;
	v9 =	vmul.f32 $5.000000000e-01, v7  }
0x17c: {  	v8 =	vsub.s32 $0x5F3759DF, v8  }
0x17d: {  	v10 =	vmul.f32 v8, v9;
	_ =	sdelay $0x1  }
0x17e: {  	v10 =	vmul.f32 v8, v10;
	_ =	sdelay $0x1  }
0x17f: {  	v10 =	vsub.f32 $1.500000000e+00, v10;
	_ =	sdelay $0x1  }
.Ltmp7:
0x180: {  	v8 =	vmul.f32 v8, v10;
	(pc) =	sbr.rel @p1 .LBB2_6-.Ltmp7, $4  }
0x181: {  	_ = 	snop  }
0x182: {  	v9 =	vmul.f32 v8, v9  }
0x183: {  	s19 =	sadd.s32 $0x20, s19  }
0x184: {  	s17 =	sadd.s32 $0x20, s17;
	s15 =	sadd.s32 $0x20, s15;
	v10 =	vmov s19;
	v9 =	vmul.f32 v9, v8  }
0x185: {  	_ = 	snop  }
0x186: {  	v9 =	vsub.f32 $1.500000000e+00, v9  }
0x187: {  	v10 =	vshll.u32 v10, $0x3  }
0x188: {  	v10 =	vor.u32 v0, v10;
	v8 =	vmul.f32 v9, v8;
	_ =	sdelay $0x1  }
0x189: {  	v49 =	vor.u32 $0x1, v10;
	v7 =	vmul.f32 v8, v7;
	_ =	sdelay $0x1  }
0x18a: {  	v8 =	vor.u32 $0x2, v10;
	[tilespmem:s18+$0x0] =	vst v7  }
0x18b: {  	v7 =	vld.idx.msk [tilespmem:v10+s25+$0x0], $0xffff  }
0x18c: {  	v10 =	vld.idx.msk [tilespmem:v10+s26+$0x0], $0xffff  }
0x18d: {  	v11 =	vld.idx.msk [tilespmem:v49+s25+$0x0], $0xffff  }
0x18e: {  	v9 =	vld.idx.msk [tilespmem:v49+s26+$0x0], $0xffff  }
0x18f: {  	v12 =	vld.idx.msk [tilespmem:v8+s26+$0x0], $0xffff  }
0x190: {  	v8 =	vld.idx.msk [tilespmem:v8+s25+$0x0], $0xffff;
	_ =	sdelay $0x1  }
0x191: {  	v7 =	vsub.f32 v10, v7  }
0x192: {  	v9 =	vsub.f32 v9, v11  }
0x193: {  	v10 =	vmul.f32 v7, v4  }
0x194: {  	v8 =	vsub.f32 v12, v8;
	v11 =	vmul.f32 v9, v5  }
0x195: {  	v10 =	vadd.f32 $1.258291200e+07, v10  }
0x196: {  	v11 =	vadd.f32 $1.258291200e+07, v11;
	v12 =	vmul.f32 v8, v6  }
0x197: {  	v10 =	vadd.f32 $-1.258291200e+07, v10  }
0x198: {  	v11 =	vadd.f32 $-1.258291200e+07, v11;
	v12 =	vadd.f32 $1.258291200e+07, v12;
	_ =	sdelay $0x1  }
0x199: {  	v10 =	vmul.f32 v10, v1;
	v12 =	vadd.f32 $-1.258291200e+07, v12;
	v11 =	vmul.f32 v11, v2;
	_ =	sdelay $0x1  }
0x19a: {  	v7 =	vsub.f32 v7, v10;
	v9 =	vsub.f32 v9, v11;
	v50 =	vmul.f32 v12, v3;
	_ =	sdelay $0x1  }
0x19b: {  	v8 =	vsub.f32 v8, v50;
	v51 =	vmul.f32 v7, v7;
	v11 =	vmul.f32 v9, v9;
	_ =	sdelay $0x1  }
0x19c: {  	v10 =	vadd.f32 v11, v51;
	v52 =	vmul.f32 v8, v8;
	_ =	sdelay $0x1  }
0x19d: {  	v10 =	vadd.f32 v52, v10;
	_ =	sdelay $0x1  }
0x19e: {  	v11 =	vshrl.u32 v10, $0x1;
	v53 =	vmul.f32 $5.000000000e-01, v10  }
0x19f: {  	v11 =	vsub.s32 $0x5F3759DF, v11  }
0x1a0: {  	v13 =	vmul.f32 v11, v53;
	_ =	sdelay $0x1  }
0x1a1: {  	v13 =	vmul.f32 v11, v13;
	_ =	sdelay $0x1  }
0x1a2: {  	v13 =	vsub.f32 $1.500000000e+00, v13;
	_ =	sdelay $0x1  }
0x1a3: {  	v11 =	vmul.f32 v11, v13;
	_ =	sdelay $0x1  }
0x1a4: {  	v12 =	vmul.f32 v11, v53;
	_ =	sdelay $0x1  }
0x1a5: {  	v12 =	vmul.f32 v12, v11  }
0x1a6: {  	s19 =	sadd.s32 $0x10, s19  }
0x1a7: {  	v54 =	vmov s19;
	v12 =	vsub.f32 $1.500000000e+00, v12  }
0x1a8: {  	v13 =	vshll.u32 v54, $0x3  }
0x1a9: {  	v55 =	vor.u32 v0, v13;
	v11 =	vmul.f32 v12, v11  }
0x1aa: {  	s21 =	sadd.s32 $0x20, s22;
	[tilespmem:s15+$0xFFFFFFF0] =	vst v7;
	v7 =	vor.u32 $0x1, v55  }
0x1ab: {  	s16 =	sadd.s32 $0x20, s16;
	[tilespmem:s21+$0xFFFFFFF0] =	vst v9;
	v10 =	vmul.f32 v11, v10  }
0x1ac: {  	[tilespmem:s16+$0xFFFFFFF0] =	vst v8  }
0x1ad: {  	v8 =	vor.u32 $0x2, v55;
	[tilespmem:s17+$0xFFFFFFF0] =	vst v10  }
0x1ae: {  	v9 =	vld.idx.msk [tilespmem:v55+s25+$0x0], $0xffff  }
0x1af: {  	v10 =	vld.idx.msk [tilespmem:v7+s25+$0x0], $0xffff  }
0x1b0: {  	v7 =	vld.idx.msk [tilespmem:v7+s26+$0x0], $0xffff  }
0x1b1: {  	v56 =	vld.idx.msk [tilespmem:v55+s26+$0x0], $0xffff  }
0x1b2: {  	v57 =	vld.idx.msk [tilespmem:v8+s26+$0x0], $0xffff  }
0x1b3: {  	v8 =	vld.idx.msk [tilespmem:v8+s25+$0x0], $0xffff;
	_ =	sdelay $0x3  }
0x1b4: {  	v7 =	vsub.f32 v7, v10;
	v9 =	vsub.f32 v56, v9  }
0x1b5: {  	v8 =	vsub.f32 v57, v8  }
0x1b6: {  	v10 =	vmul.f32 v7, v5;
	v11 =	vmul.f32 v9, v4  }
0x1b7: {  	v12 =	vmul.f32 v8, v6  }
0x1b8: {  	v10 =	vadd.f32 $1.258291200e+07, v10;
	v11 =	vadd.f32 $1.258291200e+07, v11  }
0x1b9: {  	v12 =	vadd.f32 $1.258291200e+07, v12  }
0x1ba: {  	v10 =	vadd.f32 $-1.258291200e+07, v10;
	v11 =	vadd.f32 $-1.258291200e+07, v11;
	_ =	sdelay $0x1  }
0x1bb: {  	v12 =	vadd.f32 $-1.258291200e+07, v12;
	v10 =	vmul.f32 v10, v2;
	v11 =	vmul.f32 v11, v1;
	_ =	sdelay $0x1  }
0x1bc: {  	v58 =	vmul.f32 v12, v3;
	v7 =	vsub.f32 v7, v10;
	v9 =	vsub.f32 v9, v11;
	_ =	sdelay $0x1  }
0x1bd: {  	v8 =	vsub.f32 v8, v58;
	v59 =	vmul.f32 v9, v9;
	v60 =	vmul.f32 v7, v7;
	_ =	sdelay $0x1  }
0x1be: {  	v61 =	vmul.f32 v8, v8;
	v10 =	vadd.f32 v60, v59;
	_ =	sdelay $0x1  }
0x1bf: {  	v10 =	vadd.f32 v61, v10;
	_ =	sdelay $0x1  }
0x1c0: {  	v11 =	vshrl.u32 v10, $0x1;
	v62 =	vmul.f32 $5.000000000e-01, v10  }
0x1c1: {  	v11 =	vsub.s32 $0x5F3759DF, v11  }
0x1c2: {  	v63 =	vmul.f32 v11, v62;
	_ =	sdelay $0x1  }
0x1c3: {  	v13 =	vmul.f32 v11, v63;
	_ =	sdelay $0x1  }
0x1c4: {  	v13 =	vsub.f32 $1.500000000e+00, v13;
	_ =	sdelay $0x1  }
0x1c5: {  	v11 =	vmul.f32 v11, v13;
	_ =	sdelay $0x1  }
0x1c6: {  	v12 =	vmul.f32 v11, v62;
	_ =	sdelay $0x1  }
0x1c7: {  	v12 =	vmul.f32 v12, v11;
	_ =	sdelay $0x1  }
0x1c8: {  	v12 =	vsub.f32 $1.500000000e+00, v12;
	_ =	sdelay $0x1  }
0x1c9: {  	v11 =	vmul.f32 v12, v11  }
0x1ca: {  	[tilespmem:s15+$0x0] =	vst v9  }
0x1cb: {  	s15 =	smul.u32 $0xA0, s20;
	[tilespmem:s21+$0x0] =	vst v7;
	v7 =	vmul.f32 v11, v10  }
0x1cc: {  	[tilespmem:s16+$0x0] =	vst v8  }
0x1cd: {  	s29 =	simm.s32 $0xB400;
	s22 =	sadd.s32 s9, s15;
	[tilespmem:s17+$0x0] =	vst v7  }
0x1ce: {  	[hbm4b:s22+s6] =	stream.linear.scatter [tilespmem:s29], [sflag:$0x3], $0x500, $0x38;
	[tilespmem:$0x19FD0] =	vst v63  }
0x1cf: {  	s19 =	simm.s32 $0xB900;
	s18 =	sadd.s32 s10, s15  }
0x1d0: {  	[hbm4b:s18+s6] =	stream.linear.scatter [tilespmem:s19], [sflag:$0x3], $0x500, $0x38;
	[tilespmem:$0x19FD0] =	vst v63  }
0x1d1: {  	p1 =	sgt.u32 s20, $0x1347;
	s21 =	sadd.s32 s11, s15;
	s22 =	simm.s32 $0xBE00  }
0x1d2: {  	[hbm4b:s21+s6] =	stream.linear.scatter [tilespmem:s22], [sflag:$0x3], $0x500, $0x38;
	[tilespmem:$0x19FD0] =	vst v63  }
0x1d3: {  	s15 =	sadd.s32 s4, s15;
	s16 =	smul.u32 @!p1 $0x500, s20;
	s29 =	simm.s32 $0xC300  }
0x1d4: {  	[hbm4b:s15+s6] =	stream.linear.scatter [tilespmem:s29], [sflag:$0x3], $0x500, $0x38;
	[tilespmem:$0x19FD0] =	vst v63  }
0x1d5: {  	s15 =	sshrl.u32 @!p1 s16, $0x3  }
0x1d6: {  	s15 =	sadd.s32 @!p1 $0x2800, s15  }
0x1d7: {  	s17 =	simm.s32 @!p1 $0x0;
	s16 =	sadd.s32 @!p1 s0, s15  }
0x1d8: {  	[tilespmem:s17], [sflag:$0x5] =	stream.linear.gather @!p1 [hbm4b:s16+s17], $0x500, $0x38;
	[tilespmem:$0x19FD0] =	vst v63  }
0x1d9: {  	s15 =	sadd.s32 @!p1 s2, s15;
	s16 =	simm.s32 @!p1 $0x500  }
0x1da: {  	[tilespmem:s16], [sflag:$0x5] =	stream.linear.gather @!p1 [hbm4b:s15+s17], $0x500, $0x38;
	[tilespmem:$0x19FD0] =	vst v63  }
.LBB2_8:
0x1db: {  	s20 =	sor.u32 $0x20, s20  }
0x1dc: {  	p1 =	sgt.u32 s20, $0x1367  }
.Ltmp8:
0x1dd: {  	_ = 	snop;
	(pc) =	sbr.rel @p1 .LBB2_10-.Ltmp8, $1  }
0x1de: {  	_ =	sdelay $0x3  }
0x1df: {  	_ =	swait.ge [sflag:s23], $0x500  }
0x1e0: {  	[sflag:s23] =	ssyncset.done $0x0  }
0x1e1: {  	[sflag:s23] =	ssyncadd.s32 $0xFFFFFB00  }
0x1e2: {  	_ =	swait.ge [sflag:s23], $0x500  }
0x1e3: {  	[sflag:s23] =	ssyncset.done $0x0  }
0x1e4: {  	[sflag:s23] =	ssyncadd.s32 $0xFFFFFB00  }
0x1e5: {  	[tilespmem:s25], [sflag:$0x1] =	stream.indirect.gather [spmem:s5], $0x8, s6, s24, $0xb8;
	[tilespmem:$0x19FD0] =	vst v63  }
0x1e6: {  	s15 =	simm.s32 $0x500  }
0x1e7: {  	[tilespmem:s26], [sflag:$0x1] =	stream.indirect.gather [spmem:s5], $0x8, s15, s24, $0xb8;
	[tilespmem:$0x19FD0] =	vst v63  }
0x1e8: {  	s19 =	simm.s32 $0xE00  }
0x1e9: {  	[tilespmem:s19], [sflag:$0x1] =	stream.indirect.gather [spmem:s5], $0x8, s24, s24, $0xb8;
	[tilespmem:$0x19FD0] =	vst v63  }
0x1ea: {  	s21 =	simm.s32 $0x580;
	s16 =	simm.s32 $0x3600  }
0x1eb: {  	[tilespmem:s16], [sflag:$0x1] =	stream.indirect.gather [spmem:s5], $0x8, s21, s24, $0xb8;
	[tilespmem:$0x19FD0] =	vst v63  }
0x1ec: {  	s22 =	simm.s32 $0x100;
	s29 =	simm.s32 $0x1200  }
0x1ed: {  	[tilespmem:s29], [sflag:$0x1] =	stream.indirect.gather [spmem:s5], $0x8, s22, s24, $0xb8;
	[tilespmem:$0x19FD0] =	vst v63  }
0x1ee: {  	s17 =	simm.s32 $0x600;
	s18 =	simm.s32 $0x3A00  }
0x1ef: {  	[tilespmem:s18], [sflag:$0x1] =	stream.indirect.gather [spmem:s5], $0x8, s17, s24, $0xb8;
	[tilespmem:$0x19FD0] =	vst v63  }
0x1f0: {  	s19 =	simm.s32 $0x180;
	s21 =	simm.s32 $0x1600  }
0x1f1: {  	[tilespmem:s21], [sflag:$0x1] =	stream.indirect.gather [spmem:s5], $0x8, s19, s24, $0xb8;
	[tilespmem:$0x19FD0] =	vst v63  }
0x1f2: {  	s22 =	simm.s32 $0x680;
	s29 =	simm.s32 $0x3E00  }
0x1f3: {  	[tilespmem:s29], [sflag:$0x1] =	stream.indirect.gather [spmem:s5], $0x8, s22, s24, $0xb8;
	[tilespmem:$0x19FD0] =	vst v63  }
0x1f4: {  	s17 =	simm.s32 $0x200;
	s18 =	simm.s32 $0x1A00  }
0x1f5: {  	[tilespmem:s18], [sflag:$0x1] =	stream.indirect.gather [spmem:s5], $0x8, s17, s24, $0xb8;
	[tilespmem:$0x19FD0] =	vst v63  }
0x1f6: {  	s19 =	simm.s32 $0x700;
	s21 =	simm.s32 $0x4200  }
0x1f7: {  	[tilespmem:s21], [sflag:$0x1] =	stream.indirect.gather [spmem:s5], $0x8, s19, s24, $0xb8;
	[tilespmem:$0x19FD0] =	vst v63  }
0x1f8: {  	s22 =	simm.s32 $0x280;
	s29 =	simm.s32 $0x1E00  }
0x1f9: {  	[tilespmem:s29], [sflag:$0x1] =	stream.indirect.gather [spmem:s5], $0x8, s22, s24, $0xb8;
	[tilespmem:$0x19FD0] =	vst v63  }
0x1fa: {  	s17 =	simm.s32 $0x780;
	s18 =	simm.s32 $0x4600  }
0x1fb: {  	[tilespmem:s18], [sflag:$0x1] =	stream.indirect.gather [spmem:s5], $0x8, s17, s24, $0xb8;
	[tilespmem:$0x19FD0] =	vst v63  }
0x1fc: {  	s19 =	simm.s32 $0x300;
	s21 =	simm.s32 $0x2200  }
0x1fd: {  	[tilespmem:s21], [sflag:$0x1] =	stream.indirect.gather [spmem:s5], $0x8, s19, s24, $0xb8;
	[tilespmem:$0x19FD0] =	vst v63  }
0x1fe: {  	s22 =	simm.s32 $0x800;
	s29 =	simm.s32 $0x4A00  }
0x1ff: {  	[tilespmem:s29], [sflag:$0x1] =	stream.indirect.gather [spmem:s5], $0x8, s22, s24, $0xb8;
	[tilespmem:$0x19FD0] =	vst v63  }
0x200: {  	s17 =	simm.s32 $0x380;
	s18 =	simm.s32 $0x2600  }
0x201: {  	[tilespmem:s18], [sflag:$0x1] =	stream.indirect.gather [spmem:s5], $0x8, s17, s24, $0xb8;
	[tilespmem:$0x19FD0] =	vst v63  }
0x202: {  	s19 =	simm.s32 $0x880;
	s21 =	simm.s32 $0x4E00  }
0x203: {  	[tilespmem:s21], [sflag:$0x1] =	stream.indirect.gather [spmem:s5], $0x8, s19, s24, $0xb8;
	[tilespmem:$0x19FD0] =	vst v63  }
0x204: {  	s22 =	simm.s32 $0x400;
	s29 =	simm.s32 $0x2A00  }
0x205: {  	[tilespmem:s29], [sflag:$0x1] =	stream.indirect.gather [spmem:s5], $0x8, s22, s24, $0xb8;
	[tilespmem:$0x19FD0] =	vst v63  }
0x206: {  	s17 =	simm.s32 $0x900;
	s18 =	simm.s32 $0x5200  }
0x207: {  	[tilespmem:s18], [sflag:$0x1] =	stream.indirect.gather [spmem:s5], $0x8, s17, s24, $0xb8;
	[tilespmem:$0x19FD0] =	vst v63  }
.Ltmp9:
0x208: {  	_ = 	snop;
	(pc) =	sbr.rel .LBB2_11-.Ltmp9, $4  }
0x209: {  	s19 =	simm.s32 $0x480;
	s21 =	simm.s32 $0x2E00  }
0x20a: {  	[tilespmem:s21], [sflag:$0x1] =	stream.indirect.gather [spmem:s5], $0x8, s19, s24, $0xb8;
	[tilespmem:$0x19FD0] =	vst v63  }
0x20b: {  	s22 =	simm.s32 $0x980;
	s29 =	simm.s32 $0x5600  }
0x20c: {  	[tilespmem:s29], [sflag:$0x1] =	stream.indirect.gather [spmem:s5], $0x8, s22, s24, $0xb8;
	[tilespmem:$0x19FD0] =	vst v63  }
.LBB2_10:
0x20d: {  	p1 =	sgt.u32 s20, $0x1387  }
.Ltmp10:
0x20e: {  	_ = 	snop;
	(pc) =	sbr.rel @p1 .LBB2_14-.Ltmp10, $1  }
0x20f: {  	_ =	sdelay $0x3  }
.LBB2_11:
0x210: {  	p1 =	seq.s32 s3, $0x0  }
0x211: {  	s15 =	simm.s32 @!p1 $0x4  }
0x212: {  	_ =	swait.ge @!p1 [sflag:s15], $0x500  }
0x213: {  	[sflag:s15] =	ssyncset.done @!p1 $0x0  }
0x214: {  	[sflag:s15] =	ssyncadd.s32 @!p1 $0xFFFFFB00  }
0x215: {  	_ =	swait.ge @!p1 [sflag:s15], $0x500  }
0x216: {  	[sflag:s15] =	ssyncset.done @!p1 $0x0  }
0x217: {  	[sflag:s15] =	ssyncadd.s32 @!p1 $0xFFFFFB00  }
0x218: {  	_ =	swait.ge @!p1 [sflag:s15], $0x500  }
0x219: {  	[sflag:s15] =	ssyncset.done @!p1 $0x0  }
0x21a: {  	[sflag:s15] =	ssyncadd.s32 @!p1 $0xFFFFFB00  }
0x21b: {  	_ =	swait.ge @!p1 [sflag:s15], $0x500  }
0x21c: {  	[sflag:s15] =	ssyncset.done @!p1 $0x0  }
0x21d: {  	[sflag:s15] =	ssyncadd.s32 @!p1 $0xFFFFFB00  }
0x21e: {  	_ =	swait.ge [sflag:s28], $0x400  }
0x21f: {  	[sflag:s28] =	ssyncset.done $0x0  }
0x220: {  	[sflag:s28] =	ssyncadd.s32 $0xFFFFFC00  }
0x221: {  	_ =	swait.ge [sflag:s28], $0x400  }
0x222: {  	[sflag:s28] =	ssyncset.done $0x0  }
0x223: {  	[sflag:s28] =	ssyncadd.s32 $0xFFFFFC00  }
0x224: {  	_ =	swait.ge [sflag:s28], $0x400  }
0x225: {  	[sflag:s28] =	ssyncset.done $0x0  }
0x226: {  	[sflag:s28] =	ssyncadd.s32 $0xFFFFFC00  }
0x227: {  	_ =	swait.ge [sflag:s28], $0x400  }
0x228: {  	[sflag:s28] =	ssyncset.done $0x0  }
0x229: {  	[sflag:s28] =	ssyncadd.s32 $0xFFFFFC00  }
0x22a: {  	_ =	swait.ge [sflag:s28], $0x400  }
0x22b: {  	[sflag:s28] =	ssyncset.done $0x0  }
0x22c: {  	[sflag:s28] =	ssyncadd.s32 $0xFFFFFC00  }
0x22d: {  	_ =	swait.ge [sflag:s28], $0x400  }
0x22e: {  	[sflag:s28] =	ssyncset.done $0x0  }
0x22f: {  	[sflag:s28] =	ssyncadd.s32 $0xFFFFFC00  }
0x230: {  	_ =	swait.ge [sflag:s28], $0x400  }
0x231: {  	[sflag:s28] =	ssyncset.done $0x0  }
0x232: {  	[sflag:s28] =	ssyncadd.s32 $0xFFFFFC00  }
0x233: {  	_ =	swait.ge [sflag:s28], $0x400  }
0x234: {  	[sflag:s28] =	ssyncset.done $0x0  }
0x235: {  	[sflag:s28] =	ssyncadd.s32 $0xFFFFFC00  }
0x236: {  	_ =	swait.ge [sflag:s28], $0x400  }
0x237: {  	[sflag:s28] =	ssyncset.done $0x0  }
0x238: {  	[sflag:s28] =	ssyncadd.s32 $0xFFFFFC00  }
0x239: {  	_ =	swait.ge [sflag:s28], $0x400  }
0x23a: {  	[sflag:s28] =	ssyncset.done $0x0  }
0x23b: {  	[sflag:s28] =	ssyncadd.s32 $0xFFFFFC00  }
0x23c: {  	_ =	swait.ge [sflag:s28], $0x400  }
0x23d: {  	[sflag:s28] =	ssyncset.done $0x0  }
0x23e: {  	[sflag:s28] =	ssyncadd.s32 $0xFFFFFC00  }
0x23f: {  	_ =	swait.ge [sflag:s28], $0x400  }
0x240: {  	[sflag:s28] =	ssyncset.done $0x0  }
0x241: {  	[sflag:s28] =	ssyncadd.s32 $0xFFFFFC00  }
0x242: {  	_ =	swait.ge [sflag:s28], $0x400  }
0x243: {  	[sflag:s28] =	ssyncset.done $0x0  }
0x244: {  	[sflag:s28] =	ssyncadd.s32 $0xFFFFFC00  }
0x245: {  	_ =	swait.ge [sflag:s28], $0x400  }
0x246: {  	[sflag:s28] =	ssyncset.done $0x0  }
0x247: {  	[sflag:s28] =	ssyncadd.s32 $0xFFFFFC00  }
0x248: {  	_ =	swait.ge [sflag:s28], $0x400  }
0x249: {  	[sflag:s28] =	ssyncset.done $0x0  }
0x24a: {  	[sflag:s28] =	ssyncadd.s32 $0xFFFFFC00  }
0x24b: {  	_ =	swait.ge [sflag:s28], $0x400  }
0x24c: {  	[sflag:s28] =	ssyncset.done $0x0  }
0x24d: {  	[sflag:s28] =	ssyncadd.s32 $0xFFFFFC00  }
0x24e: {  	_ =	swait.ge [sflag:s28], $0x400  }
0x24f: {  	[sflag:s28] =	ssyncset.done $0x0  }
0x250: {  	[sflag:s28] =	ssyncadd.s32 $0xFFFFFC00  }
0x251: {  	_ =	swait.ge [sflag:s28], $0x400  }
0x252: {  	s21 =	simm.s32 $0x0;
	[sflag:s28] =	ssyncset.done $0x0  }
0x253: {  	v7 =	vmov s21;
	[sflag:s28] =	ssyncadd.s32 $0xFFFFFC00  }
0x254: {  	v7 =	vshll.u32 v7, $0x3;
	_ =	swait.ge [sflag:s28], $0x400  }
0x255: {  	v7 =	vor.u32 v0, v7;
	[sflag:s28] =	ssyncset.done $0x0  }
0x256: {  	[sflag:s28] =	ssyncadd.s32 $0xFFFFFC00  }
0x257: {  	v8 =	vor.u32 $0x1, v7;
	_ =	swait.ge [sflag:s28], $0x400  }
0x258: {  	[sflag:s28] =	ssyncset.done $0x0  }
0x259: {  	v9 =	vor.u32 $0x2, v7;
	[sflag:s28] =	ssyncadd.s32 $0xFFFFFC00  }
0x25a: {  	v10 =	vld.idx.msk [tilespmem:v7+s12+$0x0], $0xffff  }
0x25b: {  	v7 =	vld.idx.msk [tilespmem:v7+s13+$0x0], $0xffff  }
0x25c: {  	v11 =	vld.idx.msk [tilespmem:v8+s12+$0x0], $0xffff  }
0x25d: {  	v8 =	vld.idx.msk [tilespmem:v8+s13+$0x0], $0xffff  }
0x25e: {  	v12 =	vld.idx.msk [tilespmem:v9+s13+$0x0], $0xffff  }
0x25f: {  	v9 =	vld.idx.msk [tilespmem:v9+s12+$0x0], $0xffff;
	_ =	sdelay $0x3  }
0x260: {  	v7 =	vsub.f32 v7, v10;
	v8 =	vsub.f32 v8, v11  }
0x261: {  	v9 =	vsub.f32 v12, v9  }
0x262: {  	v10 =	vmul.f32 v7, v4;
	v11 =	vmul.f32 v8, v5  }
0x263: {  	v12 =	vmul.f32 v9, v6  }
0x264: {  	v10 =	vadd.f32 $1.258291200e+07, v10;
	v11 =	vadd.f32 $1.258291200e+07, v11  }
0x265: {  	v12 =	vadd.f32 $1.258291200e+07, v12  }
0x266: {  	v10 =	vadd.f32 $-1.258291200e+07, v10;
	v11 =	vadd.f32 $-1.258291200e+07, v11;
	_ =	sdelay $0x1  }
0x267: {  	v12 =	vadd.f32 $-1.258291200e+07, v12;
	v10 =	vmul.f32 v10, v1;
	v11 =	vmul.f32 v11, v2;
	_ =	sdelay $0x1  }
0x268: {  	v7 =	vsub.f32 v7, v10;
	v8 =	vsub.f32 v8, v11;
	v10 =	vmul.f32 v12, v3;
	_ =	sdelay $0x1  }
0x269: {  	v9 =	vsub.f32 v9, v10;
	v10 =	vmul.f32 v7, v7;
	v11 =	vmul.f32 v8, v8;
	_ =	sdelay $0x1  }
0x26a: {  	v10 =	vadd.f32 v11, v10;
	v11 =	vmul.f32 v9, v9;
	_ =	sdelay $0x1  }
0x26b: {  	v10 =	vadd.f32 v11, v10;
	_ =	sdelay $0x1  }
0x26c: {  	v11 =	vshrl.u32 v10, $0x1;
	v58 =	vmul.f32 $5.000000000e-01, v10  }
0x26d: {  	v11 =	vsub.s32 $0x5F3759DF, v11  }
0x26e: {  	v13 =	vmul.f32 v11, v58;
	_ =	sdelay $0x1  }
0x26f: {  	v13 =	vmul.f32 v11, v13;
	_ =	sdelay $0x1  }
0x270: {  	v13 =	vsub.f32 $1.500000000e+00, v13;
	_ =	sdelay $0x1  }
0x271: {  	v11 =	vmul.f32 v11, v13;
	_ =	sdelay $0x1  }
0x272: {  	v12 =	vmul.f32 v11, v58;
	_ =	sdelay $0x1  }
0x273: {  	v12 =	vmul.f32 v12, v11  }
0x274: {  	s22 =	simm.s32 $0x10  }
0x275: {  	v59 =	vmov s22;
	v12 =	vsub.f32 $1.500000000e+00, v12  }
0x276: {  	v13 =	vshll.u32 v59, $0x3  }
0x277: {  	s29 =	simm.s32 $0xC810;
	v60 =	vor.u32 v0, v13;
	v11 =	vmul.f32 v12, v11  }
0x278: {  	s16 =	simm.s32 $0xCD10;
	[tilespmem:s29+$0xFFFFFFF0] =	vst v7;
	v7 =	vor.u32 $0x1, v60  }
0x279: {  	s17 =	simm.s32 $0xD210;
	[tilespmem:s16+$0xFFFFFFF0] =	vst v8;
	v10 =	vmul.f32 v11, v10  }
0x27a: {  	s18 =	simm.s32 $0xD710;
	[tilespmem:s17+$0xFFFFFFF0] =	vst v9  }
0x27b: {  	v8 =	vor.u32 $0x2, v60;
	[tilespmem:s18+$0xFFFFFFF0] =	vst v10  }
0x27c: {  	v9 =	vld.idx.msk [tilespmem:v60+s12+$0x0], $0xffff  }
0x27d: {  	v10 =	vld.idx.msk [tilespmem:v7+s12+$0x0], $0xffff  }
0x27e: {  	v7 =	vld.idx.msk [tilespmem:v7+s13+$0x0], $0xffff  }
0x27f: {  	v11 =	vld.idx.msk [tilespmem:v60+s13+$0x0], $0xffff  }
0x280: {  	v61 =	vld.idx.msk [tilespmem:v8+s13+$0x0], $0xffff  }
0x281: {  	v8 =	vld.idx.msk [tilespmem:v8+s12+$0x0], $0xffff;
	_ =	sdelay $0x3  }
0x282: {  	v7 =	vsub.f32 v7, v10;
	v9 =	vsub.f32 v11, v9  }
0x283: {  	v8 =	vsub.f32 v61, v8  }
0x284: {  	v10 =	vmul.f32 v7, v5;
	v11 =	vmul.f32 v9, v4  }
0x285: {  	v12 =	vmul.f32 v8, v6  }
0x286: {  	v10 =	vadd.f32 $1.258291200e+07, v10;
	v11 =	vadd.f32 $1.258291200e+07, v11  }
0x287: {  	v12 =	vadd.f32 $1.258291200e+07, v12  }
0x288: {  	v10 =	vadd.f32 $-1.258291200e+07, v10;
	v11 =	vadd.f32 $-1.258291200e+07, v11;
	_ =	sdelay $0x1  }
0x289: {  	v12 =	vadd.f32 $-1.258291200e+07, v12;
	v10 =	vmul.f32 v10, v2;
	v11 =	vmul.f32 v11, v1;
	_ =	sdelay $0x1  }
0x28a: {  	v10 =	vsub.f32 v7, v10;
	v9 =	vsub.f32 v9, v11;
	v7 =	vmul.f32 v12, v3;
	_ =	sdelay $0x1  }
0x28b: {  	v11 =	vsub.f32 v8, v7;
	v7 =	vmul.f32 v9, v9;
	v8 =	vmul.f32 v10, v10;
	_ =	sdelay $0x1  }
0x28c: {  	v7 =	vadd.f32 v8, v7;
	v8 =	vmul.f32 v11, v11;
	_ =	sdelay $0x1  }
0x28d: {  	v7 =	vadd.f32 v8, v7;
	_ =	sdelay $0x1  }
0x28e: {  	v8 =	vshrl.u32 v7, $0x1;
	v62 =	vmul.f32 $5.000000000e-01, v7  }
0x28f: {  	v8 =	vsub.s32 $0x5F3759DF, v8  }
0x290: {  	v63 =	vmul.f32 v8, v62;
	_ =	sdelay $0x1  }
0x291: {  	v13 =	vmul.f32 v8, v63;
	_ =	sdelay $0x1  }
0x292: {  	v13 =	vsub.f32 $1.500000000e+00, v13;
	_ =	sdelay $0x1  }
0x293: {  	v8 =	vmul.f32 v8, v13;
	_ =	sdelay $0x1  }
0x294: {  	[tilespmem:s29+$0x0] =	vst v9;
	v9 =	vmul.f32 v8, v62  }
0x295: {  	s19 =	simm.s32 $0x20;
	[tilespmem:s16+$0x0] =	vst v10  }
0x296: {  	s21 =	simm.s32 $0x2;
	s22 =	simm.s32 $0xD730;
	s15 =	simm.s32 $0xC830;
	v10 =	vmov s19;
	[tilespmem:s17+$0x0] =	vst v11;
	v9 =	vmul.f32 v9, v8  }
.LBB2_12:
0x297: {  	s21 =	sadd.s32 $0x2, s21;
	v10 =	vshll.u32 v10, $0x3;
	s16 =	sadd.s32 $0x20, s16;
	s17 =	sadd.s32 $0x20, s17  }
0x298: {  	p1 =	slt.u32 s21, $0x4E;
	v10 =	vor.u32 v0, v10;
	v9 =	vsub.f32 $1.500000000e+00, v9  }
0x299: {  	v11 =	vor.u32 $0x1, v10;
	v12 =	vor.u32 $0x2, v10  }
0x29a: {  	v8 =	vmul.f32 v9, v8;
	_ =	sdelay $0x1  }
0x29b: {  	v7 =	vmul.f32 v8, v7;
	_ =	sdelay $0x1  }
0x29c: {  	[tilespmem:s18+$0x0] =	vst v7;
	s18 =	smov.u32 s22  }
0x29d: {  	v7 =	vld.idx.msk [tilespmem:v10+s12+$0x0], $0xffff  }
0x29e: {  	v8 =	vld.idx.msk [tilespmem:v10+s13+$0x0], $0xffff  }
0x29f: {  	v9 =	vld.idx.msk [tilespmem:v11+s12+$0x0], $0xffff  }
0x2a0: {  	v10 =	vld.idx.msk [tilespmem:v11+s13+$0x0], $0xffff  }
0x2a1: {  	v11 =	vld.idx.msk [tilespmem:v12+s13+$0x0], $0xffff  }
0x2a2: {  	v12 =	vld.idx.msk [tilespmem:v12+s12+$0x0], $0xffff;
	_ =	sdelay $0x1  }
0x2a3: {  	v7 =	vsub.f32 v8, v7;
	_ =	sdelay $0x1  }
0x2a4: {  	v8 =	vsub.f32 v10, v9;
	v9 =	vmul.f32 v7, v4;
	_ =	sdelay $0x1  }
0x2a5: {  	v10 =	vsub.f32 v11, v12;
	v9 =	vadd.f32 $1.258291200e+07, v9;
	v11 =	vmul.f32 v8, v5;
	_ =	sdelay $0x1  }
0x2a6: {  	v9 =	vadd.f32 $-1.258291200e+07, v9;
	v11 =	vadd.f32 $1.258291200e+07, v11;
	v12 =	vmul.f32 v10, v6;
	_ =	sdelay $0x1  }
0x2a7: {  	v11 =	vadd.f32 $-1.258291200e+07, v11;
	v12 =	vadd.f32 $1.258291200e+07, v12;
	v9 =	vmul.f32 v9, v1;
	_ =	sdelay $0x1  }
0x2a8: {  	v12 =	vadd.f32 $-1.258291200e+07, v12;
	v7 =	vsub.f32 v7, v9;
	v9 =	vmul.f32 v11, v2;
	_ =	sdelay $0x1  }
0x2a9: {  	v8 =	vsub.f32 v8, v9;
	v9 =	vmul.f32 v12, v3;
	_ =	sdelay $0x1  }
0x2aa: {  	v9 =	vsub.f32 v10, v9;
	v10 =	vmul.f32 v7, v7;
	v11 =	vmul.f32 v8, v8;
	_ =	sdelay $0x1  }
0x2ab: {  	v10 =	vadd.f32 v11, v10;
	v11 =	vmul.f32 v9, v9;
	_ =	sdelay $0x1  }
0x2ac: {  	v10 =	vadd.f32 v11, v10;
	_ =	sdelay $0x1  }
0x2ad: {  	v11 =	vshrl.u32 v10, $0x1;
	v12 =	vmul.f32 $5.000000000e-01, v10  }
0x2ae: {  	v11 =	vsub.s32 $0x5F3759DF, v11  }
0x2af: {  	v13 =	vmul.f32 v11, v12;
	_ =	sdelay $0x1  }
0x2b0: {  	v13 =	vmul.f32 v11, v13;
	_ =	sdelay $0x1  }
0x2b1: {  	v13 =	vsub.f32 $1.500000000e+00, v13;
	_ =	sdelay $0x1  }
0x2b2: {  	v11 =	vmul.f32 v11, v13;
	_ =	sdelay $0x1  }
0x2b3: {  	v12 =	vmul.f32 v11, v12;
	_ =	sdelay $0x1  }
0x2b4: {  	v12 =	vmul.f32 v12, v11  }
0x2b5: {  	s29 =	sadd.s32 $0x10, s19  }
0x2b6: {  	v13 =	vmov s29;
	v12 =	vsub.f32 $1.500000000e+00, v12  }
0x2b7: {  	v13 =	vshll.u32 v13, $0x3  }
0x2b8: {  	v11 =	vmul.f32 v12, v11;
	v12 =	vor.u32 v0, v13  }
0x2b9: {  	[tilespmem:s15+$0xFFFFFFF0] =	vst v7;
	v7 =	vor.u32 $0x1, v12  }
0x2ba: {  	v10 =	vmul.f32 v11, v10;
	[tilespmem:s16+$0xFFFFFFF0] =	vst v8  }
0x2bb: {  	[tilespmem:s17+$0xFFFFFFF0] =	vst v9  }
0x2bc: {  	v8 =	vor.u32 $0x2, v12;
	[tilespmem:s22+$0xFFFFFFF0] =	vst v10  }
0x2bd: {  	v9 =	vld.idx.msk [tilespmem:v12+s12+$0x0], $0xffff  }
0x2be: {  	v10 =	vld.idx.msk [tilespmem:v7+s12+$0x0], $0xffff  }
0x2bf: {  	v7 =	vld.idx.msk [tilespmem:v7+s13+$0x0], $0xffff  }
0x2c0: {  	v11 =	vld.idx.msk [tilespmem:v12+s13+$0x0], $0xffff  }
0x2c1: {  	v12 =	vld.idx.msk [tilespmem:v8+s13+$0x0], $0xffff  }
0x2c2: {  	v8 =	vld.idx.msk [tilespmem:v8+s12+$0x0], $0xffff;
	_ =	sdelay $0x2  }
0x2c3: {  	v7 =	vsub.f32 v7, v10  }
0x2c4: {  	v9 =	vsub.f32 v11, v9  }
0x2c5: {  	v10 =	vmul.f32 v7, v5  }
0x2c6: {  	v8 =	vsub.f32 v12, v8;
	v11 =	vmul.f32 v9, v4  }
0x2c7: {  	v10 =	vadd.f32 $1.258291200e+07, v10  }
0x2c8: {  	v11 =	vadd.f32 $1.258291200e+07, v11;
	v12 =	vmul.f32 v8, v6  }
0x2c9: {  	v10 =	vadd.f32 $-1.258291200e+07, v10  }
0x2ca: {  	v11 =	vadd.f32 $-1.258291200e+07, v11;
	v12 =	vadd.f32 $1.258291200e+07, v12  }
0x2cb: {  	v10 =	vmul.f32 v10, v2  }
0x2cc: {  	v12 =	vadd.f32 $-1.258291200e+07, v12;
	v11 =	vmul.f32 v11, v1  }
0x2cd: {  	v7 =	vsub.f32 v7, v10  }
0x2ce: {  	v9 =	vsub.f32 v9, v11;
	v10 =	vmul.f32 v12, v3;
	_ =	sdelay $0x1  }
0x2cf: {  	v11 =	vmul.f32 v7, v7;
	v8 =	vsub.f32 v8, v10;
	v10 =	vmul.f32 v9, v9;
	[tilespmem:s15+$0x0] =	vst v9  }
0x2d0: {  	[tilespmem:s16+$0x0] =	vst v7  }
0x2d1: {  	v7 =	vadd.f32 v11, v10;
	v9 =	vmul.f32 v8, v8;
	[tilespmem:s17+$0x0] =	vst v8;
	_ =	sdelay $0x1  }
0x2d2: {  	v7 =	vadd.f32 v9, v7;
	_ =	sdelay $0x1  }
0x2d3: {  	v8 =	vshrl.u32 v7, $0x1;
	v9 =	vmul.f32 $5.000000000e-01, v7  }
0x2d4: {  	v8 =	vsub.s32 $0x5F3759DF, v8  }
0x2d5: {  	v10 =	vmul.f32 v8, v9;
	_ =	sdelay $0x1  }
0x2d6: {  	v10 =	vmul.f32 v8, v10;
	_ =	sdelay $0x1  }
0x2d7: {  	v10 =	vsub.f32 $1.500000000e+00, v10;
	_ =	sdelay $0x1  }
.Ltmp11:
0x2d8: {  	v8 =	vmul.f32 v8, v10;
	(pc) =	sbr.rel @p1 .LBB2_12-.Ltmp11, $4  }
0x2d9: {  	_ = 	snop  }
0x2da: {  	v9 =	vmul.f32 v8, v9  }
0x2db: {  	s19 =	sadd.s32 $0x20, s19  }
0x2dc: {  	s22 =	sadd.s32 $0x20, s22;
	s15 =	sadd.s32 $0x20, s15;
	v10 =	vmov s19;
	v9 =	vmul.f32 v9, v8  }
0x2dd: {  	_ = 	snop  }
0x2de: {  	v9 =	vsub.f32 $1.500000000e+00, v9  }
0x2df: {  	v10 =	vshll.u32 v10, $0x3  }
0x2e0: {  	v10 =	vor.u32 v0, v10;
	v8 =	vmul.f32 v9, v8;
	_ =	sdelay $0x1  }
0x2e1: {  	v49 =	vor.u32 $0x1, v10;
	v7 =	vmul.f32 v8, v7;
	_ =	sdelay $0x1  }
0x2e2: {  	v8 =	vor.u32 $0x2, v10;
	[tilespmem:s18+$0x0] =	vst v7  }
0x2e3: {  	v7 =	vld.idx.msk [tilespmem:v10+s12+$0x0], $0xffff  }
0x2e4: {  	v10 =	vld.idx.msk [tilespmem:v10+s13+$0x0], $0xffff  }
0x2e5: {  	v11 =	vld.idx.msk [tilespmem:v49+s12+$0x0], $0xffff  }
0x2e6: {  	v9 =	vld.idx.msk [tilespmem:v49+s13+$0x0], $0xffff  }
0x2e7: {  	v12 =	vld.idx.msk [tilespmem:v8+s13+$0x0], $0xffff  }
0x2e8: {  	v8 =	vld.idx.msk [tilespmem:v8+s12+$0x0], $0xffff;
	_ =	sdelay $0x1  }
0x2e9: {  	v7 =	vsub.f32 v10, v7  }
0x2ea: {  	v9 =	vsub.f32 v9, v11  }
0x2eb: {  	v10 =	vmul.f32 v7, v4  }
0x2ec: {  	v8 =	vsub.f32 v12, v8;
	v11 =	vmul.f32 v9, v5  }
0x2ed: {  	v10 =	vadd.f32 $1.258291200e+07, v10  }
0x2ee: {  	v11 =	vadd.f32 $1.258291200e+07, v11;
	v12 =	vmul.f32 v8, v6  }
0x2ef: {  	v10 =	vadd.f32 $-1.258291200e+07, v10  }
0x2f0: {  	v11 =	vadd.f32 $-1.258291200e+07, v11;
	v12 =	vadd.f32 $1.258291200e+07, v12;
	_ =	sdelay $0x1  }
0x2f1: {  	v10 =	vmul.f32 v10, v1;
	v12 =	vadd.f32 $-1.258291200e+07, v12;
	v11 =	vmul.f32 v11, v2;
	_ =	sdelay $0x1  }
0x2f2: {  	v7 =	vsub.f32 v7, v10;
	v9 =	vsub.f32 v9, v11;
	v50 =	vmul.f32 v12, v3;
	_ =	sdelay $0x1  }
0x2f3: {  	v8 =	vsub.f32 v8, v50;
	v51 =	vmul.f32 v7, v7;
	v11 =	vmul.f32 v9, v9;
	_ =	sdelay $0x1  }
0x2f4: {  	v10 =	vadd.f32 v11, v51;
	v52 =	vmul.f32 v8, v8;
	_ =	sdelay $0x1  }
0x2f5: {  	v10 =	vadd.f32 v52, v10;
	_ =	sdelay $0x1  }
0x2f6: {  	v11 =	vshrl.u32 v10, $0x1;
	v53 =	vmul.f32 $5.000000000e-01, v10  }
0x2f7: {  	v11 =	vsub.s32 $0x5F3759DF, v11  }
0x2f8: {  	v13 =	vmul.f32 v11, v53;
	_ =	sdelay $0x1  }
0x2f9: {  	v13 =	vmul.f32 v11, v13;
	_ =	sdelay $0x1  }
0x2fa: {  	v13 =	vsub.f32 $1.500000000e+00, v13;
	_ =	sdelay $0x1  }
0x2fb: {  	v11 =	vmul.f32 v11, v13;
	_ =	sdelay $0x1  }
0x2fc: {  	v12 =	vmul.f32 v11, v53;
	_ =	sdelay $0x1  }
0x2fd: {  	v12 =	vmul.f32 v12, v11  }
0x2fe: {  	s29 =	sadd.s32 $0x10, s19  }
0x2ff: {  	v54 =	vmov s29;
	v12 =	vsub.f32 $1.500000000e+00, v12  }
0x300: {  	v13 =	vshll.u32 v54, $0x3  }
0x301: {  	v55 =	vor.u32 v0, v13;
	v11 =	vmul.f32 v12, v11  }
0x302: {  	s16 =	sadd.s32 $0x20, s16;
	[tilespmem:s15+$0xFFFFFFF0] =	vst v7;
	v7 =	vor.u32 $0x1, v55  }
0x303: {  	s17 =	sadd.s32 $0x20, s17;
	[tilespmem:s16+$0xFFFFFFF0] =	vst v9;
	v10 =	vmul.f32 v11, v10  }
0x304: {  	[tilespmem:s17+$0xFFFFFFF0] =	vst v8  }
0x305: {  	v8 =	vor.u32 $0x2, v55;
	[tilespmem:s22+$0xFFFFFFF0] =	vst v10  }
0x306: {  	v9 =	vld.idx.msk [tilespmem:v55+s12+$0x0], $0xffff  }
0x307: {  	v10 =	vld.idx.msk [tilespmem:v7+s12+$0x0], $0xffff  }
0x308: {  	v7 =	vld.idx.msk [tilespmem:v7+s13+$0x0], $0xffff  }
0x309: {  	v56 =	vld.idx.msk [tilespmem:v55+s13+$0x0], $0xffff  }
0x30a: {  	v57 =	vld.idx.msk [tilespmem:v8+s13+$0x0], $0xffff  }
0x30b: {  	v8 =	vld.idx.msk [tilespmem:v8+s12+$0x0], $0xffff;
	_ =	sdelay $0x3  }
0x30c: {  	v7 =	vsub.f32 v7, v10;
	v9 =	vsub.f32 v56, v9  }
0x30d: {  	v8 =	vsub.f32 v57, v8  }
0x30e: {  	v10 =	vmul.f32 v7, v5;
	v11 =	vmul.f32 v9, v4  }
0x30f: {  	v12 =	vmul.f32 v8, v6  }
0x310: {  	v10 =	vadd.f32 $1.258291200e+07, v10;
	v11 =	vadd.f32 $1.258291200e+07, v11  }
0x311: {  	v12 =	vadd.f32 $1.258291200e+07, v12  }
0x312: {  	v10 =	vadd.f32 $-1.258291200e+07, v10;
	v11 =	vadd.f32 $-1.258291200e+07, v11;
	_ =	sdelay $0x1  }
0x313: {  	v12 =	vadd.f32 $-1.258291200e+07, v12;
	v10 =	vmul.f32 v10, v2;
	v11 =	vmul.f32 v11, v1;
	_ =	sdelay $0x1  }
0x314: {  	v58 =	vmul.f32 v12, v3;
	v7 =	vsub.f32 v7, v10;
	v9 =	vsub.f32 v9, v11;
	_ =	sdelay $0x1  }
0x315: {  	v8 =	vsub.f32 v8, v58;
	v59 =	vmul.f32 v9, v9;
	v60 =	vmul.f32 v7, v7;
	_ =	sdelay $0x1  }
0x316: {  	v61 =	vmul.f32 v8, v8;
	v10 =	vadd.f32 v60, v59;
	_ =	sdelay $0x1  }
0x317: {  	v10 =	vadd.f32 v61, v10;
	_ =	sdelay $0x1  }
0x318: {  	v11 =	vshrl.u32 v10, $0x1;
	v62 =	vmul.f32 $5.000000000e-01, v10  }
0x319: {  	v11 =	vsub.s32 $0x5F3759DF, v11  }
0x31a: {  	v63 =	vmul.f32 v11, v62;
	_ =	sdelay $0x1  }
0x31b: {  	v13 =	vmul.f32 v11, v63;
	_ =	sdelay $0x1  }
0x31c: {  	v13 =	vsub.f32 $1.500000000e+00, v13;
	_ =	sdelay $0x1  }
0x31d: {  	v11 =	vmul.f32 v11, v13;
	_ =	sdelay $0x1  }
0x31e: {  	v12 =	vmul.f32 v11, v62;
	_ =	sdelay $0x1  }
0x31f: {  	v12 =	vmul.f32 v12, v11;
	_ =	sdelay $0x1  }
0x320: {  	v12 =	vsub.f32 $1.500000000e+00, v12;
	_ =	sdelay $0x1  }
0x321: {  	v11 =	vmul.f32 v12, v11  }
0x322: {  	[tilespmem:s15+$0x0] =	vst v9  }
0x323: {  	s18 =	smul.u32 $0xA0, s20;
	[tilespmem:s16+$0x0] =	vst v7;
	v7 =	vmul.f32 v11, v10  }
0x324: {  	[tilespmem:s17+$0x0] =	vst v8  }
0x325: {  	s21 =	simm.s32 $0xC800;
	s19 =	sadd.s32 s9, s18;
	[tilespmem:s22+$0x0] =	vst v7  }
0x326: {  	[hbm4b:s19+s6] =	stream.linear.scatter [tilespmem:s21], [sflag:$0x4], $0x500, $0x38;
	[tilespmem:$0x19FD0] =	vst v63  }
0x327: {  	s22 =	sadd.s32 s10, s18  }
0x328: {  	[hbm4b:s22+s6] =	stream.linear.scatter [tilespmem:s30], [sflag:$0x4], $0x500, $0x38;
	[tilespmem:$0x19FD0] =	vst v63  }
0x329: {  	p1 =	sgt.u32 s20, $0x1347;
	s29 =	sadd.s32 s11, s18  }
0x32a: {  	[hbm4b:s29+s6] =	stream.linear.scatter [tilespmem:s31], [sflag:$0x4], $0x500, $0x38;
	[tilespmem:$0x19FD0] =	vst v63  }
0x32b: {  	s15 =	sadd.s32 s4, s18;
	s16 =	smul.u32 @!p1 $0x500, s20  }
0x32c: {  	[hbm4b:s15+s6] =	stream.linear.scatter [tilespmem:s1], [sflag:$0x4], $0x500, $0x38;
	[tilespmem:$0x19FD0] =	vst v63  }
0x32d: {  	s15 =	sshrl.u32 @!p1 s16, $0x3  }
.Ltmp12:
0x32e: {  	s15 =	sadd.s32 @!p1 $0x2800, s15;
	(pc) =	sbr.rel .LBB2_14-.Ltmp12, $4  }
0x32f: {  	s17 =	simm.s32 @!p1 $0x0;
	s18 =	simm.s32 @!p1 $0x5A00;
	s16 =	sadd.s32 @!p1 s0, s15  }
0x330: {  	[tilespmem:s18], [sflag:$0x6] =	stream.linear.gather @!p1 [hbm4b:s16+s17], $0x500, $0x38;
	[tilespmem:$0x19FD0] =	vst v63  }
0x331: {  	s15 =	sadd.s32 @!p1 s2, s15;
	s16 =	simm.s32 @!p1 $0x5F00  }
0x332: {  	[tilespmem:s16], [sflag:$0x6] =	stream.linear.gather @!p1 [hbm4b:s15+s17], $0x500, $0x38;
	[tilespmem:$0x19FD0] =	vst v63  }
.LBB2_16:
0x333: {  	_ =	sfence.sel $0x180000  }
0x334: {  	[bflag:$0x0] =	sbarrier.arrive $0xFFFF  }
0x335: {  	_ =	strace $0x90000047  }
0x336: {  	[bflag:$0x2] =	sbarrier.arrive $0xFFFF  }
0x337: {  	s0 =	rddreg [dreg:$0x6]  }
0x338: {  	s0 =	sadd.s32 @!p0 $0x100000, s0  }
0x339: {  	[sflag:s0] =	ssyncadd.tile.s32 @!p0 $0x1;
	_ =	shalt  }
.Lfunc_end2:
_tile_overlayer_lowered:
.L_overlay_start_2:
0x33a: {  	(tag) =	ssettag $0x2  }
0x33b: {  	s0 =	rddreg [dreg:$0x0];
	s2 =	stileid.u32  }
0x33c: {  	s1 =	rddreg [dreg:$0x1];
	p0 =	sne.s32 s2, $0x0  }
0x33d: {  	s3 =	rddreg [dreg:$0x2];
	[bflag:$0x3] =	sbarrier.arrive $0xFFFF;
	s2 =	simm.s32 @!p0 $0x1C07  }
0x33e: {  	[timem:s3], [sflag:s2] =	dma.local @!p0 [hbm:s0], s1  }
0x33f: {  	s0 =	simm.s32 @!p0 $0x7  }
0x340: {  	_ =	swait.ge @!p0 [sflag:s0], s1  }
0x341: {  	s1 =	ssub.s32 @!p0 $0x0, s1;
	[sflag:s0] =	ssyncset.done @!p0 $0x0  }
0x342: {  	[sflag:s0] =	ssyncadd.s32 @!p0 s1  }
0x343: {  	[bflag:$0x3] =	sbarrier.arrive $0xFFFF  }
0x344: {  	_ =	shalt  }

</sc_bundles>
